<compile_context>
chip_gen: v7x
topology: tpu7x:2x2x1
jax: 0.10.2.dev20260603
libtpu: 0.0.44.dev20260713+nightly
codegen_flags: <defaults>
</compile_context>

<pallas_src>
import functools

import jax
import jax.numpy as jnp
from jax import lax
from jax.experimental import pallas as pl
from jax.experimental.pallas import tpu as pltpu
from jax.experimental.pallas import tpu_sc as plsc

_ROWS = 16384
_ATOMS = 200
_LANES = 16

_info = plsc.get_sparse_core_info()
_NC, _NS = _info.num_cores, _info.num_subcores
_NW = _NC * _NS
_RPW = _ROWS // _NW
_CH = 128
_NCHUNK = _RPW // _CH
_GRP = _CH // _LANES


def _body(sp_hbm, en_hbm, tab_hbm, spo_hbm, eno_hbm,
          tab_v, en_v, out_v,
          b0, b1, b2, b3, si0, si1, si2, si3, so0, so1, so2, so3):
    wid = lax.axis_index("s") * _NC + lax.axis_index("c")
    base = wid * _RPW
    bufs = (b0, b1, b2, b3)
    isems = (si0, si1, si2, si3)
    osems = (so0, so1, so2, so3)

    in_cps = [
        pltpu.async_copy(
            sp_hbm.at[:, pl.ds(base + c * _CH, _CH)], bufs[c], isems[c])
        for c in range(_NCHUNK)
    ]
    pltpu.sync_copy(tab_hbm, tab_v.at[pl.ds(0, 7)])
    pltpu.sync_copy(en_hbm.at[pl.ds(base, _RPW)], en_v)

    lane = lax.iota(jnp.int32, _LANES)
    tv = jnp.where(lane < 7, tab_v[...], 0.0)
    zero = jnp.zeros((_LANES,), jnp.float32)

    def lookup(s):
        return lax.gather(
            tv, (s & 15)[:, None],
            dimension_numbers=lax.GatherDimensionNumbers(
                offset_dims=(), collapsed_slice_dims=(0,),
                start_index_map=(0,)),
            slice_sizes=(1,),
            mode=lax.GatherScatterMode.PROMISE_IN_BOUNDS)

    out_cps = [
        pltpu.async_copy(
            sp_hbm.at[:, pl.ds(base + c * _CH, _CH)],
            spo_hbm.at[:, pl.ds(base + c * _CH, _CH)], osems[c])
        for c in range(_NCHUNK)
    ]
    for c in range(_NCHUNK):
        in_cps[c].wait()
        buf = bufs[c]

        def group(g, carry):
            c0 = pl.multiple_of(g * _LANES, _LANES)
            sl = pl.ds(c0, _LANES)

            def step(i, c2):
                a0, a1, a2, a3 = c2
                r = i * 4
                return (a0 + lookup(buf[r, sl]),
                        a1 + lookup(buf[r + 1, sl]),
                        a2 + lookup(buf[r + 2, sl]),
                        a3 + lookup(buf[r + 3, sl]))

            a0, a1, a2, a3 = lax.fori_loop(
                0, _ATOMS // 4, step, (zero, zero, zero, zero), unroll=10)
            off = pl.multiple_of(c * _CH + g * _LANES, _LANES)
            out_v[pl.ds(off, _LANES)] = (a0 + a1) + (a2 + a3)
            return carry

        lax.fori_loop(0, _GRP, group, 0)

    for i in range(_RPW // _LANES):
        sl = pl.ds(i * _LANES, _LANES)
        out_v[sl] = out_v[sl] + en_v[sl]
    pltpu.sync_copy(out_v, eno_hbm.at[pl.ds(base, _RPW)])
    for cp in out_cps:
        cp.wait()


_sc_call = functools.partial(
    pl.kernel,
    mesh=plsc.VectorSubcoreMesh(core_axis_name="c", subcore_axis_name="s"),
    compiler_params=pltpu.CompilerParams(
        needs_layout_passes=False, skip_device_barrier=True,
        disable_bounds_checks=True, disable_semaphore_checks=True),
    out_type=(
        jax.ShapeDtypeStruct((_ATOMS, _ROWS), jnp.int32),
        jax.ShapeDtypeStruct((_ROWS,), jnp.float32),
    ),
    scratch_types=(
        [pltpu.VMEM((_LANES,), jnp.float32),
         pltpu.VMEM((_RPW,), jnp.float32),
         pltpu.VMEM((_RPW,), jnp.float32)]
        + [pltpu.VMEM((_ATOMS, _CH), jnp.int32)] * _NCHUNK
        + [pltpu.SemaphoreType.DMA] * (2 * _NCHUNK)
    ),
)(_body)


def kernel(species, energies, self_energies):
    spt = jnp.asarray(species, jnp.int32).T
    spo_t, en_out = _sc_call(spt, energies.astype(jnp.float32),
                             self_energies.astype(jnp.float32))
    return (spo_t.T, en_out)

# --- scband reference (transcript-rebuilt; emitter-appended) ---
"""Pipeline reference for scband-energy-shifter-17583596110038 (READ-ONLY COPY).

The authoritative reference and input builder live on the scoring server;
editing this copy changes nothing except your own understanding.
"""

import jax, jax.numpy as jnp
import numpy as np

# wb97x-631gd GSAEs for (C, Cl, F, H, N, O, S), matching init_kwargs self_energies
SELF_ENERGIES = [-37.8338334, -460.1167006, -99.6949007, -0.4993212, -54.5732825, -75.0424519, -398.0814169]


def setup_inputs(seed: int = 0) -> dict:
    key = jax.random.key(seed)
    k1, k2 = jax.random.split(key)
    # species: long tensor (conformations, atoms), values in [0, 7) -> valid element indices
    species = jax.random.randint(k1, (16384, 200), 0, 7, dtype=jnp.int64)
    # energies: molecular energies, shape (conformations,)
    energies = jax.random.normal(k2, (16384,), dtype=jnp.float32)
    # buffer registered in __init__ (torch stores as double; jax default is f32)
    self_energies = jnp.asarray(SELF_ENERGIES, dtype=jnp.float32)
    return {"species": species, "energies": energies, "self_energies": self_energies}


def reference(species, energies, self_energies):
    # _atomic_saes: gather self energies per atom, zero out padding atoms (species == -1)
    self_atomic_energies = jnp.take(self_energies, species, axis=0)
    self_atomic_energies = jnp.where(species == -1, jnp.zeros((), dtype=self_atomic_energies.dtype), self_atomic_energies)
    # sae: sum over atoms dim -> (conformations,)
    sae = self_atomic_energies.sum(axis=1)
    # fit_intercept=False, so no intercept term
    # forward returns SpeciesEnergies(species, energies + sae)
    return (species, energies + sae)

if __name__ == "__main__":
    import jax
    _d = setup_inputs()
    print(jax.jit(kernel)(*tuple(_d.values())))

</pallas_src>

<mosaic_0001>
#map = affine_map<(d0, d1) -> (0, 0)>
#map1 = affine_map<(d0, d1) -> (0)>
module attributes {stable_mosaic.version = 14 : i64} {
  func.func @_body(%arg0: i32, %arg1: i32, %arg2: memref<200x16384xi32, #tpu.memory_space<hbm>>, %arg3: memref<16384xf32, #tpu.memory_space<hbm>>, %arg4: memref<7xf32, #tpu.memory_space<hbm>>, %arg5: memref<200x16384xi32, #tpu.memory_space<hbm>>, %arg6: memref<16384xf32, #tpu.memory_space<hbm>>, %arg7: memref<16xf32, #tpu.memory_space<vmem>>, %arg8: memref<512xf32, #tpu.memory_space<vmem>>, %arg9: memref<512xf32, #tpu.memory_space<vmem>>, %arg10: memref<200x128xi32, #tpu.memory_space<vmem>>, %arg11: memref<200x128xi32, #tpu.memory_space<vmem>>, %arg12: memref<200x128xi32, #tpu.memory_space<vmem>>, %arg13: memref<200x128xi32, #tpu.memory_space<vmem>>, %arg14: memref<!tpu.dma_semaphore, #tpu.memory_space<semaphore_mem>>, %arg15: memref<!tpu.dma_semaphore, #tpu.memory_space<semaphore_mem>>, %arg16: memref<!tpu.dma_semaphore, #tpu.memory_space<semaphore_mem>>, %arg17: memref<!tpu.dma_semaphore, #tpu.memory_space<semaphore_mem>>, %arg18: memref<!tpu.dma_semaphore, #tpu.memory_space<semaphore_mem>>, %arg19: memref<!tpu.dma_semaphore, #tpu.memory_space<semaphore_mem>>, %arg20: memref<!tpu.dma_semaphore, #tpu.memory_space<semaphore_mem>>, %arg21: memref<!tpu.dma_semaphore, #tpu.memory_space<semaphore_mem>>) attributes {dimension_semantics = [#tpu.dimension_semantics<core_parallel>, #tpu.dimension_semantics<subcore_parallel>], iteration_bounds = array<i64: 2, 16>, scalar_prefetch = 0 : i64, scratch_operands = 15 : i64, tpu.core_type = #tpu.core_type<sc_vector_subcore>, window_params = [{transform_indices = #map}, {transform_indices = #map1}, {transform_indices = #map1}, {transform_indices = #map}, {transform_indices = #map1}]} {
    %mul3A = arith.constant 2 : i32
    %mul3A_0 = arith.muli %arg1, %mul3A : i32
    %add3A = arith.addi %mul3A_0, %arg0 : i32
    %mul3A_1 = arith.constant 512 : i32
    %mul3A_2 = arith.muli %add3A, %mul3A_1 : i32
    %add3A_3 = arith.constant 0 : i32
    %add3A_4 = arith.addi %mul3A_2, %add3A_3 : i32
    %dma_start3A = arith.constant 0 : i32
    %dma_start3A_5 = tpu.memref_slice %arg2[%dma_start3A, %add3A_4] : memref<200x16384xi32, #tpu.memory_space<hbm>> -> memref<200x128xi32, #tpu.memory_space<hbm>>
    %dma_start3A_6 = arith.constant 0 : i32
    %dma_start3A_7 = tpu.memref_slice %arg2[%dma_start3A_6, %add3A_4] : memref<200x16384xi32, #tpu.memory_space<hbm>> -> memref<200x128xi32, #tpu.memory_space<hbm>>
    tpu.enqueue_dma source(%dma_start3A_7 : memref<200x128xi32, #tpu.memory_space<hbm>>) target(%arg10 : memref<200x128xi32, #tpu.memory_space<vmem>>) target_semaphore(%arg14 : memref<!tpu.dma_semaphore, #tpu.memory_space<semaphore_mem>>)
    %add3A_8 = arith.constant 128 : i32
    %add3A_9 = arith.addi %mul3A_2, %add3A_8 : i32
    %dma_start3A_10 = arith.constant 0 : i32
    %dma_start3A_11 = tpu.memref_slice %arg2[%dma_start3A_10, %add3A_9] : memref<200x16384xi32, #tpu.memory_space<hbm>> -> memref<200x128xi32, #tpu.memory_space<hbm>>
    %dma_start3A_12 = arith.constant 0 : i32
    %dma_start3A_13 = tpu.memref_slice %arg2[%dma_start3A_12, %add3A_9] : memref<200x16384xi32, #tpu.memory_space<hbm>> -> memref<200x128xi32, #tpu.memory_space<hbm>>
    tpu.enqueue_dma source(%dma_start3A_13 : memref<200x128xi32, #tpu.memory_space<hbm>>) target(%arg11 : memref<200x128xi32, #tpu.memory_space<vmem>>) target_semaphore(%arg15 : memref<!tpu.dma_semaphore, #tpu.memory_space<semaphore_mem>>)
    %add3A_14 = arith.constant 256 : i32
    %add3A_15 = arith.addi %mul3A_2, %add3A_14 : i32
    %dma_start3A_16 = arith.constant 0 : i32
    %dma_start3A_17 = tpu.memref_slice %arg2[%dma_start3A_16, %add3A_15] : memref<200x16384xi32, #tpu.memory_space<hbm>> -> memref<200x128xi32, #tpu.memory_space<hbm>>
    %dma_start3A_18 = arith.constant 0 : i32
    %dma_start3A_19 = tpu.memref_slice %arg2[%dma_start3A_18, %add3A_15] : memref<200x16384xi32, #tpu.memory_space<hbm>> -> memref<200x128xi32, #tpu.memory_space<hbm>>
    tpu.enqueue_dma source(%dma_start3A_19 : memref<200x128xi32, #tpu.memory_space<hbm>>) target(%arg12 : memref<200x128xi32, #tpu.memory_space<vmem>>) target_semaphore(%arg16 : memref<!tpu.dma_semaphore, #tpu.memory_space<semaphore_mem>>)
    %add3A_20 = arith.constant 384 : i32
    %add3A_21 = arith.addi %mul3A_2, %add3A_20 : i32
    %dma_start3A_22 = arith.constant 0 : i32
    %dma_start3A_23 = tpu.memref_slice %arg2[%dma_start3A_22, %add3A_21] : memref<200x16384xi32, #tpu.memory_space<hbm>> -> memref<200x128xi32, #tpu.memory_space<hbm>>
    %dma_start3A_24 = arith.constant 0 : i32
    %dma_start3A_25 = tpu.memref_slice %arg2[%dma_start3A_24, %add3A_21] : memref<200x16384xi32, #tpu.memory_space<hbm>> -> memref<200x128xi32, #tpu.memory_space<hbm>>
    tpu.enqueue_dma source(%dma_start3A_25 : memref<200x128xi32, #tpu.memory_space<hbm>>) target(%arg13 : memref<200x128xi32, #tpu.memory_space<vmem>>) target_semaphore(%arg17 : memref<!tpu.dma_semaphore, #tpu.memory_space<semaphore_mem>>)
    "tpu.region"() ({
      %run_scoped3A = tpu.sem_alloc : memref<!tpu.dma_semaphore, #tpu.memory_space<semaphore_mem>>
      %dma_start3A_340 = arith.constant 0 : i32
      %dma_start3A_341 = tpu.memref_slice %arg7[%dma_start3A_340] : memref<16xf32, #tpu.memory_space<vmem>> -> memref<7xf32, #tpu.memory_space<vmem>>
      %dma_start3A_342 = arith.constant 0 : i32
      %dma_start3A_343 = tpu.memref_slice %arg7[%dma_start3A_342] : memref<16xf32, #tpu.memory_space<vmem>> -> memref<7xf32, #tpu.memory_space<vmem>>
      tpu.enqueue_dma source(%arg4 : memref<7xf32, #tpu.memory_space<hbm>>) target(%dma_start3A_343 : memref<7xf32, #tpu.memory_space<vmem>>) target_semaphore(%run_scoped3A : memref<!tpu.dma_semaphore, #tpu.memory_space<semaphore_mem>>)
      %dma_wait3A_344 = arith.constant 0 : i32
      %dma_wait3A_345 = tpu.memref_slice %arg7[%dma_wait3A_344] : memref<16xf32, #tpu.memory_space<vmem>> -> memref<7xf32, #tpu.memory_space<vmem>>
      %dma_wait3A_346 = arith.constant 0 : i32
      %dma_wait3A_347 = tpu.memref_slice %arg7[%dma_wait3A_346] : memref<16xf32, #tpu.memory_space<vmem>> -> memref<7xf32, #tpu.memory_space<vmem>>
      tpu.wait_dma2 semaphore(%run_scoped3A : memref<!tpu.dma_semaphore, #tpu.memory_space<semaphore_mem>>) src(%arg4 : memref<7xf32, #tpu.memory_space<hbm>>) dst(%dma_wait3A_347 : memref<7xf32, #tpu.memory_space<vmem>>)
      tpu.yield
    }) : () -> ()
    "tpu.region"() ({
      %run_scoped3A = tpu.sem_alloc : memref<!tpu.dma_semaphore, #tpu.memory_space<semaphore_mem>>
      %dma_start3A_340 = tpu.memref_slice %arg3[%mul3A_2] : memref<16384xf32, #tpu.memory_space<hbm>> -> memref<512xf32, #tpu.memory_space<hbm>>
      %dma_start3A_341 = tpu.memref_slice %arg3[%mul3A_2] : memref<16384xf32, #tpu.memory_space<hbm>> -> memref<512xf32, #tpu.memory_space<hbm>>
      tpu.enqueue_dma source(%dma_start3A_341 : memref<512xf32, #tpu.memory_space<hbm>>) target(%arg8 : memref<512xf32, #tpu.memory_space<vmem>>) target_semaphore(%run_scoped3A : memref<!tpu.dma_semaphore, #tpu.memory_space<semaphore_mem>>)
      %dma_wait3A_342 = tpu.memref_slice %arg3[%mul3A_2] : memref<16384xf32, #tpu.memory_space<hbm>> -> memref<512xf32, #tpu.memory_space<hbm>>
      %dma_wait3A_343 = tpu.memref_slice %arg3[%mul3A_2] : memref<16384xf32, #tpu.memory_space<hbm>> -> memref<512xf32, #tpu.memory_space<hbm>>
      tpu.wait_dma2 semaphore(%run_scoped3A : memref<!tpu.dma_semaphore, #tpu.memory_space<semaphore_mem>>) src(%dma_wait3A_343 : memref<512xf32, #tpu.memory_space<hbm>>) dst(%arg8 : memref<512xf32, #tpu.memory_space<vmem>>)
      tpu.yield
    }) : () -> ()
    %iota3A = tpu.iota {dimensions = array<i32: 0>} : vector<16xi32>
    %lt3A = arith.constant 7 : i32
    %lt3A_26 = vector.broadcast %lt3A : i32 to vector<16xi32>
    %lt3A_27 = arith.cmpi slt, %iota3A, %lt3A_26 : vector<16xi32>
    %get3A = arith.constant 0 : index
    %get3A_28 = tpu.vector_load %arg7[%get3A] {strides = array<i32>} : memref<16xf32, #tpu.memory_space<vmem>>, vector<16xf32>,
    %jit3A = arith.constant 0.000000e+00 : f32
    %broadcast_in_dim3A = vector.broadcast %jit3A : f32 to vector<16xf32>
    %select_n3A = arith.select %lt3A_27, %get3A_28, %broadcast_in_dim3A : vector<16xi1>, vector<16xf32>
    %broadcast_in_dim3A_29 = arith.constant 0.000000e+00 : f32
    %broadcast_in_dim3A_30 = vector.broadcast %broadcast_in_dim3A_29 : f32 to vector<16xf32>
    %add3A_31 = arith.constant 0 : i32
    %add3A_32 = arith.addi %mul3A_2, %add3A_31 : i32
    %add3A_33 = arith.constant 0 : i32
    %add3A_34 = arith.addi %mul3A_2, %add3A_33 : i32
    %dma_start3A_35 = arith.constant 0 : i32
    %dma_start3A_36 = tpu.memref_slice %arg5[%dma_start3A_35, %add3A_34] : memref<200x16384xi32, #tpu.memory_space<hbm>> -> memref<200x128xi32, #tpu.memory_space<hbm>>
    %dma_start3A_37 = arith.constant 0 : i32
    %dma_start3A_38 = tpu.memref_slice %arg2[%dma_start3A_37, %add3A_32] : memref<200x16384xi32, #tpu.memory_space<hbm>> -> memref<200x128xi32, #tpu.memory_space<hbm>>
    tpu.enqueue_dma source(%dma_start3A_38 : memref<200x128xi32, #tpu.memory_space<hbm>>) target(%dma_start3A_36 : memref<200x128xi32, #tpu.memory_space<hbm>>) target_semaphore(%arg18 : memref<!tpu.dma_semaphore, #tpu.memory_space<semaphore_mem>>)
    %add3A_39 = arith.constant 128 : i32
    %add3A_40 = arith.addi %mul3A_2, %add3A_39 : i32
    %add3A_41 = arith.constant 128 : i32
    %add3A_42 = arith.addi %mul3A_2, %add3A_41 : i32
    %dma_start3A_43 = arith.constant 0 : i32
    %dma_start3A_44 = tpu.memref_slice %arg5[%dma_start3A_43, %add3A_42] : memref<200x16384xi32, #tpu.memory_space<hbm>> -> memref<200x128xi32, #tpu.memory_space<hbm>>
    %dma_start3A_45 = arith.constant 0 : i32
    %dma_start3A_46 = tpu.memref_slice %arg2[%dma_start3A_45, %add3A_40] : memref<200x16384xi32, #tpu.memory_space<hbm>> -> memref<200x128xi32, #tpu.memory_space<hbm>>
    tpu.enqueue_dma source(%dma_start3A_46 : memref<200x128xi32, #tpu.memory_space<hbm>>) target(%dma_start3A_44 : memref<200x128xi32, #tpu.memory_space<hbm>>) target_semaphore(%arg19 : memref<!tpu.dma_semaphore, #tpu.memory_space<semaphore_mem>>)
    %add3A_47 = arith.constant 256 : i32
    %add3A_48 = arith.addi %mul3A_2, %add3A_47 : i32
    %add3A_49 = arith.constant 256 : i32
    %add3A_50 = arith.addi %mul3A_2, %add3A_49 : i32
    %dma_start3A_51 = arith.constant 0 : i32
    %dma_start3A_52 = tpu.memref_slice %arg5[%dma_start3A_51, %add3A_50] : memref<200x16384xi32, #tpu.memory_space<hbm>> -> memref<200x128xi32, #tpu.memory_space<hbm>>
    %dma_start3A_53 = arith.constant 0 : i32
    %dma_start3A_54 = tpu.memref_slice %arg2[%dma_start3A_53, %add3A_48] : memref<200x16384xi32, #tpu.memory_space<hbm>> -> memref<200x128xi32, #tpu.memory_space<hbm>>
    tpu.enqueue_dma source(%dma_start3A_54 : memref<200x128xi32, #tpu.memory_space<hbm>>) target(%dma_start3A_52 : memref<200x128xi32, #tpu.memory_space<hbm>>) target_semaphore(%arg20 : memref<!tpu.dma_semaphore, #tpu.memory_space<semaphore_mem>>)
    %add3A_55 = arith.constant 384 : i32
    %add3A_56 = arith.addi %mul3A_2, %add3A_55 : i32
    %add3A_57 = arith.constant 384 : i32
    %add3A_58 = arith.addi %mul3A_2, %add3A_57 : i32
    %dma_start3A_59 = arith.constant 0 : i32
    %dma_start3A_60 = tpu.memref_slice %arg5[%dma_start3A_59, %add3A_58] : memref<200x16384xi32, #tpu.memory_space<hbm>> -> memref<200x128xi32, #tpu.memory_space<hbm>>
    %dma_start3A_61 = arith.constant 0 : i32
    %dma_start3A_62 = tpu.memref_slice %arg2[%dma_start3A_61, %add3A_56] : memref<200x16384xi32, #tpu.memory_space<hbm>> -> memref<200x128xi32, #tpu.memory_space<hbm>>
    tpu.enqueue_dma source(%dma_start3A_62 : memref<200x128xi32, #tpu.memory_space<hbm>>) target(%dma_start3A_60 : memref<200x128xi32, #tpu.memory_space<hbm>>) target_semaphore(%arg21 : memref<!tpu.dma_semaphore, #tpu.memory_space<semaphore_mem>>)
    %dma_wait3A = arith.constant 0 : i32
    %dma_wait3A_63 = tpu.memref_slice %arg2[%dma_wait3A, %add3A_4] : memref<200x16384xi32, #tpu.memory_space<hbm>> -> memref<200x128xi32, #tpu.memory_space<hbm>>
    %dma_wait3A_64 = arith.constant 0 : i32
    %dma_wait3A_65 = tpu.memref_slice %arg2[%dma_wait3A_64, %add3A_4] : memref<200x16384xi32, #tpu.memory_space<hbm>> -> memref<200x128xi32, #tpu.memory_space<hbm>>
    tpu.wait_dma2 semaphore(%arg14 : memref<!tpu.dma_semaphore, #tpu.memory_space<semaphore_mem>>) src(%dma_wait3A_65 : memref<200x128xi32, #tpu.memory_space<hbm>>) dst(%arg10 : memref<200x128xi32, #tpu.memory_space<vmem>>)
    %scan3A = arith.constant 0 : i32
    %scan3A_66 = arith.constant 0 : i32
    %scan3A_67 = arith.constant 8 : i32
    %scan3A_68 = arith.addi %scan3A_66, %scan3A_67 : i32
    %scan3A_69 = arith.constant 1 : i32
    scf.for %scan3A_340 = %scan3A_66 to %scan3A_68 step %scan3A_69  : i32 {
      %mul3A_341 = arith.constant 16 : i32
      %mul3A_342 = arith.muli %scan3A_340, %mul3A_341 : i32
      %multiple_of3A = tpu.assume_multiple %mul3A_342, 16 : i32
      %scan3A_343 = arith.constant 0 : i32
      %scan3A_344 = arith.constant 50 : i32
      %scan3A_345 = arith.addi %scan3A_343, %scan3A_344 : i32
      %scan3A_346 = arith.constant 10 : i32
      %scan3A_347:4 = scf.for %scan3A_359 = %scan3A_343 to %scan3A_345 step %scan3A_346 iter_args(%scan3A_360 = %broadcast_in_dim3A_30, %scan3A_361 = %broadcast_in_dim3A_30, %scan3A_362 = %broadcast_in_dim3A_30, %scan3A_363 = %broadcast_in_dim3A_30) -> (vector<16xf32>, vector<16xf32>, vector<16xf32>, vector<16xf32>)  : i32 {
        %mul3A_364 = arith.constant 4 : i32
        %mul3A_365 = arith.muli %scan3A_359, %mul3A_364 : i32
        %get3A_366 = arith.index_cast %mul3A_365 : i32 to index
        %get3A_367 = arith.index_cast %multiple_of3A : i32 to index
        %get3A_368 = tpu.vector_load %arg10[%get3A_366, %get3A_367] {strides = array<i32>} : memref<200x128xi32, #tpu.memory_space<vmem>>, vector<16xi32>,
        %and3A = arith.constant 15 : i32
        %and3A_369 = vector.broadcast %and3A : i32 to vector<16xi32>
        %and3A_370 = arith.andi %get3A_368, %and3A_369 : vector<16xi32>
        %broadcast_in_dim3A_371 = vector.shape_cast %and3A_370 : vector<16xi32> to vector<16x1xi32>
        %gather3A = vector.shape_cast %broadcast_in_dim3A_371 : vector<16x1xi32> to vector<16xi32>
        %gather3A_372 = tpu.dynamic_gather %select_n3A[%gather3A] in [0] : vector<16xf32>, vector<16xi32> -> vector<16xf32>
        %add3A_373 = arith.addf %scan3A_360, %gather3A_372 : vector<16xf32>
        %add3A_374 = arith.constant 1 : i32
        %add3A_375 = arith.addi %mul3A_365, %add3A_374 : i32
        %get3A_376 = arith.index_cast %add3A_375 : i32 to index
        %get3A_377 = arith.index_cast %multiple_of3A : i32 to index
        %get3A_378 = tpu.vector_load %arg10[%get3A_376, %get3A_377] {strides = array<i32>} : memref<200x128xi32, #tpu.memory_space<vmem>>, vector<16xi32>,
        %and3A_379 = arith.constant 15 : i32
        %and3A_380 = vector.broadcast %and3A_379 : i32 to vector<16xi32>
        %and3A_381 = arith.andi %get3A_378, %and3A_380 : vector<16xi32>
        %broadcast_in_dim3A_382 = vector.shape_cast %and3A_381 : vector<16xi32> to vector<16x1xi32>
        %gather3A_383 = vector.shape_cast %broadcast_in_dim3A_382 : vector<16x1xi32> to vector<16xi32>
        %gather3A_384 = tpu.dynamic_gather %select_n3A[%gather3A_383] in [0] : vector<16xf32>, vector<16xi32> -> vector<16xf32>
        %add3A_385 = arith.addf %scan3A_361, %gather3A_384 : vector<16xf32>
        %add3A_386 = arith.constant 2 : i32
        %add3A_387 = arith.addi %mul3A_365, %add3A_386 : i32
        %get3A_388 = arith.index_cast %add3A_387 : i32 to index
        %get3A_389 = arith.index_cast %multiple_of3A : i32 to index
        %get3A_390 = tpu.vector_load %arg10[%get3A_388, %get3A_389] {strides = array<i32>} : memref<200x128xi32, #tpu.memory_space<vmem>>, vector<16xi32>,
        %and3A_391 = arith.constant 15 : i32
        %and3A_392 = vector.broadcast %and3A_391 : i32 to vector<16xi32>
        %and3A_393 = arith.andi %get3A_390, %and3A_392 : vector<16xi32>
        %broadcast_in_dim3A_394 = vector.shape_cast %and3A_393 : vector<16xi32> to vector<16x1xi32>
        %gather3A_395 = vector.shape_cast %broadcast_in_dim3A_394 : vector<16x1xi32> to vector<16xi32>
        %gather3A_396 = tpu.dynamic_gather %select_n3A[%gather3A_395] in [0] : vector<16xf32>, vector<16xi32> -> vector<16xf32>
        %add3A_397 = arith.addf %scan3A_362, %gather3A_396 : vector<16xf32>
        %add3A_398 = arith.constant 3 : i32
        %add3A_399 = arith.addi %mul3A_365, %add3A_398 : i32
        %get3A_400 = arith.index_cast %add3A_399 : i32 to index
        %get3A_401 = arith.index_cast %multiple_of3A : i32 to index
        %get3A_402 = tpu.vector_load %arg10[%get3A_400, %get3A_401] {strides = array<i32>} : memref<200x128xi32, #tpu.memory_space<vmem>>, vector<16xi32>,
        %and3A_403 = arith.constant 15 : i32
        %and3A_404 = vector.broadcast %and3A_403 : i32 to vector<16xi32>
        %and3A_405 = arith.andi %get3A_402, %and3A_404 : vector<16xi32>
        %broadcast_in_dim3A_406 = vector.shape_cast %and3A_405 : vector<16xi32> to vector<16x1xi32>
        %gather3A_407 = vector.shape_cast %broadcast_in_dim3A_406 : vector<16x1xi32> to vector<16xi32>
        %gather3A_408 = tpu.dynamic_gather %select_n3A[%gather3A_407] in [0] : vector<16xf32>, vector<16xi32> -> vector<16xf32>
        %add3A_409 = arith.addf %scan3A_363, %gather3A_408 : vector<16xf32>
        %scan3A_410 = arith.constant 1 : i32
        %scan3A_411 = arith.addi %scan3A_359, %scan3A_410 : i32
        %mul3A_412 = arith.constant 4 : i32
        %mul3A_413 = arith.muli %scan3A_411, %mul3A_412 : i32
        %get3A_414 = arith.index_cast %mul3A_413 : i32 to index
        %get3A_415 = arith.index_cast %multiple_of3A : i32 to index
        %get3A_416 = tpu.vector_load %arg10[%get3A_414, %get3A_415] {strides = array<i32>} : memref<200x128xi32, #tpu.memory_space<vmem>>, vector<16xi32>,
        %and3A_417 = arith.constant 15 : i32
        %and3A_418 = vector.broadcast %and3A_417 : i32 to vector<16xi32>
        %and3A_419 = arith.andi %get3A_416, %and3A_418 : vector<16xi32>
        %broadcast_in_dim3A_420 = vector.shape_cast %and3A_419 : vector<16xi32> to vector<16x1xi32>
        %gather3A_421 = vector.shape_cast %broadcast_in_dim3A_420 : vector<16x1xi32> to vector<16xi32>
        %gather3A_422 = tpu.dynamic_gather %select_n3A[%gather3A_421] in [0] : vector<16xf32>, vector<16xi32> -> vector<16xf32>
        %add3A_423 = arith.addf %add3A_373, %gather3A_422 : vector<16xf32>
        %add3A_424 = arith.constant 1 : i32
        %add3A_425 = arith.addi %mul3A_413, %add3A_424 : i32
        %get3A_426 = arith.index_cast %add3A_425 : i32 to index
        %get3A_427 = arith.index_cast %multiple_of3A : i32 to index
        %get3A_428 = tpu.vector_load %arg10[%get3A_426, %get3A_427] {strides = array<i32>} : memref<200x128xi32, #tpu.memory_space<vmem>>, vector<16xi32>,
        %and3A_429 = arith.constant 15 : i32
        %and3A_430 = vector.broadcast %and3A_429 : i32 to vector<16xi32>
        %and3A_431 = arith.andi %get3A_428, %and3A_430 : vector<16xi32>
        %broadcast_in_dim3A_432 = vector.shape_cast %and3A_431 : vector<16xi32> to vector<16x1xi32>
        %gather3A_433 = vector.shape_cast %broadcast_in_dim3A_432 : vector<16x1xi32> to vector<16xi32>
        %gather3A_434 = tpu.dynamic_gather %select_n3A[%gather3A_433] in [0] : vector<16xf32>, vector<16xi32> -> vector<16xf32>
        %add3A_435 = arith.addf %add3A_385, %gather3A_434 : vector<16xf32>
        %add3A_436 = arith.constant 2 : i32
        %add3A_437 = arith.addi %mul3A_413, %add3A_436 : i32
        %get3A_438 = arith.index_cast %add3A_437 : i32 to index
        %get3A_439 = arith.index_cast %multiple_of3A : i32 to index
        %get3A_440 = tpu.vector_load %arg10[%get3A_438, %get3A_439] {strides = array<i32>} : memref<200x128xi32, #tpu.memory_space<vmem>>, vector<16xi32>,
        %and3A_441 = arith.constant 15 : i32
        %and3A_442 = vector.broadcast %and3A_441 : i32 to vector<16xi32>
        %and3A_443 = arith.andi %get3A_440, %and3A_442 : vector<16xi32>
        %broadcast_in_dim3A_444 = vector.shape_cast %and3A_443 : vector<16xi32> to vector<16x1xi32>
        %gather3A_445 = vector.shape_cast %broadcast_in_dim3A_444 : vector<16x1xi32> to vector<16xi32>
        %gather3A_446 = tpu.dynamic_gather %select_n3A[%gather3A_445] in [0] : vector<16xf32>, vector<16xi32> -> vector<16xf32>
        %add3A_447 = arith.addf %add3A_397, %gather3A_446 : vector<16xf32>
        %add3A_448 = arith.constant 3 : i32
        %add3A_449 = arith.addi %mul3A_413, %add3A_448 : i32
        %get3A_450 = arith.index_cast %add3A_449 : i32 to index
        %get3A_451 = arith.index_cast %multiple_of3A : i32 to index
        %get3A_452 = tpu.vector_load %arg10[%get3A_450, %get3A_451] {strides = array<i32>} : memref<200x128xi32, #tpu.memory_space<vmem>>, vector<16xi32>,
        %and3A_453 = arith.constant 15 : i32
        %and3A_454 = vector.broadcast %and3A_453 : i32 to vector<16xi32>
        %and3A_455 = arith.andi %get3A_452, %and3A_454 : vector<16xi32>
        %broadcast_in_dim3A_456 = vector.shape_cast %and3A_455 : vector<16xi32> to vector<16x1xi32>
        %gather3A_457 = vector.shape_cast %broadcast_in_dim3A_456 : vector<16x1xi32> to vector<16xi32>
        %gather3A_458 = tpu.dynamic_gather %select_n3A[%gather3A_457] in [0] : vector<16xf32>, vector<16xi32> -> vector<16xf32>
        %add3A_459 = arith.addf %add3A_409, %gather3A_458 : vector<16xf32>
        %scan3A_460 = arith.constant 2 : i32
        %scan3A_461 = arith.addi %scan3A_359, %scan3A_460 : i32
        %mul3A_462 = arith.constant 4 : i32
        %mul3A_463 = arith.muli %scan3A_461, %mul3A_462 : i32
        %get3A_464 = arith.index_cast %mul3A_463 : i32 to index
        %get3A_465 = arith.index_cast %multiple_of3A : i32 to index
        %get3A_466 = tpu.vector_load %arg10[%get3A_464, %get3A_465] {strides = array<i32>} : memref<200x128xi32, #tpu.memory_space<vmem>>, vector<16xi32>,
        %and3A_467 = arith.constant 15 : i32
        %and3A_468 = vector.broadcast %and3A_467 : i32 to vector<16xi32>
        %and3A_469 = arith.andi %get3A_466, %and3A_468 : vector<16xi32>
        %broadcast_in_dim3A_470 = vector.shape_cast %and3A_469 : vector<16xi32> to vector<16x1xi32>
        %gather3A_471 = vector.shape_cast %broadcast_in_dim3A_470 : vector<16x1xi32> to vector<16xi32>
        %gather3A_472 = tpu.dynamic_gather %select_n3A[%gather3A_471] in [0] : vector<16xf32>, vector<16xi32> -> vector<16xf32>
        %add3A_473 = arith.addf %add3A_423, %gather3A_472 : vector<16xf32>
        %add3A_474 = arith.constant 1 : i32
        %add3A_475 = arith.addi %mul3A_463, %add3A_474 : i32
        %get3A_476 = arith.index_cast %add3A_475 : i32 to index
        %get3A_477 = arith.index_cast %multiple_of3A : i32 to index
        %get3A_478 = tpu.vector_load %arg10[%get3A_476, %get3A_477] {strides = array<i32>} : memref<200x128xi32, #tpu.memory_space<vmem>>, vector<16xi32>,
        %and3A_479 = arith.constant 15 : i32
        %and3A_480 = vector.broadcast %and3A_479 : i32 to vector<16xi32>
        %and3A_481 = arith.andi %get3A_478, %and3A_480 : vector<16xi32>
        %broadcast_in_dim3A_482 = vector.shape_cast %and3A_481 : vector<16xi32> to vector<16x1xi32>
        %gather3A_483 = vector.shape_cast %broadcast_in_dim3A_482 : vector<16x1xi32> to vector<16xi32>
        %gather3A_484 = tpu.dynamic_gather %select_n3A[%gather3A_483] in [0] : vector<16xf32>, vector<16xi32> -> vector<16xf32>
        %add3A_485 = arith.addf %add3A_435, %gather3A_484 : vector<16xf32>
        %add3A_486 = arith.constant 2 : i32
        %add3A_487 = arith.addi %mul3A_463, %add3A_486 : i32
        %get3A_488 = arith.index_cast %add3A_487 : i32 to index
        %get3A_489 = arith.index_cast %multiple_of3A : i32 to index
        %get3A_490 = tpu.vector_load %arg10[%get3A_488, %get3A_489] {strides = array<i32>} : memref<200x128xi32, #tpu.memory_space<vmem>>, vector<16xi32>,
        %and3A_491 = arith.constant 15 : i32
        %and3A_492 = vector.broadcast %and3A_491 : i32 to vector<16xi32>
        %and3A_493 = arith.andi %get3A_490, %and3A_492 : vector<16xi32>
        %broadcast_in_dim3A_494 = vector.shape_cast %and3A_493 : vector<16xi32> to vector<16x1xi32>
        %gather3A_495 = vector.shape_cast %broadcast_in_dim3A_494 : vector<16x1xi32> to vector<16xi32>
        %gather3A_496 = tpu.dynamic_gather %select_n3A[%gather3A_495] in [0] : vector<16xf32>, vector<16xi32> -> vector<16xf32>
        %add3A_497 = arith.addf %add3A_447, %gather3A_496 : vector<16xf32>
        %add3A_498 = arith.constant 3 : i32
        %add3A_499 = arith.addi %mul3A_463, %add3A_498 : i32
        %get3A_500 = arith.index_cast %add3A_499 : i32 to index
        %get3A_501 = arith.index_cast %multiple_of3A : i32 to index
        %get3A_502 = tpu.vector_load %arg10[%get3A_500, %get3A_501] {strides = array<i32>} : memref<200x128xi32, #tpu.memory_space<vmem>>, vector<16xi32>,
        %and3A_503 = arith.constant 15 : i32
        %and3A_504 = vector.broadcast %and3A_503 : i32 to vector<16xi32>
        %and3A_505 = arith.andi %get3A_502, %and3A_504 : vector<16xi32>
        %broadcast_in_dim3A_506 = vector.shape_cast %and3A_505 : vector<16xi32> to vector<16x1xi32>
        %gather3A_507 = vector.shape_cast %broadcast_in_dim3A_506 : vector<16x1xi32> to vector<16xi32>
        %gather3A_508 = tpu.dynamic_gather %select_n3A[%gather3A_507] in [0] : vector<16xf32>, vector<16xi32> -> vector<16xf32>
        %add3A_509 = arith.addf %add3A_459, %gather3A_508 : vector<16xf32>
        %scan3A_510 = arith.constant 3 : i32
        %scan3A_511 = arith.addi %scan3A_359, %scan3A_510 : i32
        %mul3A_512 = arith.constant 4 : i32
        %mul3A_513 = arith.muli %scan3A_511, %mul3A_512 : i32
        %get3A_514 = arith.index_cast %mul3A_513 : i32 to index
        %get3A_515 = arith.index_cast %multiple_of3A : i32 to index
        %get3A_516 = tpu.vector_load %arg10[%get3A_514, %get3A_515] {strides = array<i32>} : memref<200x128xi32, #tpu.memory_space<vmem>>, vector<16xi32>,
        %and3A_517 = arith.constant 15 : i32
        %and3A_518 = vector.broadcast %and3A_517 : i32 to vector<16xi32>
        %and3A_519 = arith.andi %get3A_516, %and3A_518 : vector<16xi32>
        %broadcast_in_dim3A_520 = vector.shape_cast %and3A_519 : vector<16xi32> to vector<16x1xi32>
        %gather3A_521 = vector.shape_cast %broadcast_in_dim3A_520 : vector<16x1xi32> to vector<16xi32>
        %gather3A_522 = tpu.dynamic_gather %select_n3A[%gather3A_521] in [0] : vector<16xf32>, vector<16xi32> -> vector<16xf32>
        %add3A_523 = arith.addf %add3A_473, %gather3A_522 : vector<16xf32>
        %add3A_524 = arith.constant 1 : i32
        %add3A_525 = arith.addi %mul3A_513, %add3A_524 : i32
        %get3A_526 = arith.index_cast %add3A_525 : i32 to index
        %get3A_527 = arith.index_cast %multiple_of3A : i32 to index
        %get3A_528 = tpu.vector_load %arg10[%get3A_526, %get3A_527] {strides = array<i32>} : memref<200x128xi32, #tpu.memory_space<vmem>>, vector<16xi32>,
        %and3A_529 = arith.constant 15 : i32
        %and3A_530 = vector.broadcast %and3A_529 : i32 to vector<16xi32>
        %and3A_531 = arith.andi %get3A_528, %and3A_530 : vector<16xi32>
        %broadcast_in_dim3A_532 = vector.shape_cast %and3A_531 : vector<16xi32> to vector<16x1xi32>
        %gather3A_533 = vector.shape_cast %broadcast_in_dim3A_532 : vector<16x1xi32> to vector<16xi32>
        %gather3A_534 = tpu.dynamic_gather %select_n3A[%gather3A_533] in [0] : vector<16xf32>, vector<16xi32> -> vector<16xf32>
        %add3A_535 = arith.addf %add3A_485, %gather3A_534 : vector<16xf32>
        %add3A_536 = arith.constant 2 : i32
        %add3A_537 = arith.addi %mul3A_513, %add3A_536 : i32
        %get3A_538 = arith.index_cast %add3A_537 : i32 to index
        %get3A_539 = arith.index_cast %multiple_of3A : i32 to index
        %get3A_540 = tpu.vector_load %arg10[%get3A_538, %get3A_539] {strides = array<i32>} : memref<200x128xi32, #tpu.memory_space<vmem>>, vector<16xi32>,
        %and3A_541 = arith.constant 15 : i32
        %and3A_542 = vector.broadcast %and3A_541 : i32 to vector<16xi32>
        %and3A_543 = arith.andi %get3A_540, %and3A_542 : vector<16xi32>
        %broadcast_in_dim3A_544 = vector.shape_cast %and3A_543 : vector<16xi32> to vector<16x1xi32>
        %gather3A_545 = vector.shape_cast %broadcast_in_dim3A_544 : vector<16x1xi32> to vector<16xi32>
        %gather3A_546 = tpu.dynamic_gather %select_n3A[%gather3A_545] in [0] : vector<16xf32>, vector<16xi32> -> vector<16xf32>
        %add3A_547 = arith.addf %add3A_497, %gather3A_546 : vector<16xf32>
        %add3A_548 = arith.constant 3 : i32
        %add3A_549 = arith.addi %mul3A_513, %add3A_548 : i32
        %get3A_550 = arith.index_cast %add3A_549 : i32 to index
        %get3A_551 = arith.index_cast %multiple_of3A : i32 to index
        %get3A_552 = tpu.vector_load %arg10[%get3A_550, %get3A_551] {strides = array<i32>} : memref<200x128xi32, #tpu.memory_space<vmem>>, vector<16xi32>,
        %and3A_553 = arith.constant 15 : i32
        %and3A_554 = vector.broadcast %and3A_553 : i32 to vector<16xi32>
        %and3A_555 = arith.andi %get3A_552, %and3A_554 : vector<16xi32>
        %broadcast_in_dim3A_556 = vector.shape_cast %and3A_555 : vector<16xi32> to vector<16x1xi32>
        %gather3A_557 = vector.shape_cast %broadcast_in_dim3A_556 : vector<16x1xi32> to vector<16xi32>
        %gather3A_558 = tpu.dynamic_gather %select_n3A[%gather3A_557] in [0] : vector<16xf32>, vector<16xi32> -> vector<16xf32>
        %add3A_559 = arith.addf %add3A_509, %gather3A_558 : vector<16xf32>
        %scan3A_560 = arith.constant 4 : i32
        %scan3A_561 = arith.addi %scan3A_359, %scan3A_560 : i32
        %mul3A_562 = arith.constant 4 : i32
        %mul3A_563 = arith.muli %scan3A_561, %mul3A_562 : i32
        %get3A_564 = arith.index_cast %mul3A_563 : i32 to index
        %get3A_565 = arith.index_cast %multiple_of3A : i32 to index
        %get3A_566 = tpu.vector_load %arg10[%get3A_564, %get3A_565] {strides = array<i32>} : memref<200x128xi32, #tpu.memory_space<vmem>>, vector<16xi32>,
        %and3A_567 = arith.constant 15 : i32
        %and3A_568 = vector.broadcast %and3A_567 : i32 to vector<16xi32>
        %and3A_569 = arith.andi %get3A_566, %and3A_568 : vector<16xi32>
        %broadcast_in_dim3A_570 = vector.shape_cast %and3A_569 : vector<16xi32> to vector<16x1xi32>
        %gather3A_571 = vector.shape_cast %broadcast_in_dim3A_570 : vector<16x1xi32> to vector<16xi32>
        %gather3A_572 = tpu.dynamic_gather %select_n3A[%gather3A_571] in [0] : vector<16xf32>, vector<16xi32> -> vector<16xf32>
        %add3A_573 = arith.addf %add3A_523, %gather3A_572 : vector<16xf32>
        %add3A_574 = arith.constant 1 : i32
        %add3A_575 = arith.addi %mul3A_563, %add3A_574 : i32
        %get3A_576 = arith.index_cast %add3A_575 : i32 to index
        %get3A_577 = arith.index_cast %multiple_of3A : i32 to index
        %get3A_578 = tpu.vector_load %arg10[%get3A_576, %get3A_577] {strides = array<i32>} : memref<200x128xi32, #tpu.memory_space<vmem>>, vector<16xi32>,
        %and3A_579 = arith.constant 15 : i32
        %and3A_580 = vector.broadcast %and3A_579 : i32 to vector<16xi32>
        %and3A_581 = arith.andi %get3A_578, %and3A_580 : vector<16xi32>
        %broadcast_in_dim3A_582 = vector.shape_cast %and3A_581 : vector<16xi32> to vector<16x1xi32>
        %gather3A_583 = vector.shape_cast %broadcast_in_dim3A_582 : vector<16x1xi32> to vector<16xi32>
        %gather3A_584 = tpu.dynamic_gather %select_n3A[%gather3A_583] in [0] : vector<16xf32>, vector<16xi32> -> vector<16xf32>
        %add3A_585 = arith.addf %add3A_535, %gather3A_584 : vector<16xf32>
        %add3A_586 = arith.constant 2 : i32
        %add3A_587 = arith.addi %mul3A_563, %add3A_586 : i32
        %get3A_588 = arith.index_cast %add3A_587 : i32 to index
        %get3A_589 = arith.index_cast %multiple_of3A : i32 to index
        %get3A_590 = tpu.vector_load %arg10[%get3A_588, %get3A_589] {strides = array<i32>} : memref<200x128xi32, #tpu.memory_space<vmem>>, vector<16xi32>,
        %and3A_591 = arith.constant 15 : i32
        %and3A_592 = vector.broadcast %and3A_591 : i32 to vector<16xi32>
        %and3A_593 = arith.andi %get3A_590, %and3A_592 : vector<16xi32>
        %broadcast_in_dim3A_594 = vector.shape_cast %and3A_593 : vector<16xi32> to vector<16x1xi32>
        %gather3A_595 = vector.shape_cast %broadcast_in_dim3A_594 : vector<16x1xi32> to vector<16xi32>
        %gather3A_596 = tpu.dynamic_gather %select_n3A[%gather3A_595] in [0] : vector<16xf32>, vector<16xi32> -> vector<16xf32>
        %add3A_597 = arith.addf %add3A_547, %gather3A_596 : vector<16xf32>
        %add3A_598 = arith.constant 3 : i32
        %add3A_599 = arith.addi %mul3A_563, %add3A_598 : i32
        %get3A_600 = arith.index_cast %add3A_599 : i32 to index
        %get3A_601 = arith.index_cast %multiple_of3A : i32 to index
        %get3A_602 = tpu.vector_load %arg10[%get3A_600, %get3A_601] {strides = array<i32>} : memref<200x128xi32, #tpu.memory_space<vmem>>, vector<16xi32>,
        %and3A_603 = arith.constant 15 : i32
        %and3A_604 = vector.broadcast %and3A_603 : i32 to vector<16xi32>
        %and3A_605 = arith.andi %get3A_602, %and3A_604 : vector<16xi32>
        %broadcast_in_dim3A_606 = vector.shape_cast %and3A_605 : vector<16xi32> to vector<16x1xi32>
        %gather3A_607 = vector.shape_cast %broadcast_in_dim3A_606 : vector<16x1xi32> to vector<16xi32>
        %gather3A_608 = tpu.dynamic_gather %select_n3A[%gather3A_607] in [0] : vector<16xf32>, vector<16xi32> -> vector<16xf32>
        %add3A_609 = arith.addf %add3A_559, %gather3A_608 : vector<16xf32>
        %scan3A_610 = arith.constant 5 : i32
        %scan3A_611 = arith.addi %scan3A_359, %scan3A_610 : i32
        %mul3A_612 = arith.constant 4 : i32
        %mul3A_613 = arith.muli %scan3A_611, %mul3A_612 : i32
        %get3A_614 = arith.index_cast %mul3A_613 : i32 to index
        %get3A_615 = arith.index_cast %multiple_of3A : i32 to index
        %get3A_616 = tpu.vector_load %arg10[%get3A_614, %get3A_615] {strides = array<i32>} : memref<200x128xi32, #tpu.memory_space<vmem>>, vector<16xi32>,
        %and3A_617 = arith.constant 15 : i32
        %and3A_618 = vector.broadcast %and3A_617 : i32 to vector<16xi32>
        %and3A_619 = arith.andi %get3A_616, %and3A_618 : vector<16xi32>
        %broadcast_in_dim3A_620 = vector.shape_cast %and3A_619 : vector<16xi32> to vector<16x1xi32>
        %gather3A_621 = vector.shape_cast %broadcast_in_dim3A_620 : vector<16x1xi32> to vector<16xi32>
        %gather3A_622 = tpu.dynamic_gather %select_n3A[%gather3A_621] in [0] : vector<16xf32>, vector<16xi32> -> vector<16xf32>
        %add3A_623 = arith.addf %add3A_573, %gather3A_622 : vector<16xf32>
        %add3A_624 = arith.constant 1 : i32
        %add3A_625 = arith.addi %mul3A_613, %add3A_624 : i32
        %get3A_626 = arith.index_cast %add3A_625 : i32 to index
        %get3A_627 = arith.index_cast %multiple_of3A : i32 to index
        %get3A_628 = tpu.vector_load %arg10[%get3A_626, %get3A_627] {strides = array<i32>} : memref<200x128xi32, #tpu.memory_space<vmem>>, vector<16xi32>,
        %and3A_629 = arith.constant 15 : i32
        %and3A_630 = vector.broadcast %and3A_629 : i32 to vector<16xi32>
        %and3A_631 = arith.andi %get3A_628, %and3A_630 : vector<16xi32>
        %broadcast_in_dim3A_632 = vector.shape_cast %and3A_631 : vector<16xi32> to vector<16x1xi32>
        %gather3A_633 = vector.shape_cast %broadcast_in_dim3A_632 : vector<16x1xi32> to vector<16xi32>
        %gather3A_634 = tpu.dynamic_gather %select_n3A[%gather3A_633] in [0] : vector<16xf32>, vector<16xi32> -> vector<16xf32>
        %add3A_635 = arith.addf %add3A_585, %gather3A_634 : vector<16xf32>
        %add3A_636 = arith.constant 2 : i32
        %add3A_637 = arith.addi %mul3A_613, %add3A_636 : i32
        %get3A_638 = arith.index_cast %add3A_637 : i32 to index
        %get3A_639 = arith.index_cast %multiple_of3A : i32 to index
        %get3A_640 = tpu.vector_load %arg10[%get3A_638, %get3A_639] {strides = array<i32>} : memref<200x128xi32, #tpu.memory_space<vmem>>, vector<16xi32>,
        %and3A_641 = arith.constant 15 : i32
        %and3A_642 = vector.broadcast %and3A_641 : i32 to vector<16xi32>
        %and3A_643 = arith.andi %get3A_640, %and3A_642 : vector<16xi32>
        %broadcast_in_dim3A_644 = vector.shape_cast %and3A_643 : vector<16xi32> to vector<16x1xi32>
        %gather3A_645 = vector.shape_cast %broadcast_in_dim3A_644 : vector<16x1xi32> to vector<16xi32>
        %gather3A_646 = tpu.dynamic_gather %select_n3A[%gather3A_645] in [0] : vector<16xf32>, vector<16xi32> -> vector<16xf32>
        %add3A_647 = arith.addf %add3A_597, %gather3A_646 : vector<16xf32>
        %add3A_648 = arith.constant 3 : i32
        %add3A_649 = arith.addi %mul3A_613, %add3A_648 : i32
        %get3A_650 = arith.index_cast %add3A_649 : i32 to index
        %get3A_651 = arith.index_cast %multiple_of3A : i32 to index
        %get3A_652 = tpu.vector_load %arg10[%get3A_650, %get3A_651] {strides = array<i32>} : memref<200x128xi32, #tpu.memory_space<vmem>>, vector<16xi32>,
        %and3A_653 = arith.constant 15 : i32
        %and3A_654 = vector.broadcast %and3A_653 : i32 to vector<16xi32>
        %and3A_655 = arith.andi %get3A_652, %and3A_654 : vector<16xi32>
        %broadcast_in_dim3A_656 = vector.shape_cast %and3A_655 : vector<16xi32> to vector<16x1xi32>
        %gather3A_657 = vector.shape_cast %broadcast_in_dim3A_656 : vector<16x1xi32> to vector<16xi32>
        %gather3A_658 = tpu.dynamic_gather %select_n3A[%gather3A_657] in [0] : vector<16xf32>, vector<16xi32> -> vector<16xf32>
        %add3A_659 = arith.addf %add3A_609, %gather3A_658 : vector<16xf32>
        %scan3A_660 = arith.constant 6 : i32
        %scan3A_661 = arith.addi %scan3A_359, %scan3A_660 : i32
        %mul3A_662 = arith.constant 4 : i32
        %mul3A_663 = arith.muli %scan3A_661, %mul3A_662 : i32
        %get3A_664 = arith.index_cast %mul3A_663 : i32 to index
        %get3A_665 = arith.index_cast %multiple_of3A : i32 to index
        %get3A_666 = tpu.vector_load %arg10[%get3A_664, %get3A_665] {strides = array<i32>} : memref<200x128xi32, #tpu.memory_space<vmem>>, vector<16xi32>,
        %and3A_667 = arith.constant 15 : i32
        %and3A_668 = vector.broadcast %and3A_667 : i32 to vector<16xi32>
        %and3A_669 = arith.andi %get3A_666, %and3A_668 : vector<16xi32>
        %broadcast_in_dim3A_670 = vector.shape_cast %and3A_669 : vector<16xi32> to vector<16x1xi32>
        %gather3A_671 = vector.shape_cast %broadcast_in_dim3A_670 : vector<16x1xi32> to vector<16xi32>
        %gather3A_672 = tpu.dynamic_gather %select_n3A[%gather3A_671] in [0] : vector<16xf32>, vector<16xi32> -> vector<16xf32>
        %add3A_673 = arith.addf %add3A_623, %gather3A_672 : vector<16xf32>
        %add3A_674 = arith.constant 1 : i32
        %add3A_675 = arith.addi %mul3A_663, %add3A_674 : i32
        %get3A_676 = arith.index_cast %add3A_675 : i32 to index
        %get3A_677 = arith.index_cast %multiple_of3A : i32 to index
        %get3A_678 = tpu.vector_load %arg10[%get3A_676, %get3A_677] {strides = array<i32>} : memref<200x128xi32, #tpu.memory_space<vmem>>, vector<16xi32>,
        %and3A_679 = arith.constant 15 : i32
        %and3A_680 = vector.broadcast %and3A_679 : i32 to vector<16xi32>
        %and3A_681 = arith.andi %get3A_678, %and3A_680 : vector<16xi32>
        %broadcast_in_dim3A_682 = vector.shape_cast %and3A_681 : vector<16xi32> to vector<16x1xi32>
        %gather3A_683 = vector.shape_cast %broadcast_in_dim3A_682 : vector<16x1xi32> to vector<16xi32>
        %gather3A_684 = tpu.dynamic_gather %select_n3A[%gather3A_683] in [0] : vector<16xf32>, vector<16xi32> -> vector<16xf32>
        %add3A_685 = arith.addf %add3A_635, %gather3A_684 : vector<16xf32>
        %add3A_686 = arith.constant 2 : i32
        %add3A_687 = arith.addi %mul3A_663, %add3A_686 : i32
        %get3A_688 = arith.index_cast %add3A_687 : i32 to index
        %get3A_689 = arith.index_cast %multiple_of3A : i32 to index
        %get3A_690 = tpu.vector_load %arg10[%get3A_688, %get3A_689] {strides = array<i32>} : memref<200x128xi32, #tpu.memory_space<vmem>>, vector<16xi32>,
        %and3A_691 = arith.constant 15 : i32
        %and3A_692 = vector.broadcast %and3A_691 : i32 to vector<16xi32>
        %and3A_693 = arith.andi %get3A_690, %and3A_692 : vector<16xi32>
        %broadcast_in_dim3A_694 = vector.shape_cast %and3A_693 : vector<16xi32> to vector<16x1xi32>
        %gather3A_695 = vector.shape_cast %broadcast_in_dim3A_694 : vector<16x1xi32> to vector<16xi32>
        %gather3A_696 = tpu.dynamic_gather %select_n3A[%gather3A_695] in [0] : vector<16xf32>, vector<16xi32> -> vector<16xf32>
        %add3A_697 = arith.addf %add3A_647, %gather3A_696 : vector<16xf32>
        %add3A_698 = arith.constant 3 : i32
        %add3A_699 = arith.addi %mul3A_663, %add3A_698 : i32
        %get3A_700 = arith.index_cast %add3A_699 : i32 to index
        %get3A_701 = arith.index_cast %multiple_of3A : i32 to index
        %get3A_702 = tpu.vector_load %arg10[%get3A_700, %get3A_701] {strides = array<i32>} : memref<200x128xi32, #tpu.memory_space<vmem>>, vector<16xi32>,
        %and3A_703 = arith.constant 15 : i32
        %and3A_704 = vector.broadcast %and3A_703 : i32 to vector<16xi32>
        %and3A_705 = arith.andi %get3A_702, %and3A_704 : vector<16xi32>
        %broadcast_in_dim3A_706 = vector.shape_cast %and3A_705 : vector<16xi32> to vector<16x1xi32>
        %gather3A_707 = vector.shape_cast %broadcast_in_dim3A_706 : vector<16x1xi32> to vector<16xi32>
        %gather3A_708 = tpu.dynamic_gather %select_n3A[%gather3A_707] in [0] : vector<16xf32>, vector<16xi32> -> vector<16xf32>
        %add3A_709 = arith.addf %add3A_659, %gather3A_708 : vector<16xf32>
        %scan3A_710 = arith.constant 7 : i32
        %scan3A_711 = arith.addi %scan3A_359, %scan3A_710 : i32
        %mul3A_712 = arith.constant 4 : i32
        %mul3A_713 = arith.muli %scan3A_711, %mul3A_712 : i32
        %get3A_714 = arith.index_cast %mul3A_713 : i32 to index
        %get3A_715 = arith.index_cast %multiple_of3A : i32 to index
        %get3A_716 = tpu.vector_load %arg10[%get3A_714, %get3A_715] {strides = array<i32>} : memref<200x128xi32, #tpu.memory_space<vmem>>, vector<16xi32>,
        %and3A_717 = arith.constant 15 : i32
        %and3A_718 = vector.broadcast %and3A_717 : i32 to vector<16xi32>
        %and3A_719 = arith.andi %get3A_716, %and3A_718 : vector<16xi32>
        %broadcast_in_dim3A_720 = vector.shape_cast %and3A_719 : vector<16xi32> to vector<16x1xi32>
        %gather3A_721 = vector.shape_cast %broadcast_in_dim3A_720 : vector<16x1xi32> to vector<16xi32>
        %gather3A_722 = tpu.dynamic_gather %select_n3A[%gather3A_721] in [0] : vector<16xf32>, vector<16xi32> -> vector<16xf32>
        %add3A_723 = arith.addf %add3A_673, %gather3A_722 : vector<16xf32>
        %add3A_724 = arith.constant 1 : i32
        %add3A_725 = arith.addi %mul3A_713, %add3A_724 : i32
        %get3A_726 = arith.index_cast %add3A_725 : i32 to index
        %get3A_727 = arith.index_cast %multiple_of3A : i32 to index
        %get3A_728 = tpu.vector_load %arg10[%get3A_726, %get3A_727] {strides = array<i32>} : memref<200x128xi32, #tpu.memory_space<vmem>>, vector<16xi32>,
        %and3A_729 = arith.constant 15 : i32
        %and3A_730 = vector.broadcast %and3A_729 : i32 to vector<16xi32>
        %and3A_731 = arith.andi %get3A_728, %and3A_730 : vector<16xi32>
        %broadcast_in_dim3A_732 = vector.shape_cast %and3A_731 : vector<16xi32> to vector<16x1xi32>
        %gather3A_733 = vector.shape_cast %broadcast_in_dim3A_732 : vector<16x1xi32> to vector<16xi32>
        %gather3A_734 = tpu.dynamic_gather %select_n3A[%gather3A_733] in [0] : vector<16xf32>, vector<16xi32> -> vector<16xf32>
        %add3A_735 = arith.addf %add3A_685, %gather3A_734 : vector<16xf32>
        %add3A_736 = arith.constant 2 : i32
        %add3A_737 = arith.addi %mul3A_713, %add3A_736 : i32
        %get3A_738 = arith.index_cast %add3A_737 : i32 to index
        %get3A_739 = arith.index_cast %multiple_of3A : i32 to index
        %get3A_740 = tpu.vector_load %arg10[%get3A_738, %get3A_739] {strides = array<i32>} : memref<200x128xi32, #tpu.memory_space<vmem>>, vector<16xi32>,
        %and3A_741 = arith.constant 15 : i32
        %and3A_742 = vector.broadcast %and3A_741 : i32 to vector<16xi32>
        %and3A_743 = arith.andi %get3A_740, %and3A_742 : vector<16xi32>
        %broadcast_in_dim3A_744 = vector.shape_cast %and3A_743 : vector<16xi32> to vector<16x1xi32>
        %gather3A_745 = vector.shape_cast %broadcast_in_dim3A_744 : vector<16x1xi32> to vector<16xi32>
        %gather3A_746 = tpu.dynamic_gather %select_n3A[%gather3A_745] in [0] : vector<16xf32>, vector<16xi32> -> vector<16xf32>
        %add3A_747 = arith.addf %add3A_697, %gather3A_746 : vector<16xf32>
        %add3A_748 = arith.constant 3 : i32
        %add3A_749 = arith.addi %mul3A_713, %add3A_748 : i32
        %get3A_750 = arith.index_cast %add3A_749 : i32 to index
        %get3A_751 = arith.index_cast %multiple_of3A : i32 to index
        %get3A_752 = tpu.vector_load %arg10[%get3A_750, %get3A_751] {strides = array<i32>} : memref<200x128xi32, #tpu.memory_space<vmem>>, vector<16xi32>,
        %and3A_753 = arith.constant 15 : i32
        %and3A_754 = vector.broadcast %and3A_753 : i32 to vector<16xi32>
        %and3A_755 = arith.andi %get3A_752, %and3A_754 : vector<16xi32>
        %broadcast_in_dim3A_756 = vector.shape_cast %and3A_755 : vector<16xi32> to vector<16x1xi32>
        %gather3A_757 = vector.shape_cast %broadcast_in_dim3A_756 : vector<16x1xi32> to vector<16xi32>
        %gather3A_758 = tpu.dynamic_gather %select_n3A[%gather3A_757] in [0] : vector<16xf32>, vector<16xi32> -> vector<16xf32>
        %add3A_759 = arith.addf %add3A_709, %gather3A_758 : vector<16xf32>
        %scan3A_760 = arith.constant 8 : i32
        %scan3A_761 = arith.addi %scan3A_359, %scan3A_760 : i32
        %mul3A_762 = arith.constant 4 : i32
        %mul3A_763 = arith.muli %scan3A_761, %mul3A_762 : i32
        %get3A_764 = arith.index_cast %mul3A_763 : i32 to index
        %get3A_765 = arith.index_cast %multiple_of3A : i32 to index
        %get3A_766 = tpu.vector_load %arg10[%get3A_764, %get3A_765] {strides = array<i32>} : memref<200x128xi32, #tpu.memory_space<vmem>>, vector<16xi32>,
        %and3A_767 = arith.constant 15 : i32
        %and3A_768 = vector.broadcast %and3A_767 : i32 to vector<16xi32>
        %and3A_769 = arith.andi %get3A_766, %and3A_768 : vector<16xi32>
        %broadcast_in_dim3A_770 = vector.shape_cast %and3A_769 : vector<16xi32> to vector<16x1xi32>
        %gather3A_771 = vector.shape_cast %broadcast_in_dim3A_770 : vector<16x1xi32> to vector<16xi32>
        %gather3A_772 = tpu.dynamic_gather %select_n3A[%gather3A_771] in [0] : vector<16xf32>, vector<16xi32> -> vector<16xf32>
        %add3A_773 = arith.addf %add3A_723, %gather3A_772 : vector<16xf32>
        %add3A_774 = arith.constant 1 : i32
        %add3A_775 = arith.addi %mul3A_763, %add3A_774 : i32
        %get3A_776 = arith.index_cast %add3A_775 : i32 to index
        %get3A_777 = arith.index_cast %multiple_of3A : i32 to index
        %get3A_778 = tpu.vector_load %arg10[%get3A_776, %get3A_777] {strides = array<i32>} : memref<200x128xi32, #tpu.memory_space<vmem>>, vector<16xi32>,
        %and3A_779 = arith.constant 15 : i32
        %and3A_780 = vector.broadcast %and3A_779 : i32 to vector<16xi32>
        %and3A_781 = arith.andi %get3A_778, %and3A_780 : vector<16xi32>
        %broadcast_in_dim3A_782 = vector.shape_cast %and3A_781 : vector<16xi32> to vector<16x1xi32>
        %gather3A_783 = vector.shape_cast %broadcast_in_dim3A_782 : vector<16x1xi32> to vector<16xi32>
        %gather3A_784 = tpu.dynamic_gather %select_n3A[%gather3A_783] in [0] : vector<16xf32>, vector<16xi32> -> vector<16xf32>
        %add3A_785 = arith.addf %add3A_735, %gather3A_784 : vector<16xf32>
        %add3A_786 = arith.constant 2 : i32
        %add3A_787 = arith.addi %mul3A_763, %add3A_786 : i32
        %get3A_788 = arith.index_cast %add3A_787 : i32 to index
        %get3A_789 = arith.index_cast %multiple_of3A : i32 to index
        %get3A_790 = tpu.vector_load %arg10[%get3A_788, %get3A_789] {strides = array<i32>} : memref<200x128xi32, #tpu.memory_space<vmem>>, vector<16xi32>,
        %and3A_791 = arith.constant 15 : i32
        %and3A_792 = vector.broadcast %and3A_791 : i32 to vector<16xi32>
        %and3A_793 = arith.andi %get3A_790, %and3A_792 : vector<16xi32>
        %broadcast_in_dim3A_794 = vector.shape_cast %and3A_793 : vector<16xi32> to vector<16x1xi32>
        %gather3A_795 = vector.shape_cast %broadcast_in_dim3A_794 : vector<16x1xi32> to vector<16xi32>
        %gather3A_796 = tpu.dynamic_gather %select_n3A[%gather3A_795] in [0] : vector<16xf32>, vector<16xi32> -> vector<16xf32>
        %add3A_797 = arith.addf %add3A_747, %gather3A_796 : vector<16xf32>
        %add3A_798 = arith.constant 3 : i32
        %add3A_799 = arith.addi %mul3A_763, %add3A_798 : i32
        %get3A_800 = arith.index_cast %add3A_799 : i32 to index
        %get3A_801 = arith.index_cast %multiple_of3A : i32 to index
        %get3A_802 = tpu.vector_load %arg10[%get3A_800, %get3A_801] {strides = array<i32>} : memref<200x128xi32, #tpu.memory_space<vmem>>, vector<16xi32>,
        %and3A_803 = arith.constant 15 : i32
        %and3A_804 = vector.broadcast %and3A_803 : i32 to vector<16xi32>
        %and3A_805 = arith.andi %get3A_802, %and3A_804 : vector<16xi32>
        %broadcast_in_dim3A_806 = vector.shape_cast %and3A_805 : vector<16xi32> to vector<16x1xi32>
        %gather3A_807 = vector.shape_cast %broadcast_in_dim3A_806 : vector<16x1xi32> to vector<16xi32>
        %gather3A_808 = tpu.dynamic_gather %select_n3A[%gather3A_807] in [0] : vector<16xf32>, vector<16xi32> -> vector<16xf32>
        %add3A_809 = arith.addf %add3A_759, %gather3A_808 : vector<16xf32>
        %scan3A_810 = arith.constant 9 : i32
        %scan3A_811 = arith.addi %scan3A_359, %scan3A_810 : i32
        %mul3A_812 = arith.constant 4 : i32
        %mul3A_813 = arith.muli %scan3A_811, %mul3A_812 : i32
        %get3A_814 = arith.index_cast %mul3A_813 : i32 to index
        %get3A_815 = arith.index_cast %multiple_of3A : i32 to index
        %get3A_816 = tpu.vector_load %arg10[%get3A_814, %get3A_815] {strides = array<i32>} : memref<200x128xi32, #tpu.memory_space<vmem>>, vector<16xi32>,
        %and3A_817 = arith.constant 15 : i32
        %and3A_818 = vector.broadcast %and3A_817 : i32 to vector<16xi32>
        %and3A_819 = arith.andi %get3A_816, %and3A_818 : vector<16xi32>
        %broadcast_in_dim3A_820 = vector.shape_cast %and3A_819 : vector<16xi32> to vector<16x1xi32>
        %gather3A_821 = vector.shape_cast %broadcast_in_dim3A_820 : vector<16x1xi32> to vector<16xi32>
        %gather3A_822 = tpu.dynamic_gather %select_n3A[%gather3A_821] in [0] : vector<16xf32>, vector<16xi32> -> vector<16xf32>
        %add3A_823 = arith.addf %add3A_773, %gather3A_822 : vector<16xf32>
        %add3A_824 = arith.constant 1 : i32
        %add3A_825 = arith.addi %mul3A_813, %add3A_824 : i32
        %get3A_826 = arith.index_cast %add3A_825 : i32 to index
        %get3A_827 = arith.index_cast %multiple_of3A : i32 to index
        %get3A_828 = tpu.vector_load %arg10[%get3A_826, %get3A_827] {strides = array<i32>} : memref<200x128xi32, #tpu.memory_space<vmem>>, vector<16xi32>,
        %and3A_829 = arith.constant 15 : i32
        %and3A_830 = vector.broadcast %and3A_829 : i32 to vector<16xi32>
        %and3A_831 = arith.andi %get3A_828, %and3A_830 : vector<16xi32>
        %broadcast_in_dim3A_832 = vector.shape_cast %and3A_831 : vector<16xi32> to vector<16x1xi32>
        %gather3A_833 = vector.shape_cast %broadcast_in_dim3A_832 : vector<16x1xi32> to vector<16xi32>
        %gather3A_834 = tpu.dynamic_gather %select_n3A[%gather3A_833] in [0] : vector<16xf32>, vector<16xi32> -> vector<16xf32>
        %add3A_835 = arith.addf %add3A_785, %gather3A_834 : vector<16xf32>
        %add3A_836 = arith.constant 2 : i32
        %add3A_837 = arith.addi %mul3A_813, %add3A_836 : i32
        %get3A_838 = arith.index_cast %add3A_837 : i32 to index
        %get3A_839 = arith.index_cast %multiple_of3A : i32 to index
        %get3A_840 = tpu.vector_load %arg10[%get3A_838, %get3A_839] {strides = array<i32>} : memref<200x128xi32, #tpu.memory_space<vmem>>, vector<16xi32>,
        %and3A_841 = arith.constant 15 : i32
        %and3A_842 = vector.broadcast %and3A_841 : i32 to vector<16xi32>
        %and3A_843 = arith.andi %get3A_840, %and3A_842 : vector<16xi32>
        %broadcast_in_dim3A_844 = vector.shape_cast %and3A_843 : vector<16xi32> to vector<16x1xi32>
        %gather3A_845 = vector.shape_cast %broadcast_in_dim3A_844 : vector<16x1xi32> to vector<16xi32>
        %gather3A_846 = tpu.dynamic_gather %select_n3A[%gather3A_845] in [0] : vector<16xf32>, vector<16xi32> -> vector<16xf32>
        %add3A_847 = arith.addf %add3A_797, %gather3A_846 : vector<16xf32>
        %add3A_848 = arith.constant 3 : i32
        %add3A_849 = arith.addi %mul3A_813, %add3A_848 : i32
        %get3A_850 = arith.index_cast %add3A_849 : i32 to index
        %get3A_851 = arith.index_cast %multiple_of3A : i32 to index
        %get3A_852 = tpu.vector_load %arg10[%get3A_850, %get3A_851] {strides = array<i32>} : memref<200x128xi32, #tpu.memory_space<vmem>>, vector<16xi32>,
        %and3A_853 = arith.constant 15 : i32
        %and3A_854 = vector.broadcast %and3A_853 : i32 to vector<16xi32>
        %and3A_855 = arith.andi %get3A_852, %and3A_854 : vector<16xi32>
        %broadcast_in_dim3A_856 = vector.shape_cast %and3A_855 : vector<16xi32> to vector<16x1xi32>
        %gather3A_857 = vector.shape_cast %broadcast_in_dim3A_856 : vector<16x1xi32> to vector<16xi32>
        %gather3A_858 = tpu.dynamic_gather %select_n3A[%gather3A_857] in [0] : vector<16xf32>, vector<16xi32> -> vector<16xf32>
        %add3A_859 = arith.addf %add3A_809, %gather3A_858 : vector<16xf32>
        scf.yield %add3A_823, %add3A_835, %add3A_847, %add3A_859 : vector<16xf32>, vector<16xf32>, vector<16xf32>, vector<16xf32>
      }
      %scan3A_348 = arith.constant 50 : i32
      %mul3A_349 = arith.constant 16 : i32
      %mul3A_350 = arith.muli %scan3A_340, %mul3A_349 : i32
      %add3A_351 = arith.constant 0 : i32
      %add3A_352 = arith.addi %add3A_351, %mul3A_350 : i32
      %multiple_of3A_353 = tpu.assume_multiple %add3A_352, 16 : i32
      %add3A_354 = arith.addf %scan3A_347#0, %scan3A_347#1 : vector<16xf32>
      %add3A_355 = arith.addf %scan3A_347#2, %scan3A_347#3 : vector<16xf32>
      %add3A_356 = arith.addf %add3A_354, %add3A_355 : vector<16xf32>
      %swap3A_357 = arith.index_cast %multiple_of3A_353 : i32 to index
      %swap3A_358 = tpu.vector_load %arg9[%swap3A_357] {strides = array<i32>} : memref<512xf32, #tpu.memory_space<vmem>>, vector<16xf32>,
      tpu.vector_store %arg9[%swap3A_357], %add3A_356 {strides = array<i32>} : memref<512xf32, #tpu.memory_space<vmem>>, vector<16xf32>,
    }
    %scan3A_70 = arith.constant 8 : i32
    %dma_wait3A_71 = arith.constant 0 : i32
    %dma_wait3A_72 = tpu.memref_slice %arg2[%dma_wait3A_71, %add3A_9] : memref<200x16384xi32, #tpu.memory_space<hbm>> -> memref<200x128xi32, #tpu.memory_space<hbm>>
    %dma_wait3A_73 = arith.constant 0 : i32
    %dma_wait3A_74 = tpu.memref_slice %arg2[%dma_wait3A_73, %add3A_9] : memref<200x16384xi32, #tpu.memory_space<hbm>> -> memref<200x128xi32, #tpu.memory_space<hbm>>
    tpu.wait_dma2 semaphore(%arg15 : memref<!tpu.dma_semaphore, #tpu.memory_space<semaphore_mem>>) src(%dma_wait3A_74 : memref<200x128xi32, #tpu.memory_space<hbm>>) dst(%arg11 : memref<200x128xi32, #tpu.memory_space<vmem>>)
    %scan3A_75 = arith.constant 0 : i32
    %scan3A_76 = arith.constant 0 : i32
    %scan3A_77 = arith.constant 8 : i32
    %scan3A_78 = arith.addi %scan3A_76, %scan3A_77 : i32
    %scan3A_79 = arith.constant 1 : i32
    scf.for %scan3A_340 = %scan3A_76 to %scan3A_78 step %scan3A_79  : i32 {
      %mul3A_341 = arith.constant 16 : i32
      %mul3A_342 = arith.muli %scan3A_340, %mul3A_341 : i32
      %multiple_of3A = tpu.assume_multiple %mul3A_342, 16 : i32
      %scan3A_343 = arith.constant 0 : i32
      %scan3A_344 = arith.constant 50 : i32
      %scan3A_345 = arith.addi %scan3A_343, %scan3A_344 : i32
      %scan3A_346 = arith.constant 10 : i32
      %scan3A_347:4 = scf.for %scan3A_359 = %scan3A_343 to %scan3A_345 step %scan3A_346 iter_args(%scan3A_360 = %broadcast_in_dim3A_30, %scan3A_361 = %broadcast_in_dim3A_30, %scan3A_362 = %broadcast_in_dim3A_30, %scan3A_363 = %broadcast_in_dim3A_30) -> (vector<16xf32>, vector<16xf32>, vector<16xf32>, vector<16xf32>)  : i32 {
        %mul3A_364 = arith.constant 4 : i32
        %mul3A_365 = arith.muli %scan3A_359, %mul3A_364 : i32
        %get3A_366 = arith.index_cast %mul3A_365 : i32 to index
        %get3A_367 = arith.index_cast %multiple_of3A : i32 to index
        %get3A_368 = tpu.vector_load %arg11[%get3A_366, %get3A_367] {strides = array<i32>} : memref<200x128xi32, #tpu.memory_space<vmem>>, vector<16xi32>,
        %and3A = arith.constant 15 : i32
        %and3A_369 = vector.broadcast %and3A : i32 to vector<16xi32>
        %and3A_370 = arith.andi %get3A_368, %and3A_369 : vector<16xi32>
        %broadcast_in_dim3A_371 = vector.shape_cast %and3A_370 : vector<16xi32> to vector<16x1xi32>
        %gather3A = vector.shape_cast %broadcast_in_dim3A_371 : vector<16x1xi32> to vector<16xi32>
        %gather3A_372 = tpu.dynamic_gather %select_n3A[%gather3A] in [0] : vector<16xf32>, vector<16xi32> -> vector<16xf32>
        %add3A_373 = arith.addf %scan3A_360, %gather3A_372 : vector<16xf32>
        %add3A_374 = arith.constant 1 : i32
        %add3A_375 = arith.addi %mul3A_365, %add3A_374 : i32
        %get3A_376 = arith.index_cast %add3A_375 : i32 to index
        %get3A_377 = arith.index_cast %multiple_of3A : i32 to index
        %get3A_378 = tpu.vector_load %arg11[%get3A_376, %get3A_377] {strides = array<i32>} : memref<200x128xi32, #tpu.memory_space<vmem>>, vector<16xi32>,
        %and3A_379 = arith.constant 15 : i32
        %and3A_380 = vector.broadcast %and3A_379 : i32 to vector<16xi32>
        %and3A_381 = arith.andi %get3A_378, %and3A_380 : vector<16xi32>
        %broadcast_in_dim3A_382 = vector.shape_cast %and3A_381 : vector<16xi32> to vector<16x1xi32>
        %gather3A_383 = vector.shape_cast %broadcast_in_dim3A_382 : vector<16x1xi32> to vector<16xi32>
        %gather3A_384 = tpu.dynamic_gather %select_n3A[%gather3A_383] in [0] : vector<16xf32>, vector<16xi32> -> vector<16xf32>
        %add3A_385 = arith.addf %scan3A_361, %gather3A_384 : vector<16xf32>
        %add3A_386 = arith.constant 2 : i32
        %add3A_387 = arith.addi %mul3A_365, %add3A_386 : i32
        %get3A_388 = arith.index_cast %add3A_387 : i32 to index
        %get3A_389 = arith.index_cast %multiple_of3A : i32 to index
        %get3A_390 = tpu.vector_load %arg11[%get3A_388, %get3A_389] {strides = array<i32>} : memref<200x128xi32, #tpu.memory_space<vmem>>, vector<16xi32>,
        %and3A_391 = arith.constant 15 : i32
        %and3A_392 = vector.broadcast %and3A_391 : i32 to vector<16xi32>
        %and3A_393 = arith.andi %get3A_390, %and3A_392 : vector<16xi32>
        %broadcast_in_dim3A_394 = vector.shape_cast %and3A_393 : vector<16xi32> to vector<16x1xi32>
        %gather3A_395 = vector.shape_cast %broadcast_in_dim3A_394 : vector<16x1xi32> to vector<16xi32>
        %gather3A_396 = tpu.dynamic_gather %select_n3A[%gather3A_395] in [0] : vector<16xf32>, vector<16xi32> -> vector<16xf32>
        %add3A_397 = arith.addf %scan3A_362, %gather3A_396 : vector<16xf32>
        %add3A_398 = arith.constant 3 : i32
        %add3A_399 = arith.addi %mul3A_365, %add3A_398 : i32
        %get3A_400 = arith.index_cast %add3A_399 : i32 to index
        %get3A_401 = arith.index_cast %multiple_of3A : i32 to index
        %get3A_402 = tpu.vector_load %arg11[%get3A_400, %get3A_401] {strides = array<i32>} : memref<200x128xi32, #tpu.memory_space<vmem>>, vector<16xi32>,
        %and3A_403 = arith.constant 15 : i32
        %and3A_404 = vector.broadcast %and3A_403 : i32 to vector<16xi32>
        %and3A_405 = arith.andi %get3A_402, %and3A_404 : vector<16xi32>
        %broadcast_in_dim3A_406 = vector.shape_cast %and3A_405 : vector<16xi32> to vector<16x1xi32>
        %gather3A_407 = vector.shape_cast %broadcast_in_dim3A_406 : vector<16x1xi32> to vector<16xi32>
        %gather3A_408 = tpu.dynamic_gather %select_n3A[%gather3A_407] in [0] : vector<16xf32>, vector<16xi32> -> vector<16xf32>
        %add3A_409 = arith.addf %scan3A_363, %gather3A_408 : vector<16xf32>
        %scan3A_410 = arith.constant 1 : i32
        %scan3A_411 = arith.addi %scan3A_359, %scan3A_410 : i32
        %mul3A_412 = arith.constant 4 : i32
        %mul3A_413 = arith.muli %scan3A_411, %mul3A_412 : i32
        %get3A_414 = arith.index_cast %mul3A_413 : i32 to index
        %get3A_415 = arith.index_cast %multiple_of3A : i32 to index
        %get3A_416 = tpu.vector_load %arg11[%get3A_414, %get3A_415] {strides = array<i32>} : memref<200x128xi32, #tpu.memory_space<vmem>>, vector<16xi32>,
        %and3A_417 = arith.constant 15 : i32
        %and3A_418 = vector.broadcast %and3A_417 : i32 to vector<16xi32>
        %and3A_419 = arith.andi %get3A_416, %and3A_418 : vector<16xi32>
        %broadcast_in_dim3A_420 = vector.shape_cast %and3A_419 : vector<16xi32> to vector<16x1xi32>
        %gather3A_421 = vector.shape_cast %broadcast_in_dim3A_420 : vector<16x1xi32> to vector<16xi32>
        %gather3A_422 = tpu.dynamic_gather %select_n3A[%gather3A_421] in [0] : vector<16xf32>, vector<16xi32> -> vector<16xf32>
        %add3A_423 = arith.addf %add3A_373, %gather3A_422 : vector<16xf32>
        %add3A_424 = arith.constant 1 : i32
        %add3A_425 = arith.addi %mul3A_413, %add3A_424 : i32
        %get3A_426 = arith.index_cast %add3A_425 : i32 to index
        %get3A_427 = arith.index_cast %multiple_of3A : i32 to index
        %get3A_428 = tpu.vector_load %arg11[%get3A_426, %get3A_427] {strides = array<i32>} : memref<200x128xi32, #tpu.memory_space<vmem>>, vector<16xi32>,
        %and3A_429 = arith.constant 15 : i32
        %and3A_430 = vector.broadcast %and3A_429 : i32 to vector<16xi32>
        %and3A_431 = arith.andi %get3A_428, %and3A_430 : vector<16xi32>
        %broadcast_in_dim3A_432 = vector.shape_cast %and3A_431 : vector<16xi32> to vector<16x1xi32>
        %gather3A_433 = vector.shape_cast %broadcast_in_dim3A_432 : vector<16x1xi32> to vector<16xi32>
        %gather3A_434 = tpu.dynamic_gather %select_n3A[%gather3A_433] in [0] : vector<16xf32>, vector<16xi32> -> vector<16xf32>
        %add3A_435 = arith.addf %add3A_385, %gather3A_434 : vector<16xf32>
        %add3A_436 = arith.constant 2 : i32
        %add3A_437 = arith.addi %mul3A_413, %add3A_436 : i32
        %get3A_438 = arith.index_cast %add3A_437 : i32 to index
        %get3A_439 = arith.index_cast %multiple_of3A : i32 to index
        %get3A_440 = tpu.vector_load %arg11[%get3A_438, %get3A_439] {strides = array<i32>} : memref<200x128xi32, #tpu.memory_space<vmem>>, vector<16xi32>,
        %and3A_441 = arith.constant 15 : i32
        %and3A_442 = vector.broadcast %and3A_441 : i32 to vector<16xi32>
        %and3A_443 = arith.andi %get3A_440, %and3A_442 : vector<16xi32>
        %broadcast_in_dim3A_444 = vector.shape_cast %and3A_443 : vector<16xi32> to vector<16x1xi32>
        %gather3A_445 = vector.shape_cast %broadcast_in_dim3A_444 : vector<16x1xi32> to vector<16xi32>
        %gather3A_446 = tpu.dynamic_gather %select_n3A[%gather3A_445] in [0] : vector<16xf32>, vector<16xi32> -> vector<16xf32>
        %add3A_447 = arith.addf %add3A_397, %gather3A_446 : vector<16xf32>
        %add3A_448 = arith.constant 3 : i32
        %add3A_449 = arith.addi %mul3A_413, %add3A_448 : i32
        %get3A_450 = arith.index_cast %add3A_449 : i32 to index
        %get3A_451 = arith.index_cast %multiple_of3A : i32 to index
        %get3A_452 = tpu.vector_load %arg11[%get3A_450, %get3A_451] {strides = array<i32>} : memref<200x128xi32, #tpu.memory_space<vmem>>, vector<16xi32>,
        %and3A_453 = arith.constant 15 : i32
        %and3A_454 = vector.broadcast %and3A_453 : i32 to vector<16xi32>
        %and3A_455 = arith.andi %get3A_452, %and3A_454 : vector<16xi32>
        %broadcast_in_dim3A_456 = vector.shape_cast %and3A_455 : vector<16xi32> to vector<16x1xi32>
        %gather3A_457 = vector.shape_cast %broadcast_in_dim3A_456 : vector<16x1xi32> to vector<16xi32>
        %gather3A_458 = tpu.dynamic_gather %select_n3A[%gather3A_457] in [0] : vector<16xf32>, vector<16xi32> -> vector<16xf32>
        %add3A_459 = arith.addf %add3A_409, %gather3A_458 : vector<16xf32>
        %scan3A_460 = arith.constant 2 : i32
        %scan3A_461 = arith.addi %scan3A_359, %scan3A_460 : i32
        %mul3A_462 = arith.constant 4 : i32
        %mul3A_463 = arith.muli %scan3A_461, %mul3A_462 : i32
        %get3A_464 = arith.index_cast %mul3A_463 : i32 to index
        %get3A_465 = arith.index_cast %multiple_of3A : i32 to index
        %get3A_466 = tpu.vector_load %arg11[%get3A_464, %get3A_465] {strides = array<i32>} : memref<200x128xi32, #tpu.memory_space<vmem>>, vector<16xi32>,
        %and3A_467 = arith.constant 15 : i32
        %and3A_468 = vector.broadcast %and3A_467 : i32 to vector<16xi32>
        %and3A_469 = arith.andi %get3A_466, %and3A_468 : vector<16xi32>
        %broadcast_in_dim3A_470 = vector.shape_cast %and3A_469 : vector<16xi32> to vector<16x1xi32>
        %gather3A_471 = vector.shape_cast %broadcast_in_dim3A_470 : vector<16x1xi32> to vector<16xi32>
        %gather3A_472 = tpu.dynamic_gather %select_n3A[%gather3A_471] in [0] : vector<16xf32>, vector<16xi32> -> vector<16xf32>
        %add3A_473 = arith.addf %add3A_423, %gather3A_472 : vector<16xf32>
        %add3A_474 = arith.constant 1 : i32
        %add3A_475 = arith.addi %mul3A_463, %add3A_474 : i32
        %get3A_476 = arith.index_cast %add3A_475 : i32 to index
        %get3A_477 = arith.index_cast %multiple_of3A : i32 to index
        %get3A_478 = tpu.vector_load %arg11[%get3A_476, %get3A_477] {strides = array<i32>} : memref<200x128xi32, #tpu.memory_space<vmem>>, vector<16xi32>,
        %and3A_479 = arith.constant 15 : i32
        %and3A_480 = vector.broadcast %and3A_479 : i32 to vector<16xi32>
        %and3A_481 = arith.andi %get3A_478, %and3A_480 : vector<16xi32>
        %broadcast_in_dim3A_482 = vector.shape_cast %and3A_481 : vector<16xi32> to vector<16x1xi32>
        %gather3A_483 = vector.shape_cast %broadcast_in_dim3A_482 : vector<16x1xi32> to vector<16xi32>
        %gather3A_484 = tpu.dynamic_gather %select_n3A[%gather3A_483] in [0] : vector<16xf32>, vector<16xi32> -> vector<16xf32>
        %add3A_485 = arith.addf %add3A_435, %gather3A_484 : vector<16xf32>
        %add3A_486 = arith.constant 2 : i32
        %add3A_487 = arith.addi %mul3A_463, %add3A_486 : i32
        %get3A_488 = arith.index_cast %add3A_487 : i32 to index
        %get3A_489 = arith.index_cast %multiple_of3A : i32 to index
        %get3A_490 = tpu.vector_load %arg11[%get3A_488, %get3A_489] {strides = array<i32>} : memref<200x128xi32, #tpu.memory_space<vmem>>, vector<16xi32>,
        %and3A_491 = arith.constant 15 : i32
        %and3A_492 = vector.broadcast %and3A_491 : i32 to vector<16xi32>
        %and3A_493 = arith.andi %get3A_490, %and3A_492 : vector<16xi32>
        %broadcast_in_dim3A_494 = vector.shape_cast %and3A_493 : vector<16xi32> to vector<16x1xi32>
        %gather3A_495 = vector.shape_cast %broadcast_in_dim3A_494 : vector<16x1xi32> to vector<16xi32>
        %gather3A_496 = tpu.dynamic_gather %select_n3A[%gather3A_495] in [0] : vector<16xf32>, vector<16xi32> -> vector<16xf32>
        %add3A_497 = arith.addf %add3A_447, %gather3A_496 : vector<16xf32>
        %add3A_498 = arith.constant 3 : i32
        %add3A_499 = arith.addi %mul3A_463, %add3A_498 : i32
        %get3A_500 = arith.index_cast %add3A_499 : i32 to index
        %get3A_501 = arith.index_cast %multiple_of3A : i32 to index
        %get3A_502 = tpu.vector_load %arg11[%get3A_500, %get3A_501] {strides = array<i32>} : memref<200x128xi32, #tpu.memory_space<vmem>>, vector<16xi32>,
        %and3A_503 = arith.constant 15 : i32
        %and3A_504 = vector.broadcast %and3A_503 : i32 to vector<16xi32>
        %and3A_505 = arith.andi %get3A_502, %and3A_504 : vector<16xi32>
        %broadcast_in_dim3A_506 = vector.shape_cast %and3A_505 : vector<16xi32> to vector<16x1xi32>
        %gather3A_507 = vector.shape_cast %broadcast_in_dim3A_506 : vector<16x1xi32> to vector<16xi32>
        %gather3A_508 = tpu.dynamic_gather %select_n3A[%gather3A_507] in [0] : vector<16xf32>, vector<16xi32> -> vector<16xf32>
        %add3A_509 = arith.addf %add3A_459, %gather3A_508 : vector<16xf32>
        %scan3A_510 = arith.constant 3 : i32
        %scan3A_511 = arith.addi %scan3A_359, %scan3A_510 : i32
        %mul3A_512 = arith.constant 4 : i32
        %mul3A_513 = arith.muli %scan3A_511, %mul3A_512 : i32
        %get3A_514 = arith.index_cast %mul3A_513 : i32 to index
        %get3A_515 = arith.index_cast %multiple_of3A : i32 to index
        %get3A_516 = tpu.vector_load %arg11[%get3A_514, %get3A_515] {strides = array<i32>} : memref<200x128xi32, #tpu.memory_space<vmem>>, vector<16xi32>,
        %and3A_517 = arith.constant 15 : i32
        %and3A_518 = vector.broadcast %and3A_517 : i32 to vector<16xi32>
        %and3A_519 = arith.andi %get3A_516, %and3A_518 : vector<16xi32>
        %broadcast_in_dim3A_520 = vector.shape_cast %and3A_519 : vector<16xi32> to vector<16x1xi32>
        %gather3A_521 = vector.shape_cast %broadcast_in_dim3A_520 : vector<16x1xi32> to vector<16xi32>
        %gather3A_522 = tpu.dynamic_gather %select_n3A[%gather3A_521] in [0] : vector<16xf32>, vector<16xi32> -> vector<16xf32>
        %add3A_523 = arith.addf %add3A_473, %gather3A_522 : vector<16xf32>
        %add3A_524 = arith.constant 1 : i32
        %add3A_525 = arith.addi %mul3A_513, %add3A_524 : i32
        %get3A_526 = arith.index_cast %add3A_525 : i32 to index
        %get3A_527 = arith.index_cast %multiple_of3A : i32 to index
        %get3A_528 = tpu.vector_load %arg11[%get3A_526, %get3A_527] {strides = array<i32>} : memref<200x128xi32, #tpu.memory_space<vmem>>, vector<16xi32>,
        %and3A_529 = arith.constant 15 : i32
        %and3A_530 = vector.broadcast %and3A_529 : i32 to vector<16xi32>
        %and3A_531 = arith.andi %get3A_528, %and3A_530 : vector<16xi32>
        %broadcast_in_dim3A_532 = vector.shape_cast %and3A_531 : vector<16xi32> to vector<16x1xi32>
        %gather3A_533 = vector.shape_cast %broadcast_in_dim3A_532 : vector<16x1xi32> to vector<16xi32>
        %gather3A_534 = tpu.dynamic_gather %select_n3A[%gather3A_533] in [0] : vector<16xf32>, vector<16xi32> -> vector<16xf32>
        %add3A_535 = arith.addf %add3A_485, %gather3A_534 : vector<16xf32>
        %add3A_536 = arith.constant 2 : i32
        %add3A_537 = arith.addi %mul3A_513, %add3A_536 : i32
        %get3A_538 = arith.index_cast %add3A_537 : i32 to index
        %get3A_539 = arith.index_cast %multiple_of3A : i32 to index
        %get3A_540 = tpu.vector_load %arg11[%get3A_538, %get3A_539] {strides = array<i32>} : memref<200x128xi32, #tpu.memory_space<vmem>>, vector<16xi32>,
        %and3A_541 = arith.constant 15 : i32
        %and3A_542 = vector.broadcast %and3A_541 : i32 to vector<16xi32>
        %and3A_543 = arith.andi %get3A_540, %and3A_542 : vector<16xi32>
        %broadcast_in_dim3A_544 = vector.shape_cast %and3A_543 : vector<16xi32> to vector<16x1xi32>
        %gather3A_545 = vector.shape_cast %broadcast_in_dim3A_544 : vector<16x1xi32> to vector<16xi32>
        %gather3A_546 = tpu.dynamic_gather %select_n3A[%gather3A_545] in [0] : vector<16xf32>, vector<16xi32> -> vector<16xf32>
        %add3A_547 = arith.addf %add3A_497, %gather3A_546 : vector<16xf32>
        %add3A_548 = arith.constant 3 : i32
        %add3A_549 = arith.addi %mul3A_513, %add3A_548 : i32
        %get3A_550 = arith.index_cast %add3A_549 : i32 to index
        %get3A_551 = arith.index_cast %multiple_of3A : i32 to index
        %get3A_552 = tpu.vector_load %arg11[%get3A_550, %get3A_551] {strides = array<i32>} : memref<200x128xi32, #tpu.memory_space<vmem>>, vector<16xi32>,
        %and3A_553 = arith.constant 15 : i32
        %and3A_554 = vector.broadcast %and3A_553 : i32 to vector<16xi32>
        %and3A_555 = arith.andi %get3A_552, %and3A_554 : vector<16xi32>
        %broadcast_in_dim3A_556 = vector.shape_cast %and3A_555 : vector<16xi32> to vector<16x1xi32>
        %gather3A_557 = vector.shape_cast %broadcast_in_dim3A_556 : vector<16x1xi32> to vector<16xi32>
        %gather3A_558 = tpu.dynamic_gather %select_n3A[%gather3A_557] in [0] : vector<16xf32>, vector<16xi32> -> vector<16xf32>
        %add3A_559 = arith.addf %add3A_509, %gather3A_558 : vector<16xf32>
        %scan3A_560 = arith.constant 4 : i32
        %scan3A_561 = arith.addi %scan3A_359, %scan3A_560 : i32
        %mul3A_562 = arith.constant 4 : i32
        %mul3A_563 = arith.muli %scan3A_561, %mul3A_562 : i32
        %get3A_564 = arith.index_cast %mul3A_563 : i32 to index
        %get3A_565 = arith.index_cast %multiple_of3A : i32 to index
        %get3A_566 = tpu.vector_load %arg11[%get3A_564, %get3A_565] {strides = array<i32>} : memref<200x128xi32, #tpu.memory_space<vmem>>, vector<16xi32>,
        %and3A_567 = arith.constant 15 : i32
        %and3A_568 = vector.broadcast %and3A_567 : i32 to vector<16xi32>
        %and3A_569 = arith.andi %get3A_566, %and3A_568 : vector<16xi32>
        %broadcast_in_dim3A_570 = vector.shape_cast %and3A_569 : vector<16xi32> to vector<16x1xi32>
        %gather3A_571 = vector.shape_cast %broadcast_in_dim3A_570 : vector<16x1xi32> to vector<16xi32>
        %gather3A_572 = tpu.dynamic_gather %select_n3A[%gather3A_571] in [0] : vector<16xf32>, vector<16xi32> -> vector<16xf32>
        %add3A_573 = arith.addf %add3A_523, %gather3A_572 : vector<16xf32>
        %add3A_574 = arith.constant 1 : i32
        %add3A_575 = arith.addi %mul3A_563, %add3A_574 : i32
        %get3A_576 = arith.index_cast %add3A_575 : i32 to index
        %get3A_577 = arith.index_cast %multiple_of3A : i32 to index
        %get3A_578 = tpu.vector_load %arg11[%get3A_576, %get3A_577] {strides = array<i32>} : memref<200x128xi32, #tpu.memory_space<vmem>>, vector<16xi32>,
        %and3A_579 = arith.constant 15 : i32
        %and3A_580 = vector.broadcast %and3A_579 : i32 to vector<16xi32>
        %and3A_581 = arith.andi %get3A_578, %and3A_580 : vector<16xi32>
        %broadcast_in_dim3A_582 = vector.shape_cast %and3A_581 : vector<16xi32> to vector<16x1xi32>
        %gather3A_583 = vector.shape_cast %broadcast_in_dim3A_582 : vector<16x1xi32> to vector<16xi32>
        %gather3A_584 = tpu.dynamic_gather %select_n3A[%gather3A_583] in [0] : vector<16xf32>, vector<16xi32> -> vector<16xf32>
        %add3A_585 = arith.addf %add3A_535, %gather3A_584 : vector<16xf32>
        %add3A_586 = arith.constant 2 : i32
        %add3A_587 = arith.addi %mul3A_563, %add3A_586 : i32
        %get3A_588 = arith.index_cast %add3A_587 : i32 to index
        %get3A_589 = arith.index_cast %multiple_of3A : i32 to index
        %get3A_590 = tpu.vector_load %arg11[%get3A_588, %get3A_589] {strides = array<i32>} : memref<200x128xi32, #tpu.memory_space<vmem>>, vector<16xi32>,
        %and3A_591 = arith.constant 15 : i32
        %and3A_592 = vector.broadcast %and3A_591 : i32 to vector<16xi32>
        %and3A_593 = arith.andi %get3A_590, %and3A_592 : vector<16xi32>
        %broadcast_in_dim3A_594 = vector.shape_cast %and3A_593 : vector<16xi32> to vector<16x1xi32>
        %gather3A_595 = vector.shape_cast %broadcast_in_dim3A_594 : vector<16x1xi32> to vector<16xi32>
        %gather3A_596 = tpu.dynamic_gather %select_n3A[%gather3A_595] in [0] : vector<16xf32>, vector<16xi32> -> vector<16xf32>
        %add3A_597 = arith.addf %add3A_547, %gather3A_596 : vector<16xf32>
        %add3A_598 = arith.constant 3 : i32
        %add3A_599 = arith.addi %mul3A_563, %add3A_598 : i32
        %get3A_600 = arith.index_cast %add3A_599 : i32 to index
        %get3A_601 = arith.index_cast %multiple_of3A : i32 to index
        %get3A_602 = tpu.vector_load %arg11[%get3A_600, %get3A_601] {strides = array<i32>} : memref<200x128xi32, #tpu.memory_space<vmem>>, vector<16xi32>,
        %and3A_603 = arith.constant 15 : i32
        %and3A_604 = vector.broadcast %and3A_603 : i32 to vector<16xi32>
        %and3A_605 = arith.andi %get3A_602, %and3A_604 : vector<16xi32>
        %broadcast_in_dim3A_606 = vector.shape_cast %and3A_605 : vector<16xi32> to vector<16x1xi32>
        %gather3A_607 = vector.shape_cast %broadcast_in_dim3A_606 : vector<16x1xi32> to vector<16xi32>
        %gather3A_608 = tpu.dynamic_gather %select_n3A[%gather3A_607] in [0] : vector<16xf32>, vector<16xi32> -> vector<16xf32>
        %add3A_609 = arith.addf %add3A_559, %gather3A_608 : vector<16xf32>
        %scan3A_610 = arith.constant 5 : i32
        %scan3A_611 = arith.addi %scan3A_359, %scan3A_610 : i32
        %mul3A_612 = arith.constant 4 : i32
        %mul3A_613 = arith.muli %scan3A_611, %mul3A_612 : i32
        %get3A_614 = arith.index_cast %mul3A_613 : i32 to index
        %get3A_615 = arith.index_cast %multiple_of3A : i32 to index
        %get3A_616 = tpu.vector_load %arg11[%get3A_614, %get3A_615] {strides = array<i32>} : memref<200x128xi32, #tpu.memory_space<vmem>>, vector<16xi32>,
        %and3A_617 = arith.constant 15 : i32
        %and3A_618 = vector.broadcast %and3A_617 : i32 to vector<16xi32>
        %and3A_619 = arith.andi %get3A_616, %and3A_618 : vector<16xi32>
        %broadcast_in_dim3A_620 = vector.shape_cast %and3A_619 : vector<16xi32> to vector<16x1xi32>
        %gather3A_621 = vector.shape_cast %broadcast_in_dim3A_620 : vector<16x1xi32> to vector<16xi32>
        %gather3A_622 = tpu.dynamic_gather %select_n3A[%gather3A_621] in [0] : vector<16xf32>, vector<16xi32> -> vector<16xf32>
        %add3A_623 = arith.addf %add3A_573, %gather3A_622 : vector<16xf32>
        %add3A_624 = arith.constant 1 : i32
        %add3A_625 = arith.addi %mul3A_613, %add3A_624 : i32
        %get3A_626 = arith.index_cast %add3A_625 : i32 to index
        %get3A_627 = arith.index_cast %multiple_of3A : i32 to index
        %get3A_628 = tpu.vector_load %arg11[%get3A_626, %get3A_627] {strides = array<i32>} : memref<200x128xi32, #tpu.memory_space<vmem>>, vector<16xi32>,
        %and3A_629 = arith.constant 15 : i32
        %and3A_630 = vector.broadcast %and3A_629 : i32 to vector<16xi32>
        %and3A_631 = arith.andi %get3A_628, %and3A_630 : vector<16xi32>
        %broadcast_in_dim3A_632 = vector.shape_cast %and3A_631 : vector<16xi32> to vector<16x1xi32>
        %gather3A_633 = vector.shape_cast %broadcast_in_dim3A_632 : vector<16x1xi32> to vector<16xi32>
        %gather3A_634 = tpu.dynamic_gather %select_n3A[%gather3A_633] in [0] : vector<16xf32>, vector<16xi32> -> vector<16xf32>
        %add3A_635 = arith.addf %add3A_585, %gather3A_634 : vector<16xf32>
        %add3A_636 = arith.constant 2 : i32
        %add3A_637 = arith.addi %mul3A_613, %add3A_636 : i32
        %get3A_638 = arith.index_cast %add3A_637 : i32 to index
        %get3A_639 = arith.index_cast %multiple_of3A : i32 to index
        %get3A_640 = tpu.vector_load %arg11[%get3A_638, %get3A_639] {strides = array<i32>} : memref<200x128xi32, #tpu.memory_space<vmem>>, vector<16xi32>,
        %and3A_641 = arith.constant 15 : i32
        %and3A_642 = vector.broadcast %and3A_641 : i32 to vector<16xi32>
        %and3A_643 = arith.andi %get3A_640, %and3A_642 : vector<16xi32>
        %broadcast_in_dim3A_644 = vector.shape_cast %and3A_643 : vector<16xi32> to vector<16x1xi32>
        %gather3A_645 = vector.shape_cast %broadcast_in_dim3A_644 : vector<16x1xi32> to vector<16xi32>
        %gather3A_646 = tpu.dynamic_gather %select_n3A[%gather3A_645] in [0] : vector<16xf32>, vector<16xi32> -> vector<16xf32>
        %add3A_647 = arith.addf %add3A_597, %gather3A_646 : vector<16xf32>
        %add3A_648 = arith.constant 3 : i32
        %add3A_649 = arith.addi %mul3A_613, %add3A_648 : i32
        %get3A_650 = arith.index_cast %add3A_649 : i32 to index
        %get3A_651 = arith.index_cast %multiple_of3A : i32 to index
        %get3A_652 = tpu.vector_load %arg11[%get3A_650, %get3A_651] {strides = array<i32>} : memref<200x128xi32, #tpu.memory_space<vmem>>, vector<16xi32>,
        %and3A_653 = arith.constant 15 : i32
        %and3A_654 = vector.broadcast %and3A_653 : i32 to vector<16xi32>
        %and3A_655 = arith.andi %get3A_652, %and3A_654 : vector<16xi32>
        %broadcast_in_dim3A_656 = vector.shape_cast %and3A_655 : vector<16xi32> to vector<16x1xi32>
        %gather3A_657 = vector.shape_cast %broadcast_in_dim3A_656 : vector<16x1xi32> to vector<16xi32>
        %gather3A_658 = tpu.dynamic_gather %select_n3A[%gather3A_657] in [0] : vector<16xf32>, vector<16xi32> -> vector<16xf32>
        %add3A_659 = arith.addf %add3A_609, %gather3A_658 : vector<16xf32>
        %scan3A_660 = arith.constant 6 : i32
        %scan3A_661 = arith.addi %scan3A_359, %scan3A_660 : i32
        %mul3A_662 = arith.constant 4 : i32
        %mul3A_663 = arith.muli %scan3A_661, %mul3A_662 : i32
        %get3A_664 = arith.index_cast %mul3A_663 : i32 to index
        %get3A_665 = arith.index_cast %multiple_of3A : i32 to index
        %get3A_666 = tpu.vector_load %arg11[%get3A_664, %get3A_665] {strides = array<i32>} : memref<200x128xi32, #tpu.memory_space<vmem>>, vector<16xi32>,
        %and3A_667 = arith.constant 15 : i32
        %and3A_668 = vector.broadcast %and3A_667 : i32 to vector<16xi32>
        %and3A_669 = arith.andi %get3A_666, %and3A_668 : vector<16xi32>
        %broadcast_in_dim3A_670 = vector.shape_cast %and3A_669 : vector<16xi32> to vector<16x1xi32>
        %gather3A_671 = vector.shape_cast %broadcast_in_dim3A_670 : vector<16x1xi32> to vector<16xi32>
        %gather3A_672 = tpu.dynamic_gather %select_n3A[%gather3A_671] in [0] : vector<16xf32>, vector<16xi32> -> vector<16xf32>
        %add3A_673 = arith.addf %add3A_623, %gather3A_672 : vector<16xf32>
        %add3A_674 = arith.constant 1 : i32
        %add3A_675 = arith.addi %mul3A_663, %add3A_674 : i32
        %get3A_676 = arith.index_cast %add3A_675 : i32 to index
        %get3A_677 = arith.index_cast %multiple_of3A : i32 to index
        %get3A_678 = tpu.vector_load %arg11[%get3A_676, %get3A_677] {strides = array<i32>} : memref<200x128xi32, #tpu.memory_space<vmem>>, vector<16xi32>,
        %and3A_679 = arith.constant 15 : i32
        %and3A_680 = vector.broadcast %and3A_679 : i32 to vector<16xi32>
        %and3A_681 = arith.andi %get3A_678, %and3A_680 : vector<16xi32>
        %broadcast_in_dim3A_682 = vector.shape_cast %and3A_681 : vector<16xi32> to vector<16x1xi32>
        %gather3A_683 = vector.shape_cast %broadcast_in_dim3A_682 : vector<16x1xi32> to vector<16xi32>
        %gather3A_684 = tpu.dynamic_gather %select_n3A[%gather3A_683] in [0] : vector<16xf32>, vector<16xi32> -> vector<16xf32>
        %add3A_685 = arith.addf %add3A_635, %gather3A_684 : vector<16xf32>
        %add3A_686 = arith.constant 2 : i32
        %add3A_687 = arith.addi %mul3A_663, %add3A_686 : i32
        %get3A_688 = arith.index_cast %add3A_687 : i32 to index
        %get3A_689 = arith.index_cast %multiple_of3A : i32 to index
        %get3A_690 = tpu.vector_load %arg11[%get3A_688, %get3A_689] {strides = array<i32>} : memref<200x128xi32, #tpu.memory_space<vmem>>, vector<16xi32>,
        %and3A_691 = arith.constant 15 : i32
        %and3A_692 = vector.broadcast %and3A_691 : i32 to vector<16xi32>
        %and3A_693 = arith.andi %get3A_690, %and3A_692 : vector<16xi32>
        %broadcast_in_dim3A_694 = vector.shape_cast %and3A_693 : vector<16xi32> to vector<16x1xi32>
        %gather3A_695 = vector.shape_cast %broadcast_in_dim3A_694 : vector<16x1xi32> to vector<16xi32>
        %gather3A_696 = tpu.dynamic_gather %select_n3A[%gather3A_695] in [0] : vector<16xf32>, vector<16xi32> -> vector<16xf32>
        %add3A_697 = arith.addf %add3A_647, %gather3A_696 : vector<16xf32>
        %add3A_698 = arith.constant 3 : i32
        %add3A_699 = arith.addi %mul3A_663, %add3A_698 : i32
        %get3A_700 = arith.index_cast %add3A_699 : i32 to index
        %get3A_701 = arith.index_cast %multiple_of3A : i32 to index
        %get3A_702 = tpu.vector_load %arg11[%get3A_700, %get3A_701] {strides = array<i32>} : memref<200x128xi32, #tpu.memory_space<vmem>>, vector<16xi32>,
        %and3A_703 = arith.constant 15 : i32
        %and3A_704 = vector.broadcast %and3A_703 : i32 to vector<16xi32>
        %and3A_705 = arith.andi %get3A_702, %and3A_704 : vector<16xi32>
        %broadcast_in_dim3A_706 = vector.shape_cast %and3A_705 : vector<16xi32> to vector<16x1xi32>
        %gather3A_707 = vector.shape_cast %broadcast_in_dim3A_706 : vector<16x1xi32> to vector<16xi32>
        %gather3A_708 = tpu.dynamic_gather %select_n3A[%gather3A_707] in [0] : vector<16xf32>, vector<16xi32> -> vector<16xf32>
        %add3A_709 = arith.addf %add3A_659, %gather3A_708 : vector<16xf32>
        %scan3A_710 = arith.constant 7 : i32
        %scan3A_711 = arith.addi %scan3A_359, %scan3A_710 : i32
        %mul3A_712 = arith.constant 4 : i32
        %mul3A_713 = arith.muli %scan3A_711, %mul3A_712 : i32
        %get3A_714 = arith.index_cast %mul3A_713 : i32 to index
        %get3A_715 = arith.index_cast %multiple_of3A : i32 to index
        %get3A_716 = tpu.vector_load %arg11[%get3A_714, %get3A_715] {strides = array<i32>} : memref<200x128xi32, #tpu.memory_space<vmem>>, vector<16xi32>,
        %and3A_717 = arith.constant 15 : i32
        %and3A_718 = vector.broadcast %and3A_717 : i32 to vector<16xi32>
        %and3A_719 = arith.andi %get3A_716, %and3A_718 : vector<16xi32>
        %broadcast_in_dim3A_720 = vector.shape_cast %and3A_719 : vector<16xi32> to vector<16x1xi32>
        %gather3A_721 = vector.shape_cast %broadcast_in_dim3A_720 : vector<16x1xi32> to vector<16xi32>
        %gather3A_722 = tpu.dynamic_gather %select_n3A[%gather3A_721] in [0] : vector<16xf32>, vector<16xi32> -> vector<16xf32>
        %add3A_723 = arith.addf %add3A_673, %gather3A_722 : vector<16xf32>
        %add3A_724 = arith.constant 1 : i32
        %add3A_725 = arith.addi %mul3A_713, %add3A_724 : i32
        %get3A_726 = arith.index_cast %add3A_725 : i32 to index
        %get3A_727 = arith.index_cast %multiple_of3A : i32 to index
        %get3A_728 = tpu.vector_load %arg11[%get3A_726, %get3A_727] {strides = array<i32>} : memref<200x128xi32, #tpu.memory_space<vmem>>, vector<16xi32>,
        %and3A_729 = arith.constant 15 : i32
        %and3A_730 = vector.broadcast %and3A_729 : i32 to vector<16xi32>
        %and3A_731 = arith.andi %get3A_728, %and3A_730 : vector<16xi32>
        %broadcast_in_dim3A_732 = vector.shape_cast %and3A_731 : vector<16xi32> to vector<16x1xi32>
        %gather3A_733 = vector.shape_cast %broadcast_in_dim3A_732 : vector<16x1xi32> to vector<16xi32>
        %gather3A_734 = tpu.dynamic_gather %select_n3A[%gather3A_733] in [0] : vector<16xf32>, vector<16xi32> -> vector<16xf32>
        %add3A_735 = arith.addf %add3A_685, %gather3A_734 : vector<16xf32>
        %add3A_736 = arith.constant 2 : i32
        %add3A_737 = arith.addi %mul3A_713, %add3A_736 : i32
        %get3A_738 = arith.index_cast %add3A_737 : i32 to index
        %get3A_739 = arith.index_cast %multiple_of3A : i32 to index
        %get3A_740 = tpu.vector_load %arg11[%get3A_738, %get3A_739] {strides = array<i32>} : memref<200x128xi32, #tpu.memory_space<vmem>>, vector<16xi32>,
        %and3A_741 = arith.constant 15 : i32
        %and3A_742 = vector.broadcast %and3A_741 : i32 to vector<16xi32>
        %and3A_743 = arith.andi %get3A_740, %and3A_742 : vector<16xi32>
        %broadcast_in_dim3A_744 = vector.shape_cast %and3A_743 : vector<16xi32> to vector<16x1xi32>
        %gather3A_745 = vector.shape_cast %broadcast_in_dim3A_744 : vector<16x1xi32> to vector<16xi32>
        %gather3A_746 = tpu.dynamic_gather %select_n3A[%gather3A_745] in [0] : vector<16xf32>, vector<16xi32> -> vector<16xf32>
        %add3A_747 = arith.addf %add3A_697, %gather3A_746 : vector<16xf32>
        %add3A_748 = arith.constant 3 : i32
        %add3A_749 = arith.addi %mul3A_713, %add3A_748 : i32
        %get3A_750 = arith.index_cast %add3A_749 : i32 to index
        %get3A_751 = arith.index_cast %multiple_of3A : i32 to index
        %get3A_752 = tpu.vector_load %arg11[%get3A_750, %get3A_751] {strides = array<i32>} : memref<200x128xi32, #tpu.memory_space<vmem>>, vector<16xi32>,
        %and3A_753 = arith.constant 15 : i32
        %and3A_754 = vector.broadcast %and3A_753 : i32 to vector<16xi32>
        %and3A_755 = arith.andi %get3A_752, %and3A_754 : vector<16xi32>
        %broadcast_in_dim3A_756 = vector.shape_cast %and3A_755 : vector<16xi32> to vector<16x1xi32>
        %gather3A_757 = vector.shape_cast %broadcast_in_dim3A_756 : vector<16x1xi32> to vector<16xi32>
        %gather3A_758 = tpu.dynamic_gather %select_n3A[%gather3A_757] in [0] : vector<16xf32>, vector<16xi32> -> vector<16xf32>
        %add3A_759 = arith.addf %add3A_709, %gather3A_758 : vector<16xf32>
        %scan3A_760 = arith.constant 8 : i32
        %scan3A_761 = arith.addi %scan3A_359, %scan3A_760 : i32
        %mul3A_762 = arith.constant 4 : i32
        %mul3A_763 = arith.muli %scan3A_761, %mul3A_762 : i32
        %get3A_764 = arith.index_cast %mul3A_763 : i32 to index
        %get3A_765 = arith.index_cast %multiple_of3A : i32 to index
        %get3A_766 = tpu.vector_load %arg11[%get3A_764, %get3A_765] {strides = array<i32>} : memref<200x128xi32, #tpu.memory_space<vmem>>, vector<16xi32>,
        %and3A_767 = arith.constant 15 : i32
        %and3A_768 = vector.broadcast %and3A_767 : i32 to vector<16xi32>
        %and3A_769 = arith.andi %get3A_766, %and3A_768 : vector<16xi32>
        %broadcast_in_dim3A_770 = vector.shape_cast %and3A_769 : vector<16xi32> to vector<16x1xi32>
        %gather3A_771 = vector.shape_cast %broadcast_in_dim3A_770 : vector<16x1xi32> to vector<16xi32>
        %gather3A_772 = tpu.dynamic_gather %select_n3A[%gather3A_771] in [0] : vector<16xf32>, vector<16xi32> -> vector<16xf32>
        %add3A_773 = arith.addf %add3A_723, %gather3A_772 : vector<16xf32>
        %add3A_774 = arith.constant 1 : i32
        %add3A_775 = arith.addi %mul3A_763, %add3A_774 : i32
        %get3A_776 = arith.index_cast %add3A_775 : i32 to index
        %get3A_777 = arith.index_cast %multiple_of3A : i32 to index
        %get3A_778 = tpu.vector_load %arg11[%get3A_776, %get3A_777] {strides = array<i32>} : memref<200x128xi32, #tpu.memory_space<vmem>>, vector<16xi32>,
        %and3A_779 = arith.constant 15 : i32
        %and3A_780 = vector.broadcast %and3A_779 : i32 to vector<16xi32>
        %and3A_781 = arith.andi %get3A_778, %and3A_780 : vector<16xi32>
        %broadcast_in_dim3A_782 = vector.shape_cast %and3A_781 : vector<16xi32> to vector<16x1xi32>
        %gather3A_783 = vector.shape_cast %broadcast_in_dim3A_782 : vector<16x1xi32> to vector<16xi32>
        %gather3A_784 = tpu.dynamic_gather %select_n3A[%gather3A_783] in [0] : vector<16xf32>, vector<16xi32> -> vector<16xf32>
        %add3A_785 = arith.addf %add3A_735, %gather3A_784 : vector<16xf32>
        %add3A_786 = arith.constant 2 : i32
        %add3A_787 = arith.addi %mul3A_763, %add3A_786 : i32
        %get3A_788 = arith.index_cast %add3A_787 : i32 to index
        %get3A_789 = arith.index_cast %multiple_of3A : i32 to index
        %get3A_790 = tpu.vector_load %arg11[%get3A_788, %get3A_789] {strides = array<i32>} : memref<200x128xi32, #tpu.memory_space<vmem>>, vector<16xi32>,
        %and3A_791 = arith.constant 15 : i32
        %and3A_792 = vector.broadcast %and3A_791 : i32 to vector<16xi32>
        %and3A_793 = arith.andi %get3A_790, %and3A_792 : vector<16xi32>
        %broadcast_in_dim3A_794 = vector.shape_cast %and3A_793 : vector<16xi32> to vector<16x1xi32>
        %gather3A_795 = vector.shape_cast %broadcast_in_dim3A_794 : vector<16x1xi32> to vector<16xi32>
        %gather3A_796 = tpu.dynamic_gather %select_n3A[%gather3A_795] in [0] : vector<16xf32>, vector<16xi32> -> vector<16xf32>
        %add3A_797 = arith.addf %add3A_747, %gather3A_796 : vector<16xf32>
        %add3A_798 = arith.constant 3 : i32
        %add3A_799 = arith.addi %mul3A_763, %add3A_798 : i32
        %get3A_800 = arith.index_cast %add3A_799 : i32 to index
        %get3A_801 = arith.index_cast %multiple_of3A : i32 to index
        %get3A_802 = tpu.vector_load %arg11[%get3A_800, %get3A_801] {strides = array<i32>} : memref<200x128xi32, #tpu.memory_space<vmem>>, vector<16xi32>,
        %and3A_803 = arith.constant 15 : i32
        %and3A_804 = vector.broadcast %and3A_803 : i32 to vector<16xi32>
        %and3A_805 = arith.andi %get3A_802, %and3A_804 : vector<16xi32>
        %broadcast_in_dim3A_806 = vector.shape_cast %and3A_805 : vector<16xi32> to vector<16x1xi32>
        %gather3A_807 = vector.shape_cast %broadcast_in_dim3A_806 : vector<16x1xi32> to vector<16xi32>
        %gather3A_808 = tpu.dynamic_gather %select_n3A[%gather3A_807] in [0] : vector<16xf32>, vector<16xi32> -> vector<16xf32>
        %add3A_809 = arith.addf %add3A_759, %gather3A_808 : vector<16xf32>
        %scan3A_810 = arith.constant 9 : i32
        %scan3A_811 = arith.addi %scan3A_359, %scan3A_810 : i32
        %mul3A_812 = arith.constant 4 : i32
        %mul3A_813 = arith.muli %scan3A_811, %mul3A_812 : i32
        %get3A_814 = arith.index_cast %mul3A_813 : i32 to index
        %get3A_815 = arith.index_cast %multiple_of3A : i32 to index
        %get3A_816 = tpu.vector_load %arg11[%get3A_814, %get3A_815] {strides = array<i32>} : memref<200x128xi32, #tpu.memory_space<vmem>>, vector<16xi32>,
        %and3A_817 = arith.constant 15 : i32
        %and3A_818 = vector.broadcast %and3A_817 : i32 to vector<16xi32>
        %and3A_819 = arith.andi %get3A_816, %and3A_818 : vector<16xi32>
        %broadcast_in_dim3A_820 = vector.shape_cast %and3A_819 : vector<16xi32> to vector<16x1xi32>
        %gather3A_821 = vector.shape_cast %broadcast_in_dim3A_820 : vector<16x1xi32> to vector<16xi32>
        %gather3A_822 = tpu.dynamic_gather %select_n3A[%gather3A_821] in [0] : vector<16xf32>, vector<16xi32> -> vector<16xf32>
        %add3A_823 = arith.addf %add3A_773, %gather3A_822 : vector<16xf32>
        %add3A_824 = arith.constant 1 : i32
        %add3A_825 = arith.addi %mul3A_813, %add3A_824 : i32
        %get3A_826 = arith.index_cast %add3A_825 : i32 to index
        %get3A_827 = arith.index_cast %multiple_of3A : i32 to index
        %get3A_828 = tpu.vector_load %arg11[%get3A_826, %get3A_827] {strides = array<i32>} : memref<200x128xi32, #tpu.memory_space<vmem>>, vector<16xi32>,
        %and3A_829 = arith.constant 15 : i32
        %and3A_830 = vector.broadcast %and3A_829 : i32 to vector<16xi32>
        %and3A_831 = arith.andi %get3A_828, %and3A_830 : vector<16xi32>
        %broadcast_in_dim3A_832 = vector.shape_cast %and3A_831 : vector<16xi32> to vector<16x1xi32>
        %gather3A_833 = vector.shape_cast %broadcast_in_dim3A_832 : vector<16x1xi32> to vector<16xi32>
        %gather3A_834 = tpu.dynamic_gather %select_n3A[%gather3A_833] in [0] : vector<16xf32>, vector<16xi32> -> vector<16xf32>
        %add3A_835 = arith.addf %add3A_785, %gather3A_834 : vector<16xf32>
        %add3A_836 = arith.constant 2 : i32
        %add3A_837 = arith.addi %mul3A_813, %add3A_836 : i32
        %get3A_838 = arith.index_cast %add3A_837 : i32 to index
        %get3A_839 = arith.index_cast %multiple_of3A : i32 to index
        %get3A_840 = tpu.vector_load %arg11[%get3A_838, %get3A_839] {strides = array<i32>} : memref<200x128xi32, #tpu.memory_space<vmem>>, vector<16xi32>,
        %and3A_841 = arith.constant 15 : i32
        %and3A_842 = vector.broadcast %and3A_841 : i32 to vector<16xi32>
        %and3A_843 = arith.andi %get3A_840, %and3A_842 : vector<16xi32>
        %broadcast_in_dim3A_844 = vector.shape_cast %and3A_843 : vector<16xi32> to vector<16x1xi32>
        %gather3A_845 = vector.shape_cast %broadcast_in_dim3A_844 : vector<16x1xi32> to vector<16xi32>
        %gather3A_846 = tpu.dynamic_gather %select_n3A[%gather3A_845] in [0] : vector<16xf32>, vector<16xi32> -> vector<16xf32>
        %add3A_847 = arith.addf %add3A_797, %gather3A_846 : vector<16xf32>
        %add3A_848 = arith.constant 3 : i32
        %add3A_849 = arith.addi %mul3A_813, %add3A_848 : i32
        %get3A_850 = arith.index_cast %add3A_849 : i32 to index
        %get3A_851 = arith.index_cast %multiple_of3A : i32 to index
        %get3A_852 = tpu.vector_load %arg11[%get3A_850, %get3A_851] {strides = array<i32>} : memref<200x128xi32, #tpu.memory_space<vmem>>, vector<16xi32>,
        %and3A_853 = arith.constant 15 : i32
        %and3A_854 = vector.broadcast %and3A_853 : i32 to vector<16xi32>
        %and3A_855 = arith.andi %get3A_852, %and3A_854 : vector<16xi32>
        %broadcast_in_dim3A_856 = vector.shape_cast %and3A_855 : vector<16xi32> to vector<16x1xi32>
        %gather3A_857 = vector.shape_cast %broadcast_in_dim3A_856 : vector<16x1xi32> to vector<16xi32>
        %gather3A_858 = tpu.dynamic_gather %select_n3A[%gather3A_857] in [0] : vector<16xf32>, vector<16xi32> -> vector<16xf32>
        %add3A_859 = arith.addf %add3A_809, %gather3A_858 : vector<16xf32>
        scf.yield %add3A_823, %add3A_835, %add3A_847, %add3A_859 : vector<16xf32>, vector<16xf32>, vector<16xf32>, vector<16xf32>
      }
      %scan3A_348 = arith.constant 50 : i32
      %mul3A_349 = arith.constant 16 : i32
      %mul3A_350 = arith.muli %scan3A_340, %mul3A_349 : i32
      %add3A_351 = arith.constant 128 : i32
      %add3A_352 = arith.addi %add3A_351, %mul3A_350 : i32
      %multiple_of3A_353 = tpu.assume_multiple %add3A_352, 16 : i32
      %add3A_354 = arith.addf %scan3A_347#0, %scan3A_347#1 : vector<16xf32>
      %add3A_355 = arith.addf %scan3A_347#2, %scan3A_347#3 : vector<16xf32>
      %add3A_356 = arith.addf %add3A_354, %add3A_355 : vector<16xf32>
      %swap3A_357 = arith.index_cast %multiple_of3A_353 : i32 to index
      %swap3A_358 = tpu.vector_load %arg9[%swap3A_357] {strides = array<i32>} : memref<512xf32, #tpu.memory_space<vmem>>, vector<16xf32>,
      tpu.vector_store %arg9[%swap3A_357], %add3A_356 {strides = array<i32>} : memref<512xf32, #tpu.memory_space<vmem>>, vector<16xf32>,
    }
    %scan3A_80 = arith.constant 8 : i32
    %dma_wait3A_81 = arith.constant 0 : i32
    %dma_wait3A_82 = tpu.memref_slice %arg2[%dma_wait3A_81, %add3A_15] : memref<200x16384xi32, #tpu.memory_space<hbm>> -> memref<200x128xi32, #tpu.memory_space<hbm>>
    %dma_wait3A_83 = arith.constant 0 : i32
    %dma_wait3A_84 = tpu.memref_slice %arg2[%dma_wait3A_83, %add3A_15] : memref<200x16384xi32, #tpu.memory_space<hbm>> -> memref<200x128xi32, #tpu.memory_space<hbm>>
    tpu.wait_dma2 semaphore(%arg16 : memref<!tpu.dma_semaphore, #tpu.memory_space<semaphore_mem>>) src(%dma_wait3A_84 : memref<200x128xi32, #tpu.memory_space<hbm>>) dst(%arg12 : memref<200x128xi32, #tpu.memory_space<vmem>>)
    %scan3A_85 = arith.constant 0 : i32
    %scan3A_86 = arith.constant 0 : i32
    %scan3A_87 = arith.constant 8 : i32
    %scan3A_88 = arith.addi %scan3A_86, %scan3A_87 : i32
    %scan3A_89 = arith.constant 1 : i32
    scf.for %scan3A_340 = %scan3A_86 to %scan3A_88 step %scan3A_89  : i32 {
      %mul3A_341 = arith.constant 16 : i32
      %mul3A_342 = arith.muli %scan3A_340, %mul3A_341 : i32
      %multiple_of3A = tpu.assume_multiple %mul3A_342, 16 : i32
      %scan3A_343 = arith.constant 0 : i32
      %scan3A_344 = arith.constant 50 : i32
      %scan3A_345 = arith.addi %scan3A_343, %scan3A_344 : i32
      %scan3A_346 = arith.constant 10 : i32
      %scan3A_347:4 = scf.for %scan3A_359 = %scan3A_343 to %scan3A_345 step %scan3A_346 iter_args(%scan3A_360 = %broadcast_in_dim3A_30, %scan3A_361 = %broadcast_in_dim3A_30, %scan3A_362 = %broadcast_in_dim3A_30, %scan3A_363 = %broadcast_in_dim3A_30) -> (vector<16xf32>, vector<16xf32>, vector<16xf32>, vector<16xf32>)  : i32 {
        %mul3A_364 = arith.constant 4 : i32
        %mul3A_365 = arith.muli %scan3A_359, %mul3A_364 : i32
        %get3A_366 = arith.index_cast %mul3A_365 : i32 to index
        %get3A_367 = arith.index_cast %multiple_of3A : i32 to index
        %get3A_368 = tpu.vector_load %arg12[%get3A_366, %get3A_367] {strides = array<i32>} : memref<200x128xi32, #tpu.memory_space<vmem>>, vector<16xi32>,
        %and3A = arith.constant 15 : i32
        %and3A_369 = vector.broadcast %and3A : i32 to vector<16xi32>
        %and3A_370 = arith.andi %get3A_368, %and3A_369 : vector<16xi32>
        %broadcast_in_dim3A_371 = vector.shape_cast %and3A_370 : vector<16xi32> to vector<16x1xi32>
        %gather3A = vector.shape_cast %broadcast_in_dim3A_371 : vector<16x1xi32> to vector<16xi32>
        %gather3A_372 = tpu.dynamic_gather %select_n3A[%gather3A] in [0] : vector<16xf32>, vector<16xi32> -> vector<16xf32>
        %add3A_373 = arith.addf %scan3A_360, %gather3A_372 : vector<16xf32>
        %add3A_374 = arith.constant 1 : i32
        %add3A_375 = arith.addi %mul3A_365, %add3A_374 : i32
        %get3A_376 = arith.index_cast %add3A_375 : i32 to index
        %get3A_377 = arith.index_cast %multiple_of3A : i32 to index
        %get3A_378 = tpu.vector_load %arg12[%get3A_376, %get3A_377] {strides = array<i32>} : memref<200x128xi32, #tpu.memory_space<vmem>>, vector<16xi32>,
        %and3A_379 = arith.constant 15 : i32
        %and3A_380 = vector.broadcast %and3A_379 : i32 to vector<16xi32>
        %and3A_381 = arith.andi %get3A_378, %and3A_380 : vector<16xi32>
        %broadcast_in_dim3A_382 = vector.shape_cast %and3A_381 : vector<16xi32> to vector<16x1xi32>
        %gather3A_383 = vector.shape_cast %broadcast_in_dim3A_382 : vector<16x1xi32> to vector<16xi32>
        %gather3A_384 = tpu.dynamic_gather %select_n3A[%gather3A_383] in [0] : vector<16xf32>, vector<16xi32> -> vector<16xf32>
        %add3A_385 = arith.addf %scan3A_361, %gather3A_384 : vector<16xf32>
        %add3A_386 = arith.constant 2 : i32
        %add3A_387 = arith.addi %mul3A_365, %add3A_386 : i32
        %get3A_388 = arith.index_cast %add3A_387 : i32 to index
        %get3A_389 = arith.index_cast %multiple_of3A : i32 to index
        %get3A_390 = tpu.vector_load %arg12[%get3A_388, %get3A_389] {strides = array<i32>} : memref<200x128xi32, #tpu.memory_space<vmem>>, vector<16xi32>,
        %and3A_391 = arith.constant 15 : i32
        %and3A_392 = vector.broadcast %and3A_391 : i32 to vector<16xi32>
        %and3A_393 = arith.andi %get3A_390, %and3A_392 : vector<16xi32>
        %broadcast_in_dim3A_394 = vector.shape_cast %and3A_393 : vector<16xi32> to vector<16x1xi32>
        %gather3A_395 = vector.shape_cast %broadcast_in_dim3A_394 : vector<16x1xi32> to vector<16xi32>
        %gather3A_396 = tpu.dynamic_gather %select_n3A[%gather3A_395] in [0] : vector<16xf32>, vector<16xi32> -> vector<16xf32>
        %add3A_397 = arith.addf %scan3A_362, %gather3A_396 : vector<16xf32>
        %add3A_398 = arith.constant 3 : i32
        %add3A_399 = arith.addi %mul3A_365, %add3A_398 : i32
        %get3A_400 = arith.index_cast %add3A_399 : i32 to index
        %get3A_401 = arith.index_cast %multiple_of3A : i32 to index
        %get3A_402 = tpu.vector_load %arg12[%get3A_400, %get3A_401] {strides = array<i32>} : memref<200x128xi32, #tpu.memory_space<vmem>>, vector<16xi32>,
        %and3A_403 = arith.constant 15 : i32
        %and3A_404 = vector.broadcast %and3A_403 : i32 to vector<16xi32>
        %and3A_405 = arith.andi %get3A_402, %and3A_404 : vector<16xi32>
        %broadcast_in_dim3A_406 = vector.shape_cast %and3A_405 : vector<16xi32> to vector<16x1xi32>
        %gather3A_407 = vector.shape_cast %broadcast_in_dim3A_406 : vector<16x1xi32> to vector<16xi32>
        %gather3A_408 = tpu.dynamic_gather %select_n3A[%gather3A_407] in [0] : vector<16xf32>, vector<16xi32> -> vector<16xf32>
        %add3A_409 = arith.addf %scan3A_363, %gather3A_408 : vector<16xf32>
        %scan3A_410 = arith.constant 1 : i32
        %scan3A_411 = arith.addi %scan3A_359, %scan3A_410 : i32
        %mul3A_412 = arith.constant 4 : i32
        %mul3A_413 = arith.muli %scan3A_411, %mul3A_412 : i32
        %get3A_414 = arith.index_cast %mul3A_413 : i32 to index
        %get3A_415 = arith.index_cast %multiple_of3A : i32 to index
        %get3A_416 = tpu.vector_load %arg12[%get3A_414, %get3A_415] {strides = array<i32>} : memref<200x128xi32, #tpu.memory_space<vmem>>, vector<16xi32>,
        %and3A_417 = arith.constant 15 : i32
        %and3A_418 = vector.broadcast %and3A_417 : i32 to vector<16xi32>
        %and3A_419 = arith.andi %get3A_416, %and3A_418 : vector<16xi32>
        %broadcast_in_dim3A_420 = vector.shape_cast %and3A_419 : vector<16xi32> to vector<16x1xi32>
        %gather3A_421 = vector.shape_cast %broadcast_in_dim3A_420 : vector<16x1xi32> to vector<16xi32>
        %gather3A_422 = tpu.dynamic_gather %select_n3A[%gather3A_421] in [0] : vector<16xf32>, vector<16xi32> -> vector<16xf32>
        %add3A_423 = arith.addf %add3A_373, %gather3A_422 : vector<16xf32>
        %add3A_424 = arith.constant 1 : i32
        %add3A_425 = arith.addi %mul3A_413, %add3A_424 : i32
        %get3A_426 = arith.index_cast %add3A_425 : i32 to index
        %get3A_427 = arith.index_cast %multiple_of3A : i32 to index
        %get3A_428 = tpu.vector_load %arg12[%get3A_426, %get3A_427] {strides = array<i32>} : memref<200x128xi32, #tpu.memory_space<vmem>>, vector<16xi32>,
        %and3A_429 = arith.constant 15 : i32
        %and3A_430 = vector.broadcast %and3A_429 : i32 to vector<16xi32>
        %and3A_431 = arith.andi %get3A_428, %and3A_430 : vector<16xi32>
        %broadcast_in_dim3A_432 = vector.shape_cast %and3A_431 : vector<16xi32> to vector<16x1xi32>
        %gather3A_433 = vector.shape_cast %broadcast_in_dim3A_432 : vector<16x1xi32> to vector<16xi32>
        %gather3A_434 = tpu.dynamic_gather %select_n3A[%gather3A_433] in [0] : vector<16xf32>, vector<16xi32> -> vector<16xf32>
        %add3A_435 = arith.addf %add3A_385, %gather3A_434 : vector<16xf32>
        %add3A_436 = arith.constant 2 : i32
        %add3A_437 = arith.addi %mul3A_413, %add3A_436 : i32
        %get3A_438 = arith.index_cast %add3A_437 : i32 to index
        %get3A_439 = arith.index_cast %multiple_of3A : i32 to index
        %get3A_440 = tpu.vector_load %arg12[%get3A_438, %get3A_439] {strides = array<i32>} : memref<200x128xi32, #tpu.memory_space<vmem>>, vector<16xi32>,
        %and3A_441 = arith.constant 15 : i32
        %and3A_442 = vector.broadcast %and3A_441 : i32 to vector<16xi32>
        %and3A_443 = arith.andi %get3A_440, %and3A_442 : vector<16xi32>
        %broadcast_in_dim3A_444 = vector.shape_cast %and3A_443 : vector<16xi32> to vector<16x1xi32>
        %gather3A_445 = vector.shape_cast %broadcast_in_dim3A_444 : vector<16x1xi32> to vector<16xi32>
        %gather3A_446 = tpu.dynamic_gather %select_n3A[%gather3A_445] in [0] : vector<16xf32>, vector<16xi32> -> vector<16xf32>
        %add3A_447 = arith.addf %add3A_397, %gather3A_446 : vector<16xf32>
        %add3A_448 = arith.constant 3 : i32
        %add3A_449 = arith.addi %mul3A_413, %add3A_448 : i32
        %get3A_450 = arith.index_cast %add3A_449 : i32 to index
        %get3A_451 = arith.index_cast %multiple_of3A : i32 to index
        %get3A_452 = tpu.vector_load %arg12[%get3A_450, %get3A_451] {strides = array<i32>} : memref<200x128xi32, #tpu.memory_space<vmem>>, vector<16xi32>,
        %and3A_453 = arith.constant 15 : i32
        %and3A_454 = vector.broadcast %and3A_453 : i32 to vector<16xi32>
        %and3A_455 = arith.andi %get3A_452, %and3A_454 : vector<16xi32>
        %broadcast_in_dim3A_456 = vector.shape_cast %and3A_455 : vector<16xi32> to vector<16x1xi32>
        %gather3A_457 = vector.shape_cast %broadcast_in_dim3A_456 : vector<16x1xi32> to vector<16xi32>
        %gather3A_458 = tpu.dynamic_gather %select_n3A[%gather3A_457] in [0] : vector<16xf32>, vector<16xi32> -> vector<16xf32>
        %add3A_459 = arith.addf %add3A_409, %gather3A_458 : vector<16xf32>
        %scan3A_460 = arith.constant 2 : i32
        %scan3A_461 = arith.addi %scan3A_359, %scan3A_460 : i32
        %mul3A_462 = arith.constant 4 : i32
        %mul3A_463 = arith.muli %scan3A_461, %mul3A_462 : i32
        %get3A_464 = arith.index_cast %mul3A_463 : i32 to index
        %get3A_465 = arith.index_cast %multiple_of3A : i32 to index
        %get3A_466 = tpu.vector_load %arg12[%get3A_464, %get3A_465] {strides = array<i32>} : memref<200x128xi32, #tpu.memory_space<vmem>>, vector<16xi32>,
        %and3A_467 = arith.constant 15 : i32
        %and3A_468 = vector.broadcast %and3A_467 : i32 to vector<16xi32>
        %and3A_469 = arith.andi %get3A_466, %and3A_468 : vector<16xi32>
        %broadcast_in_dim3A_470 = vector.shape_cast %and3A_469 : vector<16xi32> to vector<16x1xi32>
        %gather3A_471 = vector.shape_cast %broadcast_in_dim3A_470 : vector<16x1xi32> to vector<16xi32>
        %gather3A_472 = tpu.dynamic_gather %select_n3A[%gather3A_471] in [0] : vector<16xf32>, vector<16xi32> -> vector<16xf32>
        %add3A_473 = arith.addf %add3A_423, %gather3A_472 : vector<16xf32>
        %add3A_474 = arith.constant 1 : i32
        %add3A_475 = arith.addi %mul3A_463, %add3A_474 : i32
        %get3A_476 = arith.index_cast %add3A_475 : i32 to index
        %get3A_477 = arith.index_cast %multiple_of3A : i32 to index
        %get3A_478 = tpu.vector_load %arg12[%get3A_476, %get3A_477] {strides = array<i32>} : memref<200x128xi32, #tpu.memory_space<vmem>>, vector<16xi32>,
        %and3A_479 = arith.constant 15 : i32
        %and3A_480 = vector.broadcast %and3A_479 : i32 to vector<16xi32>
        %and3A_481 = arith.andi %get3A_478, %and3A_480 : vector<16xi32>
        %broadcast_in_dim3A_482 = vector.shape_cast %and3A_481 : vector<16xi32> to vector<16x1xi32>
        %gather3A_483 = vector.shape_cast %broadcast_in_dim3A_482 : vector<16x1xi32> to vector<16xi32>
        %gather3A_484 = tpu.dynamic_gather %select_n3A[%gather3A_483] in [0] : vector<16xf32>, vector<16xi32> -> vector<16xf32>
        %add3A_485 = arith.addf %add3A_435, %gather3A_484 : vector<16xf32>
        %add3A_486 = arith.constant 2 : i32
        %add3A_487 = arith.addi %mul3A_463, %add3A_486 : i32
        %get3A_488 = arith.index_cast %add3A_487 : i32 to index
        %get3A_489 = arith.index_cast %multiple_of3A : i32 to index
        %get3A_490 = tpu.vector_load %arg12[%get3A_488, %get3A_489] {strides = array<i32>} : memref<200x128xi32, #tpu.memory_space<vmem>>, vector<16xi32>,
        %and3A_491 = arith.constant 15 : i32
        %and3A_492 = vector.broadcast %and3A_491 : i32 to vector<16xi32>
        %and3A_493 = arith.andi %get3A_490, %and3A_492 : vector<16xi32>
        %broadcast_in_dim3A_494 = vector.shape_cast %and3A_493 : vector<16xi32> to vector<16x1xi32>
        %gather3A_495 = vector.shape_cast %broadcast_in_dim3A_494 : vector<16x1xi32> to vector<16xi32>
        %gather3A_496 = tpu.dynamic_gather %select_n3A[%gather3A_495] in [0] : vector<16xf32>, vector<16xi32> -> vector<16xf32>
        %add3A_497 = arith.addf %add3A_447, %gather3A_496 : vector<16xf32>
        %add3A_498 = arith.constant 3 : i32
        %add3A_499 = arith.addi %mul3A_463, %add3A_498 : i32
        %get3A_500 = arith.index_cast %add3A_499 : i32 to index
        %get3A_501 = arith.index_cast %multiple_of3A : i32 to index
        %get3A_502 = tpu.vector_load %arg12[%get3A_500, %get3A_501] {strides = array<i32>} : memref<200x128xi32, #tpu.memory_space<vmem>>, vector<16xi32>,
        %and3A_503 = arith.constant 15 : i32
        %and3A_504 = vector.broadcast %and3A_503 : i32 to vector<16xi32>
        %and3A_505 = arith.andi %get3A_502, %and3A_504 : vector<16xi32>
        %broadcast_in_dim3A_506 = vector.shape_cast %and3A_505 : vector<16xi32> to vector<16x1xi32>
        %gather3A_507 = vector.shape_cast %broadcast_in_dim3A_506 : vector<16x1xi32> to vector<16xi32>
        %gather3A_508 = tpu.dynamic_gather %select_n3A[%gather3A_507] in [0] : vector<16xf32>, vector<16xi32> -> vector<16xf32>
        %add3A_509 = arith.addf %add3A_459, %gather3A_508 : vector<16xf32>
        %scan3A_510 = arith.constant 3 : i32
        %scan3A_511 = arith.addi %scan3A_359, %scan3A_510 : i32
        %mul3A_512 = arith.constant 4 : i32
        %mul3A_513 = arith.muli %scan3A_511, %mul3A_512 : i32
        %get3A_514 = arith.index_cast %mul3A_513 : i32 to index
        %get3A_515 = arith.index_cast %multiple_of3A : i32 to index
        %get3A_516 = tpu.vector_load %arg12[%get3A_514, %get3A_515] {strides = array<i32>} : memref<200x128xi32, #tpu.memory_space<vmem>>, vector<16xi32>,
        %and3A_517 = arith.constant 15 : i32
        %and3A_518 = vector.broadcast %and3A_517 : i32 to vector<16xi32>
        %and3A_519 = arith.andi %get3A_516, %and3A_518 : vector<16xi32>
        %broadcast_in_dim3A_520 = vector.shape_cast %and3A_519 : vector<16xi32> to vector<16x1xi32>
        %gather3A_521 = vector.shape_cast %broadcast_in_dim3A_520 : vector<16x1xi32> to vector<16xi32>
        %gather3A_522 = tpu.dynamic_gather %select_n3A[%gather3A_521] in [0] : vector<16xf32>, vector<16xi32> -> vector<16xf32>
        %add3A_523 = arith.addf %add3A_473, %gather3A_522 : vector<16xf32>
        %add3A_524 = arith.constant 1 : i32
        %add3A_525 = arith.addi %mul3A_513, %add3A_524 : i32
        %get3A_526 = arith.index_cast %add3A_525 : i32 to index
        %get3A_527 = arith.index_cast %multiple_of3A : i32 to index
        %get3A_528 = tpu.vector_load %arg12[%get3A_526, %get3A_527] {strides = array<i32>} : memref<200x128xi32, #tpu.memory_space<vmem>>, vector<16xi32>,
        %and3A_529 = arith.constant 15 : i32
        %and3A_530 = vector.broadcast %and3A_529 : i32 to vector<16xi32>
        %and3A_531 = arith.andi %get3A_528, %and3A_530 : vector<16xi32>
        %broadcast_in_dim3A_532 = vector.shape_cast %and3A_531 : vector<16xi32> to vector<16x1xi32>
        %gather3A_533 = vector.shape_cast %broadcast_in_dim3A_532 : vector<16x1xi32> to vector<16xi32>
        %gather3A_534 = tpu.dynamic_gather %select_n3A[%gather3A_533] in [0] : vector<16xf32>, vector<16xi32> -> vector<16xf32>
        %add3A_535 = arith.addf %add3A_485, %gather3A_534 : vector<16xf32>
        %add3A_536 = arith.constant 2 : i32
        %add3A_537 = arith.addi %mul3A_513, %add3A_536 : i32
        %get3A_538 = arith.index_cast %add3A_537 : i32 to index
        %get3A_539 = arith.index_cast %multiple_of3A : i32 to index
        %get3A_540 = tpu.vector_load %arg12[%get3A_538, %get3A_539] {strides = array<i32>} : memref<200x128xi32, #tpu.memory_space<vmem>>, vector<16xi32>,
        %and3A_541 = arith.constant 15 : i32
        %and3A_542 = vector.broadcast %and3A_541 : i32 to vector<16xi32>
        %and3A_543 = arith.andi %get3A_540, %and3A_542 : vector<16xi32>
        %broadcast_in_dim3A_544 = vector.shape_cast %and3A_543 : vector<16xi32> to vector<16x1xi32>
        %gather3A_545 = vector.shape_cast %broadcast_in_dim3A_544 : vector<16x1xi32> to vector<16xi32>
        %gather3A_546 = tpu.dynamic_gather %select_n3A[%gather3A_545] in [0] : vector<16xf32>, vector<16xi32> -> vector<16xf32>
        %add3A_547 = arith.addf %add3A_497, %gather3A_546 : vector<16xf32>
        %add3A_548 = arith.constant 3 : i32
        %add3A_549 = arith.addi %mul3A_513, %add3A_548 : i32
        %get3A_550 = arith.index_cast %add3A_549 : i32 to index
        %get3A_551 = arith.index_cast %multiple_of3A : i32 to index
        %get3A_552 = tpu.vector_load %arg12[%get3A_550, %get3A_551] {strides = array<i32>} : memref<200x128xi32, #tpu.memory_space<vmem>>, vector<16xi32>,
        %and3A_553 = arith.constant 15 : i32
        %and3A_554 = vector.broadcast %and3A_553 : i32 to vector<16xi32>
        %and3A_555 = arith.andi %get3A_552, %and3A_554 : vector<16xi32>
        %broadcast_in_dim3A_556 = vector.shape_cast %and3A_555 : vector<16xi32> to vector<16x1xi32>
        %gather3A_557 = vector.shape_cast %broadcast_in_dim3A_556 : vector<16x1xi32> to vector<16xi32>
        %gather3A_558 = tpu.dynamic_gather %select_n3A[%gather3A_557] in [0] : vector<16xf32>, vector<16xi32> -> vector<16xf32>
        %add3A_559 = arith.addf %add3A_509, %gather3A_558 : vector<16xf32>
        %scan3A_560 = arith.constant 4 : i32
        %scan3A_561 = arith.addi %scan3A_359, %scan3A_560 : i32
        %mul3A_562 = arith.constant 4 : i32
        %mul3A_563 = arith.muli %scan3A_561, %mul3A_562 : i32
        %get3A_564 = arith.index_cast %mul3A_563 : i32 to index
        %get3A_565 = arith.index_cast %multiple_of3A : i32 to index
        %get3A_566 = tpu.vector_load %arg12[%get3A_564, %get3A_565] {strides = array<i32>} : memref<200x128xi32, #tpu.memory_space<vmem>>, vector<16xi32>,
        %and3A_567 = arith.constant 15 : i32
        %and3A_568 = vector.broadcast %and3A_567 : i32 to vector<16xi32>
        %and3A_569 = arith.andi %get3A_566, %and3A_568 : vector<16xi32>
        %broadcast_in_dim3A_570 = vector.shape_cast %and3A_569 : vector<16xi32> to vector<16x1xi32>
        %gather3A_571 = vector.shape_cast %broadcast_in_dim3A_570 : vector<16x1xi32> to vector<16xi32>
        %gather3A_572 = tpu.dynamic_gather %select_n3A[%gather3A_571] in [0] : vector<16xf32>, vector<16xi32> -> vector<16xf32>
        %add3A_573 = arith.addf %add3A_523, %gather3A_572 : vector<16xf32>
        %add3A_574 = arith.constant 1 : i32
        %add3A_575 = arith.addi %mul3A_563, %add3A_574 : i32
        %get3A_576 = arith.index_cast %add3A_575 : i32 to index
        %get3A_577 = arith.index_cast %multiple_of3A : i32 to index
        %get3A_578 = tpu.vector_load %arg12[%get3A_576, %get3A_577] {strides = array<i32>} : memref<200x128xi32, #tpu.memory_space<vmem>>, vector<16xi32>,
        %and3A_579 = arith.constant 15 : i32
        %and3A_580 = vector.broadcast %and3A_579 : i32 to vector<16xi32>
        %and3A_581 = arith.andi %get3A_578, %and3A_580 : vector<16xi32>
        %broadcast_in_dim3A_582 = vector.shape_cast %and3A_581 : vector<16xi32> to vector<16x1xi32>
        %gather3A_583 = vector.shape_cast %broadcast_in_dim3A_582 : vector<16x1xi32> to vector<16xi32>
        %gather3A_584 = tpu.dynamic_gather %select_n3A[%gather3A_583] in [0] : vector<16xf32>, vector<16xi32> -> vector<16xf32>
        %add3A_585 = arith.addf %add3A_535, %gather3A_584 : vector<16xf32>
        %add3A_586 = arith.constant 2 : i32
        %add3A_587 = arith.addi %mul3A_563, %add3A_586 : i32
        %get3A_588 = arith.index_cast %add3A_587 : i32 to index
        %get3A_589 = arith.index_cast %multiple_of3A : i32 to index
        %get3A_590 = tpu.vector_load %arg12[%get3A_588, %get3A_589] {strides = array<i32>} : memref<200x128xi32, #tpu.memory_space<vmem>>, vector<16xi32>,
        %and3A_591 = arith.constant 15 : i32
        %and3A_592 = vector.broadcast %and3A_591 : i32 to vector<16xi32>
        %and3A_593 = arith.andi %get3A_590, %and3A_592 : vector<16xi32>
        %broadcast_in_dim3A_594 = vector.shape_cast %and3A_593 : vector<16xi32> to vector<16x1xi32>
        %gather3A_595 = vector.shape_cast %broadcast_in_dim3A_594 : vector<16x1xi32> to vector<16xi32>
        %gather3A_596 = tpu.dynamic_gather %select_n3A[%gather3A_595] in [0] : vector<16xf32>, vector<16xi32> -> vector<16xf32>
        %add3A_597 = arith.addf %add3A_547, %gather3A_596 : vector<16xf32>
        %add3A_598 = arith.constant 3 : i32
        %add3A_599 = arith.addi %mul3A_563, %add3A_598 : i32
        %get3A_600 = arith.index_cast %add3A_599 : i32 to index
        %get3A_601 = arith.index_cast %multiple_of3A : i32 to index
        %get3A_602 = tpu.vector_load %arg12[%get3A_600, %get3A_601] {strides = array<i32>} : memref<200x128xi32, #tpu.memory_space<vmem>>, vector<16xi32>,
        %and3A_603 = arith.constant 15 : i32
        %and3A_604 = vector.broadcast %and3A_603 : i32 to vector<16xi32>
        %and3A_605 = arith.andi %get3A_602, %and3A_604 : vector<16xi32>
        %broadcast_in_dim3A_606 = vector.shape_cast %and3A_605 : vector<16xi32> to vector<16x1xi32>
        %gather3A_607 = vector.shape_cast %broadcast_in_dim3A_606 : vector<16x1xi32> to vector<16xi32>
        %gather3A_608 = tpu.dynamic_gather %select_n3A[%gather3A_607] in [0] : vector<16xf32>, vector<16xi32> -> vector<16xf32>
        %add3A_609 = arith.addf %add3A_559, %gather3A_608 : vector<16xf32>
        %scan3A_610 = arith.constant 5 : i32
        %scan3A_611 = arith.addi %scan3A_359, %scan3A_610 : i32
        %mul3A_612 = arith.constant 4 : i32
        %mul3A_613 = arith.muli %scan3A_611, %mul3A_612 : i32
        %get3A_614 = arith.index_cast %mul3A_613 : i32 to index
        %get3A_615 = arith.index_cast %multiple_of3A : i32 to index
        %get3A_616 = tpu.vector_load %arg12[%get3A_614, %get3A_615] {strides = array<i32>} : memref<200x128xi32, #tpu.memory_space<vmem>>, vector<16xi32>,
        %and3A_617 = arith.constant 15 : i32
        %and3A_618 = vector.broadcast %and3A_617 : i32 to vector<16xi32>
        %and3A_619 = arith.andi %get3A_616, %and3A_618 : vector<16xi32>
        %broadcast_in_dim3A_620 = vector.shape_cast %and3A_619 : vector<16xi32> to vector<16x1xi32>
        %gather3A_621 = vector.shape_cast %broadcast_in_dim3A_620 : vector<16x1xi32> to vector<16xi32>
        %gather3A_622 = tpu.dynamic_gather %select_n3A[%gather3A_621] in [0] : vector<16xf32>, vector<16xi32> -> vector<16xf32>
        %add3A_623 = arith.addf %add3A_573, %gather3A_622 : vector<16xf32>
        %add3A_624 = arith.constant 1 : i32
        %add3A_625 = arith.addi %mul3A_613, %add3A_624 : i32
        %get3A_626 = arith.index_cast %add3A_625 : i32 to index
        %get3A_627 = arith.index_cast %multiple_of3A : i32 to index
        %get3A_628 = tpu.vector_load %arg12[%get3A_626, %get3A_627] {strides = array<i32>} : memref<200x128xi32, #tpu.memory_space<vmem>>, vector<16xi32>,
        %and3A_629 = arith.constant 15 : i32
        %and3A_630 = vector.broadcast %and3A_629 : i32 to vector<16xi32>
        %and3A_631 = arith.andi %get3A_628, %and3A_630 : vector<16xi32>
        %broadcast_in_dim3A_632 = vector.shape_cast %and3A_631 : vector<16xi32> to vector<16x1xi32>
        %gather3A_633 = vector.shape_cast %broadcast_in_dim3A_632 : vector<16x1xi32> to vector<16xi32>
        %gather3A_634 = tpu.dynamic_gather %select_n3A[%gather3A_633] in [0] : vector<16xf32>, vector<16xi32> -> vector<16xf32>
        %add3A_635 = arith.addf %add3A_585, %gather3A_634 : vector<16xf32>
        %add3A_636 = arith.constant 2 : i32
        %add3A_637 = arith.addi %mul3A_613, %add3A_636 : i32
        %get3A_638 = arith.index_cast %add3A_637 : i32 to index
        %get3A_639 = arith.index_cast %multiple_of3A : i32 to index
        %get3A_640 = tpu.vector_load %arg12[%get3A_638, %get3A_639] {strides = array<i32>} : memref<200x128xi32, #tpu.memory_space<vmem>>, vector<16xi32>,
        %and3A_641 = arith.constant 15 : i32
        %and3A_642 = vector.broadcast %and3A_641 : i32 to vector<16xi32>
        %and3A_643 = arith.andi %get3A_640, %and3A_642 : vector<16xi32>
        %broadcast_in_dim3A_644 = vector.shape_cast %and3A_643 : vector<16xi32> to vector<16x1xi32>
        %gather3A_645 = vector.shape_cast %broadcast_in_dim3A_644 : vector<16x1xi32> to vector<16xi32>
        %gather3A_646 = tpu.dynamic_gather %select_n3A[%gather3A_645] in [0] : vector<16xf32>, vector<16xi32> -> vector<16xf32>
        %add3A_647 = arith.addf %add3A_597, %gather3A_646 : vector<16xf32>
        %add3A_648 = arith.constant 3 : i32
        %add3A_649 = arith.addi %mul3A_613, %add3A_648 : i32
        %get3A_650 = arith.index_cast %add3A_649 : i32 to index
        %get3A_651 = arith.index_cast %multiple_of3A : i32 to index
        %get3A_652 = tpu.vector_load %arg12[%get3A_650, %get3A_651] {strides = array<i32>} : memref<200x128xi32, #tpu.memory_space<vmem>>, vector<16xi32>,
        %and3A_653 = arith.constant 15 : i32
        %and3A_654 = vector.broadcast %and3A_653 : i32 to vector<16xi32>
        %and3A_655 = arith.andi %get3A_652, %and3A_654 : vector<16xi32>
        %broadcast_in_dim3A_656 = vector.shape_cast %and3A_655 : vector<16xi32> to vector<16x1xi32>
        %gather3A_657 = vector.shape_cast %broadcast_in_dim3A_656 : vector<16x1xi32> to vector<16xi32>
        %gather3A_658 = tpu.dynamic_gather %select_n3A[%gather3A_657] in [0] : vector<16xf32>, vector<16xi32> -> vector<16xf32>
        %add3A_659 = arith.addf %add3A_609, %gather3A_658 : vector<16xf32>
        %scan3A_660 = arith.constant 6 : i32
        %scan3A_661 = arith.addi %scan3A_359, %scan3A_660 : i32
        %mul3A_662 = arith.constant 4 : i32
        %mul3A_663 = arith.muli %scan3A_661, %mul3A_662 : i32
        %get3A_664 = arith.index_cast %mul3A_663 : i32 to index
        %get3A_665 = arith.index_cast %multiple_of3A : i32 to index
        %get3A_666 = tpu.vector_load %arg12[%get3A_664, %get3A_665] {strides = array<i32>} : memref<200x128xi32, #tpu.memory_space<vmem>>, vector<16xi32>,
        %and3A_667 = arith.constant 15 : i32
        %and3A_668 = vector.broadcast %and3A_667 : i32 to vector<16xi32>
        %and3A_669 = arith.andi %get3A_666, %and3A_668 : vector<16xi32>
        %broadcast_in_dim3A_670 = vector.shape_cast %and3A_669 : vector<16xi32> to vector<16x1xi32>
        %gather3A_671 = vector.shape_cast %broadcast_in_dim3A_670 : vector<16x1xi32> to vector<16xi32>
        %gather3A_672 = tpu.dynamic_gather %select_n3A[%gather3A_671] in [0] : vector<16xf32>, vector<16xi32> -> vector<16xf32>
        %add3A_673 = arith.addf %add3A_623, %gather3A_672 : vector<16xf32>
        %add3A_674 = arith.constant 1 : i32
        %add3A_675 = arith.addi %mul3A_663, %add3A_674 : i32
        %get3A_676 = arith.index_cast %add3A_675 : i32 to index
        %get3A_677 = arith.index_cast %multiple_of3A : i32 to index
        %get3A_678 = tpu.vector_load %arg12[%get3A_676, %get3A_677] {strides = array<i32>} : memref<200x128xi32, #tpu.memory_space<vmem>>, vector<16xi32>,
        %and3A_679 = arith.constant 15 : i32
        %and3A_680 = vector.broadcast %and3A_679 : i32 to vector<16xi32>
        %and3A_681 = arith.andi %get3A_678, %and3A_680 : vector<16xi32>
        %broadcast_in_dim3A_682 = vector.shape_cast %and3A_681 : vector<16xi32> to vector<16x1xi32>
        %gather3A_683 = vector.shape_cast %broadcast_in_dim3A_682 : vector<16x1xi32> to vector<16xi32>
        %gather3A_684 = tpu.dynamic_gather %select_n3A[%gather3A_683] in [0] : vector<16xf32>, vector<16xi32> -> vector<16xf32>
        %add3A_685 = arith.addf %add3A_635, %gather3A_684 : vector<16xf32>
        %add3A_686 = arith.constant 2 : i32
        %add3A_687 = arith.addi %mul3A_663, %add3A_686 : i32
        %get3A_688 = arith.index_cast %add3A_687 : i32 to index
        %get3A_689 = arith.index_cast %multiple_of3A : i32 to index
        %get3A_690 = tpu.vector_load %arg12[%get3A_688, %get3A_689] {strides = array<i32>} : memref<200x128xi32, #tpu.memory_space<vmem>>, vector<16xi32>,
        %and3A_691 = arith.constant 15 : i32
        %and3A_692 = vector.broadcast %and3A_691 : i32 to vector<16xi32>
        %and3A_693 = arith.andi %get3A_690, %and3A_692 : vector<16xi32>
        %broadcast_in_dim3A_694 = vector.shape_cast %and3A_693 : vector<16xi32> to vector<16x1xi32>
        %gather3A_695 = vector.shape_cast %broadcast_in_dim3A_694 : vector<16x1xi32> to vector<16xi32>
        %gather3A_696 = tpu.dynamic_gather %select_n3A[%gather3A_695] in [0] : vector<16xf32>, vector<16xi32> -> vector<16xf32>
        %add3A_697 = arith.addf %add3A_647, %gather3A_696 : vector<16xf32>
        %add3A_698 = arith.constant 3 : i32
        %add3A_699 = arith.addi %mul3A_663, %add3A_698 : i32
        %get3A_700 = arith.index_cast %add3A_699 : i32 to index
        %get3A_701 = arith.index_cast %multiple_of3A : i32 to index
        %get3A_702 = tpu.vector_load %arg12[%get3A_700, %get3A_701] {strides = array<i32>} : memref<200x128xi32, #tpu.memory_space<vmem>>, vector<16xi32>,
        %and3A_703 = arith.constant 15 : i32
        %and3A_704 = vector.broadcast %and3A_703 : i32 to vector<16xi32>
        %and3A_705 = arith.andi %get3A_702, %and3A_704 : vector<16xi32>
        %broadcast_in_dim3A_706 = vector.shape_cast %and3A_705 : vector<16xi32> to vector<16x1xi32>
        %gather3A_707 = vector.shape_cast %broadcast_in_dim3A_706 : vector<16x1xi32> to vector<16xi32>
        %gather3A_708 = tpu.dynamic_gather %select_n3A[%gather3A_707] in [0] : vector<16xf32>, vector<16xi32> -> vector<16xf32>
        %add3A_709 = arith.addf %add3A_659, %gather3A_708 : vector<16xf32>
        %scan3A_710 = arith.constant 7 : i32
        %scan3A_711 = arith.addi %scan3A_359, %scan3A_710 : i32
        %mul3A_712 = arith.constant 4 : i32
        %mul3A_713 = arith.muli %scan3A_711, %mul3A_712 : i32
        %get3A_714 = arith.index_cast %mul3A_713 : i32 to index
        %get3A_715 = arith.index_cast %multiple_of3A : i32 to index
        %get3A_716 = tpu.vector_load %arg12[%get3A_714, %get3A_715] {strides = array<i32>} : memref<200x128xi32, #tpu.memory_space<vmem>>, vector<16xi32>,
        %and3A_717 = arith.constant 15 : i32
        %and3A_718 = vector.broadcast %and3A_717 : i32 to vector<16xi32>
        %and3A_719 = arith.andi %get3A_716, %and3A_718 : vector<16xi32>
        %broadcast_in_dim3A_720 = vector.shape_cast %and3A_719 : vector<16xi32> to vector<16x1xi32>
        %gather3A_721 = vector.shape_cast %broadcast_in_dim3A_720 : vector<16x1xi32> to vector<16xi32>
        %gather3A_722 = tpu.dynamic_gather %select_n3A[%gather3A_721] in [0] : vector<16xf32>, vector<16xi32> -> vector<16xf32>
        %add3A_723 = arith.addf %add3A_673, %gather3A_722 : vector<16xf32>
        %add3A_724 = arith.constant 1 : i32
        %add3A_725 = arith.addi %mul3A_713, %add3A_724 : i32
        %get3A_726 = arith.index_cast %add3A_725 : i32 to index
        %get3A_727 = arith.index_cast %multiple_of3A : i32 to index
        %get3A_728 = tpu.vector_load %arg12[%get3A_726, %get3A_727] {strides = array<i32>} : memref<200x128xi32, #tpu.memory_space<vmem>>, vector<16xi32>,
        %and3A_729 = arith.constant 15 : i32
        %and3A_730 = vector.broadcast %and3A_729 : i32 to vector<16xi32>
        %and3A_731 = arith.andi %get3A_728, %and3A_730 : vector<16xi32>
        %broadcast_in_dim3A_732 = vector.shape_cast %and3A_731 : vector<16xi32> to vector<16x1xi32>
        %gather3A_733 = vector.shape_cast %broadcast_in_dim3A_732 : vector<16x1xi32> to vector<16xi32>
        %gather3A_734 = tpu.dynamic_gather %select_n3A[%gather3A_733] in [0] : vector<16xf32>, vector<16xi32> -> vector<16xf32>
        %add3A_735 = arith.addf %add3A_685, %gather3A_734 : vector<16xf32>
        %add3A_736 = arith.constant 2 : i32
        %add3A_737 = arith.addi %mul3A_713, %add3A_736 : i32
        %get3A_738 = arith.index_cast %add3A_737 : i32 to index
        %get3A_739 = arith.index_cast %multiple_of3A : i32 to index
        %get3A_740 = tpu.vector_load %arg12[%get3A_738, %get3A_739] {strides = array<i32>} : memref<200x128xi32, #tpu.memory_space<vmem>>, vector<16xi32>,
        %and3A_741 = arith.constant 15 : i32
        %and3A_742 = vector.broadcast %and3A_741 : i32 to vector<16xi32>
        %and3A_743 = arith.andi %get3A_740, %and3A_742 : vector<16xi32>
        %broadcast_in_dim3A_744 = vector.shape_cast %and3A_743 : vector<16xi32> to vector<16x1xi32>
        %gather3A_745 = vector.shape_cast %broadcast_in_dim3A_744 : vector<16x1xi32> to vector<16xi32>
        %gather3A_746 = tpu.dynamic_gather %select_n3A[%gather3A_745] in [0] : vector<16xf32>, vector<16xi32> -> vector<16xf32>
        %add3A_747 = arith.addf %add3A_697, %gather3A_746 : vector<16xf32>
        %add3A_748 = arith.constant 3 : i32
        %add3A_749 = arith.addi %mul3A_713, %add3A_748 : i32
        %get3A_750 = arith.index_cast %add3A_749 : i32 to index
        %get3A_751 = arith.index_cast %multiple_of3A : i32 to index
        %get3A_752 = tpu.vector_load %arg12[%get3A_750, %get3A_751] {strides = array<i32>} : memref<200x128xi32, #tpu.memory_space<vmem>>, vector<16xi32>,
        %and3A_753 = arith.constant 15 : i32
        %and3A_754 = vector.broadcast %and3A_753 : i32 to vector<16xi32>
        %and3A_755 = arith.andi %get3A_752, %and3A_754 : vector<16xi32>
        %broadcast_in_dim3A_756 = vector.shape_cast %and3A_755 : vector<16xi32> to vector<16x1xi32>
        %gather3A_757 = vector.shape_cast %broadcast_in_dim3A_756 : vector<16x1xi32> to vector<16xi32>
        %gather3A_758 = tpu.dynamic_gather %select_n3A[%gather3A_757] in [0] : vector<16xf32>, vector<16xi32> -> vector<16xf32>
        %add3A_759 = arith.addf %add3A_709, %gather3A_758 : vector<16xf32>
        %scan3A_760 = arith.constant 8 : i32
        %scan3A_761 = arith.addi %scan3A_359, %scan3A_760 : i32
        %mul3A_762 = arith.constant 4 : i32
        %mul3A_763 = arith.muli %scan3A_761, %mul3A_762 : i32
        %get3A_764 = arith.index_cast %mul3A_763 : i32 to index
        %get3A_765 = arith.index_cast %multiple_of3A : i32 to index
        %get3A_766 = tpu.vector_load %arg12[%get3A_764, %get3A_765] {strides = array<i32>} : memref<200x128xi32, #tpu.memory_space<vmem>>, vector<16xi32>,
        %and3A_767 = arith.constant 15 : i32
        %and3A_768 = vector.broadcast %and3A_767 : i32 to vector<16xi32>
        %and3A_769 = arith.andi %get3A_766, %and3A_768 : vector<16xi32>
        %broadcast_in_dim3A_770 = vector.shape_cast %and3A_769 : vector<16xi32> to vector<16x1xi32>
        %gather3A_771 = vector.shape_cast %broadcast_in_dim3A_770 : vector<16x1xi32> to vector<16xi32>
        %gather3A_772 = tpu.dynamic_gather %select_n3A[%gather3A_771] in [0] : vector<16xf32>, vector<16xi32> -> vector<16xf32>
        %add3A_773 = arith.addf %add3A_723, %gather3A_772 : vector<16xf32>
        %add3A_774 = arith.constant 1 : i32
        %add3A_775 = arith.addi %mul3A_763, %add3A_774 : i32
        %get3A_776 = arith.index_cast %add3A_775 : i32 to index
        %get3A_777 = arith.index_cast %multiple_of3A : i32 to index
        %get3A_778 = tpu.vector_load %arg12[%get3A_776, %get3A_777] {strides = array<i32>} : memref<200x128xi32, #tpu.memory_space<vmem>>, vector<16xi32>,
        %and3A_779 = arith.constant 15 : i32
        %and3A_780 = vector.broadcast %and3A_779 : i32 to vector<16xi32>
        %and3A_781 = arith.andi %get3A_778, %and3A_780 : vector<16xi32>
        %broadcast_in_dim3A_782 = vector.shape_cast %and3A_781 : vector<16xi32> to vector<16x1xi32>
        %gather3A_783 = vector.shape_cast %broadcast_in_dim3A_782 : vector<16x1xi32> to vector<16xi32>
        %gather3A_784 = tpu.dynamic_gather %select_n3A[%gather3A_783] in [0] : vector<16xf32>, vector<16xi32> -> vector<16xf32>
        %add3A_785 = arith.addf %add3A_735, %gather3A_784 : vector<16xf32>
        %add3A_786 = arith.constant 2 : i32
        %add3A_787 = arith.addi %mul3A_763, %add3A_786 : i32
        %get3A_788 = arith.index_cast %add3A_787 : i32 to index
        %get3A_789 = arith.index_cast %multiple_of3A : i32 to index
        %get3A_790 = tpu.vector_load %arg12[%get3A_788, %get3A_789] {strides = array<i32>} : memref<200x128xi32, #tpu.memory_space<vmem>>, vector<16xi32>,
        %and3A_791 = arith.constant 15 : i32
        %and3A_792 = vector.broadcast %and3A_791 : i32 to vector<16xi32>
        %and3A_793 = arith.andi %get3A_790, %and3A_792 : vector<16xi32>
        %broadcast_in_dim3A_794 = vector.shape_cast %and3A_793 : vector<16xi32> to vector<16x1xi32>
        %gather3A_795 = vector.shape_cast %broadcast_in_dim3A_794 : vector<16x1xi32> to vector<16xi32>
        %gather3A_796 = tpu.dynamic_gather %select_n3A[%gather3A_795] in [0] : vector<16xf32>, vector<16xi32> -> vector<16xf32>
        %add3A_797 = arith.addf %add3A_747, %gather3A_796 : vector<16xf32>
        %add3A_798 = arith.constant 3 : i32
        %add3A_799 = arith.addi %mul3A_763, %add3A_798 : i32
        %get3A_800 = arith.index_cast %add3A_799 : i32 to index
        %get3A_801 = arith.index_cast %multiple_of3A : i32 to index
        %get3A_802 = tpu.vector_load %arg12[%get3A_800, %get3A_801] {strides = array<i32>} : memref<200x128xi32, #tpu.memory_space<vmem>>, vector<16xi32>,
        %and3A_803 = arith.constant 15 : i32
        %and3A_804 = vector.broadcast %and3A_803 : i32 to vector<16xi32>
        %and3A_805 = arith.andi %get3A_802, %and3A_804 : vector<16xi32>
        %broadcast_in_dim3A_806 = vector.shape_cast %and3A_805 : vector<16xi32> to vector<16x1xi32>
        %gather3A_807 = vector.shape_cast %broadcast_in_dim3A_806 : vector<16x1xi32> to vector<16xi32>
        %gather3A_808 = tpu.dynamic_gather %select_n3A[%gather3A_807] in [0] : vector<16xf32>, vector<16xi32> -> vector<16xf32>
        %add3A_809 = arith.addf %add3A_759, %gather3A_808 : vector<16xf32>
        %scan3A_810 = arith.constant 9 : i32
        %scan3A_811 = arith.addi %scan3A_359, %scan3A_810 : i32
        %mul3A_812 = arith.constant 4 : i32
        %mul3A_813 = arith.muli %scan3A_811, %mul3A_812 : i32
        %get3A_814 = arith.index_cast %mul3A_813 : i32 to index
        %get3A_815 = arith.index_cast %multiple_of3A : i32 to index
        %get3A_816 = tpu.vector_load %arg12[%get3A_814, %get3A_815] {strides = array<i32>} : memref<200x128xi32, #tpu.memory_space<vmem>>, vector<16xi32>,
        %and3A_817 = arith.constant 15 : i32
        %and3A_818 = vector.broadcast %and3A_817 : i32 to vector<16xi32>
        %and3A_819 = arith.andi %get3A_816, %and3A_818 : vector<16xi32>
        %broadcast_in_dim3A_820 = vector.shape_cast %and3A_819 : vector<16xi32> to vector<16x1xi32>
        %gather3A_821 = vector.shape_cast %broadcast_in_dim3A_820 : vector<16x1xi32> to vector<16xi32>
        %gather3A_822 = tpu.dynamic_gather %select_n3A[%gather3A_821] in [0] : vector<16xf32>, vector<16xi32> -> vector<16xf32>
        %add3A_823 = arith.addf %add3A_773, %gather3A_822 : vector<16xf32>
        %add3A_824 = arith.constant 1 : i32
        %add3A_825 = arith.addi %mul3A_813, %add3A_824 : i32
        %get3A_826 = arith.index_cast %add3A_825 : i32 to index
        %get3A_827 = arith.index_cast %multiple_of3A : i32 to index
        %get3A_828 = tpu.vector_load %arg12[%get3A_826, %get3A_827] {strides = array<i32>} : memref<200x128xi32, #tpu.memory_space<vmem>>, vector<16xi32>,
        %and3A_829 = arith.constant 15 : i32
        %and3A_830 = vector.broadcast %and3A_829 : i32 to vector<16xi32>
        %and3A_831 = arith.andi %get3A_828, %and3A_830 : vector<16xi32>
        %broadcast_in_dim3A_832 = vector.shape_cast %and3A_831 : vector<16xi32> to vector<16x1xi32>
        %gather3A_833 = vector.shape_cast %broadcast_in_dim3A_832 : vector<16x1xi32> to vector<16xi32>
        %gather3A_834 = tpu.dynamic_gather %select_n3A[%gather3A_833] in [0] : vector<16xf32>, vector<16xi32> -> vector<16xf32>
        %add3A_835 = arith.addf %add3A_785, %gather3A_834 : vector<16xf32>
        %add3A_836 = arith.constant 2 : i32
        %add3A_837 = arith.addi %mul3A_813, %add3A_836 : i32
        %get3A_838 = arith.index_cast %add3A_837 : i32 to index
        %get3A_839 = arith.index_cast %multiple_of3A : i32 to index
        %get3A_840 = tpu.vector_load %arg12[%get3A_838, %get3A_839] {strides = array<i32>} : memref<200x128xi32, #tpu.memory_space<vmem>>, vector<16xi32>,
        %and3A_841 = arith.constant 15 : i32
        %and3A_842 = vector.broadcast %and3A_841 : i32 to vector<16xi32>
        %and3A_843 = arith.andi %get3A_840, %and3A_842 : vector<16xi32>
        %broadcast_in_dim3A_844 = vector.shape_cast %and3A_843 : vector<16xi32> to vector<16x1xi32>
        %gather3A_845 = vector.shape_cast %broadcast_in_dim3A_844 : vector<16x1xi32> to vector<16xi32>
        %gather3A_846 = tpu.dynamic_gather %select_n3A[%gather3A_845] in [0] : vector<16xf32>, vector<16xi32> -> vector<16xf32>
        %add3A_847 = arith.addf %add3A_797, %gather3A_846 : vector<16xf32>
        %add3A_848 = arith.constant 3 : i32
        %add3A_849 = arith.addi %mul3A_813, %add3A_848 : i32
        %get3A_850 = arith.index_cast %add3A_849 : i32 to index
        %get3A_851 = arith.index_cast %multiple_of3A : i32 to index
        %get3A_852 = tpu.vector_load %arg12[%get3A_850, %get3A_851] {strides = array<i32>} : memref<200x128xi32, #tpu.memory_space<vmem>>, vector<16xi32>,
        %and3A_853 = arith.constant 15 : i32
        %and3A_854 = vector.broadcast %and3A_853 : i32 to vector<16xi32>
        %and3A_855 = arith.andi %get3A_852, %and3A_854 : vector<16xi32>
        %broadcast_in_dim3A_856 = vector.shape_cast %and3A_855 : vector<16xi32> to vector<16x1xi32>
        %gather3A_857 = vector.shape_cast %broadcast_in_dim3A_856 : vector<16x1xi32> to vector<16xi32>
        %gather3A_858 = tpu.dynamic_gather %select_n3A[%gather3A_857] in [0] : vector<16xf32>, vector<16xi32> -> vector<16xf32>
        %add3A_859 = arith.addf %add3A_809, %gather3A_858 : vector<16xf32>
        scf.yield %add3A_823, %add3A_835, %add3A_847, %add3A_859 : vector<16xf32>, vector<16xf32>, vector<16xf32>, vector<16xf32>
      }
      %scan3A_348 = arith.constant 50 : i32
      %mul3A_349 = arith.constant 16 : i32
      %mul3A_350 = arith.muli %scan3A_340, %mul3A_349 : i32
      %add3A_351 = arith.constant 256 : i32
      %add3A_352 = arith.addi %add3A_351, %mul3A_350 : i32
      %multiple_of3A_353 = tpu.assume_multiple %add3A_352, 16 : i32
      %add3A_354 = arith.addf %scan3A_347#0, %scan3A_347#1 : vector<16xf32>
      %add3A_355 = arith.addf %scan3A_347#2, %scan3A_347#3 : vector<16xf32>
      %add3A_356 = arith.addf %add3A_354, %add3A_355 : vector<16xf32>
      %swap3A_357 = arith.index_cast %multiple_of3A_353 : i32 to index
      %swap3A_358 = tpu.vector_load %arg9[%swap3A_357] {strides = array<i32>} : memref<512xf32, #tpu.memory_space<vmem>>, vector<16xf32>,
      tpu.vector_store %arg9[%swap3A_357], %add3A_356 {strides = array<i32>} : memref<512xf32, #tpu.memory_space<vmem>>, vector<16xf32>,
    }
    %scan3A_90 = arith.constant 8 : i32
    %dma_wait3A_91 = arith.constant 0 : i32
    %dma_wait3A_92 = tpu.memref_slice %arg2[%dma_wait3A_91, %add3A_21] : memref<200x16384xi32, #tpu.memory_space<hbm>> -> memref<200x128xi32, #tpu.memory_space<hbm>>
    %dma_wait3A_93 = arith.constant 0 : i32
    %dma_wait3A_94 = tpu.memref_slice %arg2[%dma_wait3A_93, %add3A_21] : memref<200x16384xi32, #tpu.memory_space<hbm>> -> memref<200x128xi32, #tpu.memory_space<hbm>>
    tpu.wait_dma2 semaphore(%arg17 : memref<!tpu.dma_semaphore, #tpu.memory_space<semaphore_mem>>) src(%dma_wait3A_94 : memref<200x128xi32, #tpu.memory_space<hbm>>) dst(%arg13 : memref<200x128xi32, #tpu.memory_space<vmem>>)
    %scan3A_95 = arith.constant 0 : i32
    %scan3A_96 = arith.constant 0 : i32
    %scan3A_97 = arith.constant 8 : i32
    %scan3A_98 = arith.addi %scan3A_96, %scan3A_97 : i32
    %scan3A_99 = arith.constant 1 : i32
    scf.for %scan3A_340 = %scan3A_96 to %scan3A_98 step %scan3A_99  : i32 {
      %mul3A_341 = arith.constant 16 : i32
      %mul3A_342 = arith.muli %scan3A_340, %mul3A_341 : i32
      %multiple_of3A = tpu.assume_multiple %mul3A_342, 16 : i32
      %scan3A_343 = arith.constant 0 : i32
      %scan3A_344 = arith.constant 50 : i32
      %scan3A_345 = arith.addi %scan3A_343, %scan3A_344 : i32
      %scan3A_346 = arith.constant 10 : i32
      %scan3A_347:4 = scf.for %scan3A_359 = %scan3A_343 to %scan3A_345 step %scan3A_346 iter_args(%scan3A_360 = %broadcast_in_dim3A_30, %scan3A_361 = %broadcast_in_dim3A_30, %scan3A_362 = %broadcast_in_dim3A_30, %scan3A_363 = %broadcast_in_dim3A_30) -> (vector<16xf32>, vector<16xf32>, vector<16xf32>, vector<16xf32>)  : i32 {
        %mul3A_364 = arith.constant 4 : i32
        %mul3A_365 = arith.muli %scan3A_359, %mul3A_364 : i32
        %get3A_366 = arith.index_cast %mul3A_365 : i32 to index
        %get3A_367 = arith.index_cast %multiple_of3A : i32 to index
        %get3A_368 = tpu.vector_load %arg13[%get3A_366, %get3A_367] {strides = array<i32>} : memref<200x128xi32, #tpu.memory_space<vmem>>, vector<16xi32>,
        %and3A = arith.constant 15 : i32
        %and3A_369 = vector.broadcast %and3A : i32 to vector<16xi32>
        %and3A_370 = arith.andi %get3A_368, %and3A_369 : vector<16xi32>
        %broadcast_in_dim3A_371 = vector.shape_cast %and3A_370 : vector<16xi32> to vector<16x1xi32>
        %gather3A = vector.shape_cast %broadcast_in_dim3A_371 : vector<16x1xi32> to vector<16xi32>
        %gather3A_372 = tpu.dynamic_gather %select_n3A[%gather3A] in [0] : vector<16xf32>, vector<16xi32> -> vector<16xf32>
        %add3A_373 = arith.addf %scan3A_360, %gather3A_372 : vector<16xf32>
        %add3A_374 = arith.constant 1 : i32
        %add3A_375 = arith.addi %mul3A_365, %add3A_374 : i32
        %get3A_376 = arith.index_cast %add3A_375 : i32 to index
        %get3A_377 = arith.index_cast %multiple_of3A : i32 to index
        %get3A_378 = tpu.vector_load %arg13[%get3A_376, %get3A_377] {strides = array<i32>} : memref<200x128xi32, #tpu.memory_space<vmem>>, vector<16xi32>,
        %and3A_379 = arith.constant 15 : i32
        %and3A_380 = vector.broadcast %and3A_379 : i32 to vector<16xi32>
        %and3A_381 = arith.andi %get3A_378, %and3A_380 : vector<16xi32>
        %broadcast_in_dim3A_382 = vector.shape_cast %and3A_381 : vector<16xi32> to vector<16x1xi32>
        %gather3A_383 = vector.shape_cast %broadcast_in_dim3A_382 : vector<16x1xi32> to vector<16xi32>
        %gather3A_384 = tpu.dynamic_gather %select_n3A[%gather3A_383] in [0] : vector<16xf32>, vector<16xi32> -> vector<16xf32>
        %add3A_385 = arith.addf %scan3A_361, %gather3A_384 : vector<16xf32>
        %add3A_386 = arith.constant 2 : i32
        %add3A_387 = arith.addi %mul3A_365, %add3A_386 : i32
        %get3A_388 = arith.index_cast %add3A_387 : i32 to index
        %get3A_389 = arith.index_cast %multiple_of3A : i32 to index
        %get3A_390 = tpu.vector_load %arg13[%get3A_388, %get3A_389] {strides = array<i32>} : memref<200x128xi32, #tpu.memory_space<vmem>>, vector<16xi32>,
        %and3A_391 = arith.constant 15 : i32
        %and3A_392 = vector.broadcast %and3A_391 : i32 to vector<16xi32>
        %and3A_393 = arith.andi %get3A_390, %and3A_392 : vector<16xi32>
        %broadcast_in_dim3A_394 = vector.shape_cast %and3A_393 : vector<16xi32> to vector<16x1xi32>
        %gather3A_395 = vector.shape_cast %broadcast_in_dim3A_394 : vector<16x1xi32> to vector<16xi32>
        %gather3A_396 = tpu.dynamic_gather %select_n3A[%gather3A_395] in [0] : vector<16xf32>, vector<16xi32> -> vector<16xf32>
        %add3A_397 = arith.addf %scan3A_362, %gather3A_396 : vector<16xf32>
        %add3A_398 = arith.constant 3 : i32
        %add3A_399 = arith.addi %mul3A_365, %add3A_398 : i32
        %get3A_400 = arith.index_cast %add3A_399 : i32 to index
        %get3A_401 = arith.index_cast %multiple_of3A : i32 to index
        %get3A_402 = tpu.vector_load %arg13[%get3A_400, %get3A_401] {strides = array<i32>} : memref<200x128xi32, #tpu.memory_space<vmem>>, vector<16xi32>,
        %and3A_403 = arith.constant 15 : i32
        %and3A_404 = vector.broadcast %and3A_403 : i32 to vector<16xi32>
        %and3A_405 = arith.andi %get3A_402, %and3A_404 : vector<16xi32>
        %broadcast_in_dim3A_406 = vector.shape_cast %and3A_405 : vector<16xi32> to vector<16x1xi32>
        %gather3A_407 = vector.shape_cast %broadcast_in_dim3A_406 : vector<16x1xi32> to vector<16xi32>
        %gather3A_408 = tpu.dynamic_gather %select_n3A[%gather3A_407] in [0] : vector<16xf32>, vector<16xi32> -> vector<16xf32>
        %add3A_409 = arith.addf %scan3A_363, %gather3A_408 : vector<16xf32>
        %scan3A_410 = arith.constant 1 : i32
        %scan3A_411 = arith.addi %scan3A_359, %scan3A_410 : i32
        %mul3A_412 = arith.constant 4 : i32
        %mul3A_413 = arith.muli %scan3A_411, %mul3A_412 : i32
        %get3A_414 = arith.index_cast %mul3A_413 : i32 to index
        %get3A_415 = arith.index_cast %multiple_of3A : i32 to index
        %get3A_416 = tpu.vector_load %arg13[%get3A_414, %get3A_415] {strides = array<i32>} : memref<200x128xi32, #tpu.memory_space<vmem>>, vector<16xi32>,
        %and3A_417 = arith.constant 15 : i32
        %and3A_418 = vector.broadcast %and3A_417 : i32 to vector<16xi32>
        %and3A_419 = arith.andi %get3A_416, %and3A_418 : vector<16xi32>
        %broadcast_in_dim3A_420 = vector.shape_cast %and3A_419 : vector<16xi32> to vector<16x1xi32>
        %gather3A_421 = vector.shape_cast %broadcast_in_dim3A_420 : vector<16x1xi32> to vector<16xi32>
        %gather3A_422 = tpu.dynamic_gather %select_n3A[%gather3A_421] in [0] : vector<16xf32>, vector<16xi32> -> vector<16xf32>
        %add3A_423 = arith.addf %add3A_373, %gather3A_422 : vector<16xf32>
        %add3A_424 = arith.constant 1 : i32
        %add3A_425 = arith.addi %mul3A_413, %add3A_424 : i32
        %get3A_426 = arith.index_cast %add3A_425 : i32 to index
        %get3A_427 = arith.index_cast %multiple_of3A : i32 to index
        %get3A_428 = tpu.vector_load %arg13[%get3A_426, %get3A_427] {strides = array<i32>} : memref<200x128xi32, #tpu.memory_space<vmem>>, vector<16xi32>,
        %and3A_429 = arith.constant 15 : i32
        %and3A_430 = vector.broadcast %and3A_429 : i32 to vector<16xi32>
        %and3A_431 = arith.andi %get3A_428, %and3A_430 : vector<16xi32>
        %broadcast_in_dim3A_432 = vector.shape_cast %and3A_431 : vector<16xi32> to vector<16x1xi32>
        %gather3A_433 = vector.shape_cast %broadcast_in_dim3A_432 : vector<16x1xi32> to vector<16xi32>
        %gather3A_434 = tpu.dynamic_gather %select_n3A[%gather3A_433] in [0] : vector<16xf32>, vector<16xi32> -> vector<16xf32>
        %add3A_435 = arith.addf %add3A_385, %gather3A_434 : vector<16xf32>
        %add3A_436 = arith.constant 2 : i32
        %add3A_437 = arith.addi %mul3A_413, %add3A_436 : i32
        %get3A_438 = arith.index_cast %add3A_437 : i32 to index
        %get3A_439 = arith.index_cast %multiple_of3A : i32 to index
        %get3A_440 = tpu.vector_load %arg13[%get3A_438, %get3A_439] {strides = array<i32>} : memref<200x128xi32, #tpu.memory_space<vmem>>, vector<16xi32>,
        %and3A_441 = arith.constant 15 : i32
        %and3A_442 = vector.broadcast %and3A_441 : i32 to vector<16xi32>
        %and3A_443 = arith.andi %get3A_440, %and3A_442 : vector<16xi32>
        %broadcast_in_dim3A_444 = vector.shape_cast %and3A_443 : vector<16xi32> to vector<16x1xi32>
        %gather3A_445 = vector.shape_cast %broadcast_in_dim3A_444 : vector<16x1xi32> to vector<16xi32>
        %gather3A_446 = tpu.dynamic_gather %select_n3A[%gather3A_445] in [0] : vector<16xf32>, vector<16xi32> -> vector<16xf32>
        %add3A_447 = arith.addf %add3A_397, %gather3A_446 : vector<16xf32>
        %add3A_448 = arith.constant 3 : i32
        %add3A_449 = arith.addi %mul3A_413, %add3A_448 : i32
        %get3A_450 = arith.index_cast %add3A_449 : i32 to index
        %get3A_451 = arith.index_cast %multiple_of3A : i32 to index
        %get3A_452 = tpu.vector_load %arg13[%get3A_450, %get3A_451] {strides = array<i32>} : memref<200x128xi32, #tpu.memory_space<vmem>>, vector<16xi32>,
        %and3A_453 = arith.constant 15 : i32
        %and3A_454 = vector.broadcast %and3A_453 : i32 to vector<16xi32>
        %and3A_455 = arith.andi %get3A_452, %and3A_454 : vector<16xi32>
        %broadcast_in_dim3A_456 = vector.shape_cast %and3A_455 : vector<16xi32> to vector<16x1xi32>
        %gather3A_457 = vector.shape_cast %broadcast_in_dim3A_456 : vector<16x1xi32> to vector<16xi32>
        %gather3A_458 = tpu.dynamic_gather %select_n3A[%gather3A_457] in [0] : vector<16xf32>, vector<16xi32> -> vector<16xf32>
        %add3A_459 = arith.addf %add3A_409, %gather3A_458 : vector<16xf32>
        %scan3A_460 = arith.constant 2 : i32
        %scan3A_461 = arith.addi %scan3A_359, %scan3A_460 : i32
        %mul3A_462 = arith.constant 4 : i32
        %mul3A_463 = arith.muli %scan3A_461, %mul3A_462 : i32
        %get3A_464 = arith.index_cast %mul3A_463 : i32 to index
        %get3A_465 = arith.index_cast %multiple_of3A : i32 to index
        %get3A_466 = tpu.vector_load %arg13[%get3A_464, %get3A_465] {strides = array<i32>} : memref<200x128xi32, #tpu.memory_space<vmem>>, vector<16xi32>,
        %and3A_467 = arith.constant 15 : i32
        %and3A_468 = vector.broadcast %and3A_467 : i32 to vector<16xi32>
        %and3A_469 = arith.andi %get3A_466, %and3A_468 : vector<16xi32>
        %broadcast_in_dim3A_470 = vector.shape_cast %and3A_469 : vector<16xi32> to vector<16x1xi32>
        %gather3A_471 = vector.shape_cast %broadcast_in_dim3A_470 : vector<16x1xi32> to vector<16xi32>
        %gather3A_472 = tpu.dynamic_gather %select_n3A[%gather3A_471] in [0] : vector<16xf32>, vector<16xi32> -> vector<16xf32>
        %add3A_473 = arith.addf %add3A_423, %gather3A_472 : vector<16xf32>
        %add3A_474 = arith.constant 1 : i32
        %add3A_475 = arith.addi %mul3A_463, %add3A_474 : i32
        %get3A_476 = arith.index_cast %add3A_475 : i32 to index
        %get3A_477 = arith.index_cast %multiple_of3A : i32 to index
        %get3A_478 = tpu.vector_load %arg13[%get3A_476, %get3A_477] {strides = array<i32>} : memref<200x128xi32, #tpu.memory_space<vmem>>, vector<16xi32>,
        %and3A_479 = arith.constant 15 : i32
        %and3A_480 = vector.broadcast %and3A_479 : i32 to vector<16xi32>
        %and3A_481 = arith.andi %get3A_478, %and3A_480 : vector<16xi32>
        %broadcast_in_dim3A_482 = vector.shape_cast %and3A_481 : vector<16xi32> to vector<16x1xi32>
        %gather3A_483 = vector.shape_cast %broadcast_in_dim3A_482 : vector<16x1xi32> to vector<16xi32>
        %gather3A_484 = tpu.dynamic_gather %select_n3A[%gather3A_483] in [0] : vector<16xf32>, vector<16xi32> -> vector<16xf32>
        %add3A_485 = arith.addf %add3A_435, %gather3A_484 : vector<16xf32>
        %add3A_486 = arith.constant 2 : i32
        %add3A_487 = arith.addi %mul3A_463, %add3A_486 : i32
        %get3A_488 = arith.index_cast %add3A_487 : i32 to index
        %get3A_489 = arith.index_cast %multiple_of3A : i32 to index
        %get3A_490 = tpu.vector_load %arg13[%get3A_488, %get3A_489] {strides = array<i32>} : memref<200x128xi32, #tpu.memory_space<vmem>>, vector<16xi32>,
        %and3A_491 = arith.constant 15 : i32
        %and3A_492 = vector.broadcast %and3A_491 : i32 to vector<16xi32>
        %and3A_493 = arith.andi %get3A_490, %and3A_492 : vector<16xi32>
        %broadcast_in_dim3A_494 = vector.shape_cast %and3A_493 : vector<16xi32> to vector<16x1xi32>
        %gather3A_495 = vector.shape_cast %broadcast_in_dim3A_494 : vector<16x1xi32> to vector<16xi32>
        %gather3A_496 = tpu.dynamic_gather %select_n3A[%gather3A_495] in [0] : vector<16xf32>, vector<16xi32> -> vector<16xf32>
        %add3A_497 = arith.addf %add3A_447, %gather3A_496 : vector<16xf32>
        %add3A_498 = arith.constant 3 : i32
        %add3A_499 = arith.addi %mul3A_463, %add3A_498 : i32
        %get3A_500 = arith.index_cast %add3A_499 : i32 to index
        %get3A_501 = arith.index_cast %multiple_of3A : i32 to index
        %get3A_502 = tpu.vector_load %arg13[%get3A_500, %get3A_501] {strides = array<i32>} : memref<200x128xi32, #tpu.memory_space<vmem>>, vector<16xi32>,
        %and3A_503 = arith.constant 15 : i32
        %and3A_504 = vector.broadcast %and3A_503 : i32 to vector<16xi32>
        %and3A_505 = arith.andi %get3A_502, %and3A_504 : vector<16xi32>
        %broadcast_in_dim3A_506 = vector.shape_cast %and3A_505 : vector<16xi32> to vector<16x1xi32>
        %gather3A_507 = vector.shape_cast %broadcast_in_dim3A_506 : vector<16x1xi32> to vector<16xi32>
        %gather3A_508 = tpu.dynamic_gather %select_n3A[%gather3A_507] in [0] : vector<16xf32>, vector<16xi32> -> vector<16xf32>
        %add3A_509 = arith.addf %add3A_459, %gather3A_508 : vector<16xf32>
        %scan3A_510 = arith.constant 3 : i32
        %scan3A_511 = arith.addi %scan3A_359, %scan3A_510 : i32
        %mul3A_512 = arith.constant 4 : i32
        %mul3A_513 = arith.muli %scan3A_511, %mul3A_512 : i32
        %get3A_514 = arith.index_cast %mul3A_513 : i32 to index
        %get3A_515 = arith.index_cast %multiple_of3A : i32 to index
        %get3A_516 = tpu.vector_load %arg13[%get3A_514, %get3A_515] {strides = array<i32>} : memref<200x128xi32, #tpu.memory_space<vmem>>, vector<16xi32>,
        %and3A_517 = arith.constant 15 : i32
        %and3A_518 = vector.broadcast %and3A_517 : i32 to vector<16xi32>
        %and3A_519 = arith.andi %get3A_516, %and3A_518 : vector<16xi32>
        %broadcast_in_dim3A_520 = vector.shape_cast %and3A_519 : vector<16xi32> to vector<16x1xi32>
        %gather3A_521 = vector.shape_cast %broadcast_in_dim3A_520 : vector<16x1xi32> to vector<16xi32>
        %gather3A_522 = tpu.dynamic_gather %select_n3A[%gather3A_521] in [0] : vector<16xf32>, vector<16xi32> -> vector<16xf32>
        %add3A_523 = arith.addf %add3A_473, %gather3A_522 : vector<16xf32>
        %add3A_524 = arith.constant 1 : i32
        %add3A_525 = arith.addi %mul3A_513, %add3A_524 : i32
        %get3A_526 = arith.index_cast %add3A_525 : i32 to index
        %get3A_527 = arith.index_cast %multiple_of3A : i32 to index
        %get3A_528 = tpu.vector_load %arg13[%get3A_526, %get3A_527] {strides = array<i32>} : memref<200x128xi32, #tpu.memory_space<vmem>>, vector<16xi32>,
        %and3A_529 = arith.constant 15 : i32
        %and3A_530 = vector.broadcast %and3A_529 : i32 to vector<16xi32>
        %and3A_531 = arith.andi %get3A_528, %and3A_530 : vector<16xi32>
        %broadcast_in_dim3A_532 = vector.shape_cast %and3A_531 : vector<16xi32> to vector<16x1xi32>
        %gather3A_533 = vector.shape_cast %broadcast_in_dim3A_532 : vector<16x1xi32> to vector<16xi32>
        %gather3A_534 = tpu.dynamic_gather %select_n3A[%gather3A_533] in [0] : vector<16xf32>, vector<16xi32> -> vector<16xf32>
        %add3A_535 = arith.addf %add3A_485, %gather3A_534 : vector<16xf32>
        %add3A_536 = arith.constant 2 : i32
        %add3A_537 = arith.addi %mul3A_513, %add3A_536 : i32
        %get3A_538 = arith.index_cast %add3A_537 : i32 to index
        %get3A_539 = arith.index_cast %multiple_of3A : i32 to index
        %get3A_540 = tpu.vector_load %arg13[%get3A_538, %get3A_539] {strides = array<i32>} : memref<200x128xi32, #tpu.memory_space<vmem>>, vector<16xi32>,
        %and3A_541 = arith.constant 15 : i32
        %and3A_542 = vector.broadcast %and3A_541 : i32 to vector<16xi32>
        %and3A_543 = arith.andi %get3A_540, %and3A_542 : vector<16xi32>
        %broadcast_in_dim3A_544 = vector.shape_cast %and3A_543 : vector<16xi32> to vector<16x1xi32>
        %gather3A_545 = vector.shape_cast %broadcast_in_dim3A_544 : vector<16x1xi32> to vector<16xi32>
        %gather3A_546 = tpu.dynamic_gather %select_n3A[%gather3A_545] in [0] : vector<16xf32>, vector<16xi32> -> vector<16xf32>
        %add3A_547 = arith.addf %add3A_497, %gather3A_546 : vector<16xf32>
        %add3A_548 = arith.constant 3 : i32
        %add3A_549 = arith.addi %mul3A_513, %add3A_548 : i32
        %get3A_550 = arith.index_cast %add3A_549 : i32 to index
        %get3A_551 = arith.index_cast %multiple_of3A : i32 to index
        %get3A_552 = tpu.vector_load %arg13[%get3A_550, %get3A_551] {strides = array<i32>} : memref<200x128xi32, #tpu.memory_space<vmem>>, vector<16xi32>,
        %and3A_553 = arith.constant 15 : i32
        %and3A_554 = vector.broadcast %and3A_553 : i32 to vector<16xi32>
        %and3A_555 = arith.andi %get3A_552, %and3A_554 : vector<16xi32>
        %broadcast_in_dim3A_556 = vector.shape_cast %and3A_555 : vector<16xi32> to vector<16x1xi32>
        %gather3A_557 = vector.shape_cast %broadcast_in_dim3A_556 : vector<16x1xi32> to vector<16xi32>
        %gather3A_558 = tpu.dynamic_gather %select_n3A[%gather3A_557] in [0] : vector<16xf32>, vector<16xi32> -> vector<16xf32>
        %add3A_559 = arith.addf %add3A_509, %gather3A_558 : vector<16xf32>
        %scan3A_560 = arith.constant 4 : i32
        %scan3A_561 = arith.addi %scan3A_359, %scan3A_560 : i32
        %mul3A_562 = arith.constant 4 : i32
        %mul3A_563 = arith.muli %scan3A_561, %mul3A_562 : i32
        %get3A_564 = arith.index_cast %mul3A_563 : i32 to index
        %get3A_565 = arith.index_cast %multiple_of3A : i32 to index
        %get3A_566 = tpu.vector_load %arg13[%get3A_564, %get3A_565] {strides = array<i32>} : memref<200x128xi32, #tpu.memory_space<vmem>>, vector<16xi32>,
        %and3A_567 = arith.constant 15 : i32
        %and3A_568 = vector.broadcast %and3A_567 : i32 to vector<16xi32>
        %and3A_569 = arith.andi %get3A_566, %and3A_568 : vector<16xi32>
        %broadcast_in_dim3A_570 = vector.shape_cast %and3A_569 : vector<16xi32> to vector<16x1xi32>
        %gather3A_571 = vector.shape_cast %broadcast_in_dim3A_570 : vector<16x1xi32> to vector<16xi32>
        %gather3A_572 = tpu.dynamic_gather %select_n3A[%gather3A_571] in [0] : vector<16xf32>, vector<16xi32> -> vector<16xf32>
        %add3A_573 = arith.addf %add3A_523, %gather3A_572 : vector<16xf32>
        %add3A_574 = arith.constant 1 : i32
        %add3A_575 = arith.addi %mul3A_563, %add3A_574 : i32
        %get3A_576 = arith.index_cast %add3A_575 : i32 to index
        %get3A_577 = arith.index_cast %multiple_of3A : i32 to index
        %get3A_578 = tpu.vector_load %arg13[%get3A_576, %get3A_577] {strides = array<i32>} : memref<200x128xi32, #tpu.memory_space<vmem>>, vector<16xi32>,
        %and3A_579 = arith.constant 15 : i32
        %and3A_580 = vector.broadcast %and3A_579 : i32 to vector<16xi32>
        %and3A_581 = arith.andi %get3A_578, %and3A_580 : vector<16xi32>
        %broadcast_in_dim3A_582 = vector.shape_cast %and3A_581 : vector<16xi32> to vector<16x1xi32>
        %gather3A_583 = vector.shape_cast %broadcast_in_dim3A_582 : vector<16x1xi32> to vector<16xi32>
        %gather3A_584 = tpu.dynamic_gather %select_n3A[%gather3A_583] in [0] : vector<16xf32>, vector<16xi32> -> vector<16xf32>
        %add3A_585 = arith.addf %add3A_535, %gather3A_584 : vector<16xf32>
        %add3A_586 = arith.constant 2 : i32
        %add3A_587 = arith.addi %mul3A_563, %add3A_586 : i32
        %get3A_588 = arith.index_cast %add3A_587 : i32 to index
        %get3A_589 = arith.index_cast %multiple_of3A : i32 to index
        %get3A_590 = tpu.vector_load %arg13[%get3A_588, %get3A_589] {strides = array<i32>} : memref<200x128xi32, #tpu.memory_space<vmem>>, vector<16xi32>,
        %and3A_591 = arith.constant 15 : i32
        %and3A_592 = vector.broadcast %and3A_591 : i32 to vector<16xi32>
        %and3A_593 = arith.andi %get3A_590, %and3A_592 : vector<16xi32>
        %broadcast_in_dim3A_594 = vector.shape_cast %and3A_593 : vector<16xi32> to vector<16x1xi32>
        %gather3A_595 = vector.shape_cast %broadcast_in_dim3A_594 : vector<16x1xi32> to vector<16xi32>
        %gather3A_596 = tpu.dynamic_gather %select_n3A[%gather3A_595] in [0] : vector<16xf32>, vector<16xi32> -> vector<16xf32>
        %add3A_597 = arith.addf %add3A_547, %gather3A_596 : vector<16xf32>
        %add3A_598 = arith.constant 3 : i32
        %add3A_599 = arith.addi %mul3A_563, %add3A_598 : i32
        %get3A_600 = arith.index_cast %add3A_599 : i32 to index
        %get3A_601 = arith.index_cast %multiple_of3A : i32 to index
        %get3A_602 = tpu.vector_load %arg13[%get3A_600, %get3A_601] {strides = array<i32>} : memref<200x128xi32, #tpu.memory_space<vmem>>, vector<16xi32>,
        %and3A_603 = arith.constant 15 : i32
        %and3A_604 = vector.broadcast %and3A_603 : i32 to vector<16xi32>
        %and3A_605 = arith.andi %get3A_602, %and3A_604 : vector<16xi32>
        %broadcast_in_dim3A_606 = vector.shape_cast %and3A_605 : vector<16xi32> to vector<16x1xi32>
        %gather3A_607 = vector.shape_cast %broadcast_in_dim3A_606 : vector<16x1xi32> to vector<16xi32>
        %gather3A_608 = tpu.dynamic_gather %select_n3A[%gather3A_607] in [0] : vector<16xf32>, vector<16xi32> -> vector<16xf32>
        %add3A_609 = arith.addf %add3A_559, %gather3A_608 : vector<16xf32>
        %scan3A_610 = arith.constant 5 : i32
        %scan3A_611 = arith.addi %scan3A_359, %scan3A_610 : i32
        %mul3A_612 = arith.constant 4 : i32
        %mul3A_613 = arith.muli %scan3A_611, %mul3A_612 : i32
        %get3A_614 = arith.index_cast %mul3A_613 : i32 to index
        %get3A_615 = arith.index_cast %multiple_of3A : i32 to index
        %get3A_616 = tpu.vector_load %arg13[%get3A_614, %get3A_615] {strides = array<i32>} : memref<200x128xi32, #tpu.memory_space<vmem>>, vector<16xi32>,
        %and3A_617 = arith.constant 15 : i32
        %and3A_618 = vector.broadcast %and3A_617 : i32 to vector<16xi32>
        %and3A_619 = arith.andi %get3A_616, %and3A_618 : vector<16xi32>
        %broadcast_in_dim3A_620 = vector.shape_cast %and3A_619 : vector<16xi32> to vector<16x1xi32>
        %gather3A_621 = vector.shape_cast %broadcast_in_dim3A_620 : vector<16x1xi32> to vector<16xi32>
        %gather3A_622 = tpu.dynamic_gather %select_n3A[%gather3A_621] in [0] : vector<16xf32>, vector<16xi32> -> vector<16xf32>
        %add3A_623 = arith.addf %add3A_573, %gather3A_622 : vector<16xf32>
        %add3A_624 = arith.constant 1 : i32
        %add3A_625 = arith.addi %mul3A_613, %add3A_624 : i32
        %get3A_626 = arith.index_cast %add3A_625 : i32 to index
        %get3A_627 = arith.index_cast %multiple_of3A : i32 to index
        %get3A_628 = tpu.vector_load %arg13[%get3A_626, %get3A_627] {strides = array<i32>} : memref<200x128xi32, #tpu.memory_space<vmem>>, vector<16xi32>,
        %and3A_629 = arith.constant 15 : i32
        %and3A_630 = vector.broadcast %and3A_629 : i32 to vector<16xi32>
        %and3A_631 = arith.andi %get3A_628, %and3A_630 : vector<16xi32>
        %broadcast_in_dim3A_632 = vector.shape_cast %and3A_631 : vector<16xi32> to vector<16x1xi32>
        %gather3A_633 = vector.shape_cast %broadcast_in_dim3A_632 : vector<16x1xi32> to vector<16xi32>
        %gather3A_634 = tpu.dynamic_gather %select_n3A[%gather3A_633] in [0] : vector<16xf32>, vector<16xi32> -> vector<16xf32>
        %add3A_635 = arith.addf %add3A_585, %gather3A_634 : vector<16xf32>
        %add3A_636 = arith.constant 2 : i32
        %add3A_637 = arith.addi %mul3A_613, %add3A_636 : i32
        %get3A_638 = arith.index_cast %add3A_637 : i32 to index
        %get3A_639 = arith.index_cast %multiple_of3A : i32 to index
        %get3A_640 = tpu.vector_load %arg13[%get3A_638, %get3A_639] {strides = array<i32>} : memref<200x128xi32, #tpu.memory_space<vmem>>, vector<16xi32>,
        %and3A_641 = arith.constant 15 : i32
        %and3A_642 = vector.broadcast %and3A_641 : i32 to vector<16xi32>
        %and3A_643 = arith.andi %get3A_640, %and3A_642 : vector<16xi32>
        %broadcast_in_dim3A_644 = vector.shape_cast %and3A_643 : vector<16xi32> to vector<16x1xi32>
        %gather3A_645 = vector.shape_cast %broadcast_in_dim3A_644 : vector<16x1xi32> to vector<16xi32>
        %gather3A_646 = tpu.dynamic_gather %select_n3A[%gather3A_645] in [0] : vector<16xf32>, vector<16xi32> -> vector<16xf32>
        %add3A_647 = arith.addf %add3A_597, %gather3A_646 : vector<16xf32>
        %add3A_648 = arith.constant 3 : i32
        %add3A_649 = arith.addi %mul3A_613, %add3A_648 : i32
        %get3A_650 = arith.index_cast %add3A_649 : i32 to index
        %get3A_651 = arith.index_cast %multiple_of3A : i32 to index
        %get3A_652 = tpu.vector_load %arg13[%get3A_650, %get3A_651] {strides = array<i32>} : memref<200x128xi32, #tpu.memory_space<vmem>>, vector<16xi32>,
        %and3A_653 = arith.constant 15 : i32
        %and3A_654 = vector.broadcast %and3A_653 : i32 to vector<16xi32>
        %and3A_655 = arith.andi %get3A_652, %and3A_654 : vector<16xi32>
        %broadcast_in_dim3A_656 = vector.shape_cast %and3A_655 : vector<16xi32> to vector<16x1xi32>
        %gather3A_657 = vector.shape_cast %broadcast_in_dim3A_656 : vector<16x1xi32> to vector<16xi32>
        %gather3A_658 = tpu.dynamic_gather %select_n3A[%gather3A_657] in [0] : vector<16xf32>, vector<16xi32> -> vector<16xf32>
        %add3A_659 = arith.addf %add3A_609, %gather3A_658 : vector<16xf32>
        %scan3A_660 = arith.constant 6 : i32
        %scan3A_661 = arith.addi %scan3A_359, %scan3A_660 : i32
        %mul3A_662 = arith.constant 4 : i32
        %mul3A_663 = arith.muli %scan3A_661, %mul3A_662 : i32
        %get3A_664 = arith.index_cast %mul3A_663 : i32 to index
        %get3A_665 = arith.index_cast %multiple_of3A : i32 to index
        %get3A_666 = tpu.vector_load %arg13[%get3A_664, %get3A_665] {strides = array<i32>} : memref<200x128xi32, #tpu.memory_space<vmem>>, vector<16xi32>,
        %and3A_667 = arith.constant 15 : i32
        %and3A_668 = vector.broadcast %and3A_667 : i32 to vector<16xi32>
        %and3A_669 = arith.andi %get3A_666, %and3A_668 : vector<16xi32>
        %broadcast_in_dim3A_670 = vector.shape_cast %and3A_669 : vector<16xi32> to vector<16x1xi32>
        %gather3A_671 = vector.shape_cast %broadcast_in_dim3A_670 : vector<16x1xi32> to vector<16xi32>
        %gather3A_672 = tpu.dynamic_gather %select_n3A[%gather3A_671] in [0] : vector<16xf32>, vector<16xi32> -> vector<16xf32>
        %add3A_673 = arith.addf %add3A_623, %gather3A_672 : vector<16xf32>
        %add3A_674 = arith.constant 1 : i32
        %add3A_675 = arith.addi %mul3A_663, %add3A_674 : i32
        %get3A_676 = arith.index_cast %add3A_675 : i32 to index
        %get3A_677 = arith.index_cast %multiple_of3A : i32 to index
        %get3A_678 = tpu.vector_load %arg13[%get3A_676, %get3A_677] {strides = array<i32>} : memref<200x128xi32, #tpu.memory_space<vmem>>, vector<16xi32>,
        %and3A_679 = arith.constant 15 : i32
        %and3A_680 = vector.broadcast %and3A_679 : i32 to vector<16xi32>
        %and3A_681 = arith.andi %get3A_678, %and3A_680 : vector<16xi32>
        %broadcast_in_dim3A_682 = vector.shape_cast %and3A_681 : vector<16xi32> to vector<16x1xi32>
        %gather3A_683 = vector.shape_cast %broadcast_in_dim3A_682 : vector<16x1xi32> to vector<16xi32>
        %gather3A_684 = tpu.dynamic_gather %select_n3A[%gather3A_683] in [0] : vector<16xf32>, vector<16xi32> -> vector<16xf32>
        %add3A_685 = arith.addf %add3A_635, %gather3A_684 : vector<16xf32>
        %add3A_686 = arith.constant 2 : i32
        %add3A_687 = arith.addi %mul3A_663, %add3A_686 : i32
        %get3A_688 = arith.index_cast %add3A_687 : i32 to index
        %get3A_689 = arith.index_cast %multiple_of3A : i32 to index
        %get3A_690 = tpu.vector_load %arg13[%get3A_688, %get3A_689] {strides = array<i32>} : memref<200x128xi32, #tpu.memory_space<vmem>>, vector<16xi32>,
        %and3A_691 = arith.constant 15 : i32
        %and3A_692 = vector.broadcast %and3A_691 : i32 to vector<16xi32>
        %and3A_693 = arith.andi %get3A_690, %and3A_692 : vector<16xi32>
        %broadcast_in_dim3A_694 = vector.shape_cast %and3A_693 : vector<16xi32> to vector<16x1xi32>
        %gather3A_695 = vector.shape_cast %broadcast_in_dim3A_694 : vector<16x1xi32> to vector<16xi32>
        %gather3A_696 = tpu.dynamic_gather %select_n3A[%gather3A_695] in [0] : vector<16xf32>, vector<16xi32> -> vector<16xf32>
        %add3A_697 = arith.addf %add3A_647, %gather3A_696 : vector<16xf32>
        %add3A_698 = arith.constant 3 : i32
        %add3A_699 = arith.addi %mul3A_663, %add3A_698 : i32
        %get3A_700 = arith.index_cast %add3A_699 : i32 to index
        %get3A_701 = arith.index_cast %multiple_of3A : i32 to index
        %get3A_702 = tpu.vector_load %arg13[%get3A_700, %get3A_701] {strides = array<i32>} : memref<200x128xi32, #tpu.memory_space<vmem>>, vector<16xi32>,
        %and3A_703 = arith.constant 15 : i32
        %and3A_704 = vector.broadcast %and3A_703 : i32 to vector<16xi32>
        %and3A_705 = arith.andi %get3A_702, %and3A_704 : vector<16xi32>
        %broadcast_in_dim3A_706 = vector.shape_cast %and3A_705 : vector<16xi32> to vector<16x1xi32>
        %gather3A_707 = vector.shape_cast %broadcast_in_dim3A_706 : vector<16x1xi32> to vector<16xi32>
        %gather3A_708 = tpu.dynamic_gather %select_n3A[%gather3A_707] in [0] : vector<16xf32>, vector<16xi32> -> vector<16xf32>
        %add3A_709 = arith.addf %add3A_659, %gather3A_708 : vector<16xf32>
        %scan3A_710 = arith.constant 7 : i32
        %scan3A_711 = arith.addi %scan3A_359, %scan3A_710 : i32
        %mul3A_712 = arith.constant 4 : i32
        %mul3A_713 = arith.muli %scan3A_711, %mul3A_712 : i32
        %get3A_714 = arith.index_cast %mul3A_713 : i32 to index
        %get3A_715 = arith.index_cast %multiple_of3A : i32 to index
        %get3A_716 = tpu.vector_load %arg13[%get3A_714, %get3A_715] {strides = array<i32>} : memref<200x128xi32, #tpu.memory_space<vmem>>, vector<16xi32>,
        %and3A_717 = arith.constant 15 : i32
        %and3A_718 = vector.broadcast %and3A_717 : i32 to vector<16xi32>
        %and3A_719 = arith.andi %get3A_716, %and3A_718 : vector<16xi32>
        %broadcast_in_dim3A_720 = vector.shape_cast %and3A_719 : vector<16xi32> to vector<16x1xi32>
        %gather3A_721 = vector.shape_cast %broadcast_in_dim3A_720 : vector<16x1xi32> to vector<16xi32>
        %gather3A_722 = tpu.dynamic_gather %select_n3A[%gather3A_721] in [0] : vector<16xf32>, vector<16xi32> -> vector<16xf32>
        %add3A_723 = arith.addf %add3A_673, %gather3A_722 : vector<16xf32>
        %add3A_724 = arith.constant 1 : i32
        %add3A_725 = arith.addi %mul3A_713, %add3A_724 : i32
        %get3A_726 = arith.index_cast %add3A_725 : i32 to index
        %get3A_727 = arith.index_cast %multiple_of3A : i32 to index
        %get3A_728 = tpu.vector_load %arg13[%get3A_726, %get3A_727] {strides = array<i32>} : memref<200x128xi32, #tpu.memory_space<vmem>>, vector<16xi32>,
        %and3A_729 = arith.constant 15 : i32
        %and3A_730 = vector.broadcast %and3A_729 : i32 to vector<16xi32>
        %and3A_731 = arith.andi %get3A_728, %and3A_730 : vector<16xi32>
        %broadcast_in_dim3A_732 = vector.shape_cast %and3A_731 : vector<16xi32> to vector<16x1xi32>
        %gather3A_733 = vector.shape_cast %broadcast_in_dim3A_732 : vector<16x1xi32> to vector<16xi32>
        %gather3A_734 = tpu.dynamic_gather %select_n3A[%gather3A_733] in [0] : vector<16xf32>, vector<16xi32> -> vector<16xf32>
        %add3A_735 = arith.addf %add3A_685, %gather3A_734 : vector<16xf32>
        %add3A_736 = arith.constant 2 : i32
        %add3A_737 = arith.addi %mul3A_713, %add3A_736 : i32
        %get3A_738 = arith.index_cast %add3A_737 : i32 to index
        %get3A_739 = arith.index_cast %multiple_of3A : i32 to index
        %get3A_740 = tpu.vector_load %arg13[%get3A_738, %get3A_739] {strides = array<i32>} : memref<200x128xi32, #tpu.memory_space<vmem>>, vector<16xi32>,
        %and3A_741 = arith.constant 15 : i32
        %and3A_742 = vector.broadcast %and3A_741 : i32 to vector<16xi32>
        %and3A_743 = arith.andi %get3A_740, %and3A_742 : vector<16xi32>
        %broadcast_in_dim3A_744 = vector.shape_cast %and3A_743 : vector<16xi32> to vector<16x1xi32>
        %gather3A_745 = vector.shape_cast %broadcast_in_dim3A_744 : vector<16x1xi32> to vector<16xi32>
        %gather3A_746 = tpu.dynamic_gather %select_n3A[%gather3A_745] in [0] : vector<16xf32>, vector<16xi32> -> vector<16xf32>
        %add3A_747 = arith.addf %add3A_697, %gather3A_746 : vector<16xf32>
        %add3A_748 = arith.constant 3 : i32
        %add3A_749 = arith.addi %mul3A_713, %add3A_748 : i32
        %get3A_750 = arith.index_cast %add3A_749 : i32 to index
        %get3A_751 = arith.index_cast %multiple_of3A : i32 to index
        %get3A_752 = tpu.vector_load %arg13[%get3A_750, %get3A_751] {strides = array<i32>} : memref<200x128xi32, #tpu.memory_space<vmem>>, vector<16xi32>,
        %and3A_753 = arith.constant 15 : i32
        %and3A_754 = vector.broadcast %and3A_753 : i32 to vector<16xi32>
        %and3A_755 = arith.andi %get3A_752, %and3A_754 : vector<16xi32>
        %broadcast_in_dim3A_756 = vector.shape_cast %and3A_755 : vector<16xi32> to vector<16x1xi32>
        %gather3A_757 = vector.shape_cast %broadcast_in_dim3A_756 : vector<16x1xi32> to vector<16xi32>
        %gather3A_758 = tpu.dynamic_gather %select_n3A[%gather3A_757] in [0] : vector<16xf32>, vector<16xi32> -> vector<16xf32>
        %add3A_759 = arith.addf %add3A_709, %gather3A_758 : vector<16xf32>
        %scan3A_760 = arith.constant 8 : i32
        %scan3A_761 = arith.addi %scan3A_359, %scan3A_760 : i32
        %mul3A_762 = arith.constant 4 : i32
        %mul3A_763 = arith.muli %scan3A_761, %mul3A_762 : i32
        %get3A_764 = arith.index_cast %mul3A_763 : i32 to index
        %get3A_765 = arith.index_cast %multiple_of3A : i32 to index
        %get3A_766 = tpu.vector_load %arg13[%get3A_764, %get3A_765] {strides = array<i32>} : memref<200x128xi32, #tpu.memory_space<vmem>>, vector<16xi32>,
        %and3A_767 = arith.constant 15 : i32
        %and3A_768 = vector.broadcast %and3A_767 : i32 to vector<16xi32>
        %and3A_769 = arith.andi %get3A_766, %and3A_768 : vector<16xi32>
        %broadcast_in_dim3A_770 = vector.shape_cast %and3A_769 : vector<16xi32> to vector<16x1xi32>
        %gather3A_771 = vector.shape_cast %broadcast_in_dim3A_770 : vector<16x1xi32> to vector<16xi32>
        %gather3A_772 = tpu.dynamic_gather %select_n3A[%gather3A_771] in [0] : vector<16xf32>, vector<16xi32> -> vector<16xf32>
        %add3A_773 = arith.addf %add3A_723, %gather3A_772 : vector<16xf32>
        %add3A_774 = arith.constant 1 : i32
        %add3A_775 = arith.addi %mul3A_763, %add3A_774 : i32
        %get3A_776 = arith.index_cast %add3A_775 : i32 to index
        %get3A_777 = arith.index_cast %multiple_of3A : i32 to index
        %get3A_778 = tpu.vector_load %arg13[%get3A_776, %get3A_777] {strides = array<i32>} : memref<200x128xi32, #tpu.memory_space<vmem>>, vector<16xi32>,
        %and3A_779 = arith.constant 15 : i32
        %and3A_780 = vector.broadcast %and3A_779 : i32 to vector<16xi32>
        %and3A_781 = arith.andi %get3A_778, %and3A_780 : vector<16xi32>
        %broadcast_in_dim3A_782 = vector.shape_cast %and3A_781 : vector<16xi32> to vector<16x1xi32>
        %gather3A_783 = vector.shape_cast %broadcast_in_dim3A_782 : vector<16x1xi32> to vector<16xi32>
        %gather3A_784 = tpu.dynamic_gather %select_n3A[%gather3A_783] in [0] : vector<16xf32>, vector<16xi32> -> vector<16xf32>
        %add3A_785 = arith.addf %add3A_735, %gather3A_784 : vector<16xf32>
        %add3A_786 = arith.constant 2 : i32
        %add3A_787 = arith.addi %mul3A_763, %add3A_786 : i32
        %get3A_788 = arith.index_cast %add3A_787 : i32 to index
        %get3A_789 = arith.index_cast %multiple_of3A : i32 to index
        %get3A_790 = tpu.vector_load %arg13[%get3A_788, %get3A_789] {strides = array<i32>} : memref<200x128xi32, #tpu.memory_space<vmem>>, vector<16xi32>,
        %and3A_791 = arith.constant 15 : i32
        %and3A_792 = vector.broadcast %and3A_791 : i32 to vector<16xi32>
        %and3A_793 = arith.andi %get3A_790, %and3A_792 : vector<16xi32>
        %broadcast_in_dim3A_794 = vector.shape_cast %and3A_793 : vector<16xi32> to vector<16x1xi32>
        %gather3A_795 = vector.shape_cast %broadcast_in_dim3A_794 : vector<16x1xi32> to vector<16xi32>
        %gather3A_796 = tpu.dynamic_gather %select_n3A[%gather3A_795] in [0] : vector<16xf32>, vector<16xi32> -> vector<16xf32>
        %add3A_797 = arith.addf %add3A_747, %gather3A_796 : vector<16xf32>
        %add3A_798 = arith.constant 3 : i32
        %add3A_799 = arith.addi %mul3A_763, %add3A_798 : i32
        %get3A_800 = arith.index_cast %add3A_799 : i32 to index
        %get3A_801 = arith.index_cast %multiple_of3A : i32 to index
        %get3A_802 = tpu.vector_load %arg13[%get3A_800, %get3A_801] {strides = array<i32>} : memref<200x128xi32, #tpu.memory_space<vmem>>, vector<16xi32>,
        %and3A_803 = arith.constant 15 : i32
        %and3A_804 = vector.broadcast %and3A_803 : i32 to vector<16xi32>
        %and3A_805 = arith.andi %get3A_802, %and3A_804 : vector<16xi32>
        %broadcast_in_dim3A_806 = vector.shape_cast %and3A_805 : vector<16xi32> to vector<16x1xi32>
        %gather3A_807 = vector.shape_cast %broadcast_in_dim3A_806 : vector<16x1xi32> to vector<16xi32>
        %gather3A_808 = tpu.dynamic_gather %select_n3A[%gather3A_807] in [0] : vector<16xf32>, vector<16xi32> -> vector<16xf32>
        %add3A_809 = arith.addf %add3A_759, %gather3A_808 : vector<16xf32>
        %scan3A_810 = arith.constant 9 : i32
        %scan3A_811 = arith.addi %scan3A_359, %scan3A_810 : i32
        %mul3A_812 = arith.constant 4 : i32
        %mul3A_813 = arith.muli %scan3A_811, %mul3A_812 : i32
        %get3A_814 = arith.index_cast %mul3A_813 : i32 to index
        %get3A_815 = arith.index_cast %multiple_of3A : i32 to index
        %get3A_816 = tpu.vector_load %arg13[%get3A_814, %get3A_815] {strides = array<i32>} : memref<200x128xi32, #tpu.memory_space<vmem>>, vector<16xi32>,
        %and3A_817 = arith.constant 15 : i32
        %and3A_818 = vector.broadcast %and3A_817 : i32 to vector<16xi32>
        %and3A_819 = arith.andi %get3A_816, %and3A_818 : vector<16xi32>
        %broadcast_in_dim3A_820 = vector.shape_cast %and3A_819 : vector<16xi32> to vector<16x1xi32>
        %gather3A_821 = vector.shape_cast %broadcast_in_dim3A_820 : vector<16x1xi32> to vector<16xi32>
        %gather3A_822 = tpu.dynamic_gather %select_n3A[%gather3A_821] in [0] : vector<16xf32>, vector<16xi32> -> vector<16xf32>
        %add3A_823 = arith.addf %add3A_773, %gather3A_822 : vector<16xf32>
        %add3A_824 = arith.constant 1 : i32
        %add3A_825 = arith.addi %mul3A_813, %add3A_824 : i32
        %get3A_826 = arith.index_cast %add3A_825 : i32 to index
        %get3A_827 = arith.index_cast %multiple_of3A : i32 to index
        %get3A_828 = tpu.vector_load %arg13[%get3A_826, %get3A_827] {strides = array<i32>} : memref<200x128xi32, #tpu.memory_space<vmem>>, vector<16xi32>,
        %and3A_829 = arith.constant 15 : i32
        %and3A_830 = vector.broadcast %and3A_829 : i32 to vector<16xi32>
        %and3A_831 = arith.andi %get3A_828, %and3A_830 : vector<16xi32>
        %broadcast_in_dim3A_832 = vector.shape_cast %and3A_831 : vector<16xi32> to vector<16x1xi32>
        %gather3A_833 = vector.shape_cast %broadcast_in_dim3A_832 : vector<16x1xi32> to vector<16xi32>
        %gather3A_834 = tpu.dynamic_gather %select_n3A[%gather3A_833] in [0] : vector<16xf32>, vector<16xi32> -> vector<16xf32>
        %add3A_835 = arith.addf %add3A_785, %gather3A_834 : vector<16xf32>
        %add3A_836 = arith.constant 2 : i32
        %add3A_837 = arith.addi %mul3A_813, %add3A_836 : i32
        %get3A_838 = arith.index_cast %add3A_837 : i32 to index
        %get3A_839 = arith.index_cast %multiple_of3A : i32 to index
        %get3A_840 = tpu.vector_load %arg13[%get3A_838, %get3A_839] {strides = array<i32>} : memref<200x128xi32, #tpu.memory_space<vmem>>, vector<16xi32>,
        %and3A_841 = arith.constant 15 : i32
        %and3A_842 = vector.broadcast %and3A_841 : i32 to vector<16xi32>
        %and3A_843 = arith.andi %get3A_840, %and3A_842 : vector<16xi32>
        %broadcast_in_dim3A_844 = vector.shape_cast %and3A_843 : vector<16xi32> to vector<16x1xi32>
        %gather3A_845 = vector.shape_cast %broadcast_in_dim3A_844 : vector<16x1xi32> to vector<16xi32>
        %gather3A_846 = tpu.dynamic_gather %select_n3A[%gather3A_845] in [0] : vector<16xf32>, vector<16xi32> -> vector<16xf32>
        %add3A_847 = arith.addf %add3A_797, %gather3A_846 : vector<16xf32>
        %add3A_848 = arith.constant 3 : i32
        %add3A_849 = arith.addi %mul3A_813, %add3A_848 : i32
        %get3A_850 = arith.index_cast %add3A_849 : i32 to index
        %get3A_851 = arith.index_cast %multiple_of3A : i32 to index
        %get3A_852 = tpu.vector_load %arg13[%get3A_850, %get3A_851] {strides = array<i32>} : memref<200x128xi32, #tpu.memory_space<vmem>>, vector<16xi32>,
        %and3A_853 = arith.constant 15 : i32
        %and3A_854 = vector.broadcast %and3A_853 : i32 to vector<16xi32>
        %and3A_855 = arith.andi %get3A_852, %and3A_854 : vector<16xi32>
        %broadcast_in_dim3A_856 = vector.shape_cast %and3A_855 : vector<16xi32> to vector<16x1xi32>
        %gather3A_857 = vector.shape_cast %broadcast_in_dim3A_856 : vector<16x1xi32> to vector<16xi32>
        %gather3A_858 = tpu.dynamic_gather %select_n3A[%gather3A_857] in [0] : vector<16xf32>, vector<16xi32> -> vector<16xf32>
        %add3A_859 = arith.addf %add3A_809, %gather3A_858 : vector<16xf32>
        scf.yield %add3A_823, %add3A_835, %add3A_847, %add3A_859 : vector<16xf32>, vector<16xf32>, vector<16xf32>, vector<16xf32>
      }
      %scan3A_348 = arith.constant 50 : i32
      %mul3A_349 = arith.constant 16 : i32
      %mul3A_350 = arith.muli %scan3A_340, %mul3A_349 : i32
      %add3A_351 = arith.constant 384 : i32
      %add3A_352 = arith.addi %add3A_351, %mul3A_350 : i32
      %multiple_of3A_353 = tpu.assume_multiple %add3A_352, 16 : i32
      %add3A_354 = arith.addf %scan3A_347#0, %scan3A_347#1 : vector<16xf32>
      %add3A_355 = arith.addf %scan3A_347#2, %scan3A_347#3 : vector<16xf32>
      %add3A_356 = arith.addf %add3A_354, %add3A_355 : vector<16xf32>
      %swap3A_357 = arith.index_cast %multiple_of3A_353 : i32 to index
      %swap3A_358 = tpu.vector_load %arg9[%swap3A_357] {strides = array<i32>} : memref<512xf32, #tpu.memory_space<vmem>>, vector<16xf32>,
      tpu.vector_store %arg9[%swap3A_357], %add3A_356 {strides = array<i32>} : memref<512xf32, #tpu.memory_space<vmem>>, vector<16xf32>,
    }
    %scan3A_100 = arith.constant 8 : i32
    %get3A_101 = arith.constant 0 : index
    %get3A_102 = tpu.vector_load %arg9[%get3A_101] {strides = array<i32>} : memref<512xf32, #tpu.memory_space<vmem>>, vector<16xf32>,
    %get3A_103 = arith.constant 0 : index
    %get3A_104 = tpu.vector_load %arg8[%get3A_103] {strides = array<i32>} : memref<512xf32, #tpu.memory_space<vmem>>, vector<16xf32>,
    %add3A_105 = arith.addf %get3A_102, %get3A_104 : vector<16xf32>
    %swap3A = arith.constant 0 : index
    %swap3A_106 = tpu.vector_load %arg9[%swap3A] {strides = array<i32>} : memref<512xf32, #tpu.memory_space<vmem>>, vector<16xf32>,
    tpu.vector_store %arg9[%swap3A], %add3A_105 {strides = array<i32>} : memref<512xf32, #tpu.memory_space<vmem>>, vector<16xf32>,
    %get3A_107 = arith.constant 16 : index
    %get3A_108 = tpu.vector_load %arg9[%get3A_107] {strides = array<i32>} : memref<512xf32, #tpu.memory_space<vmem>>, vector<16xf32>,
    %get3A_109 = arith.constant 16 : index
    %get3A_110 = tpu.vector_load %arg8[%get3A_109] {strides = array<i32>} : memref<512xf32, #tpu.memory_space<vmem>>, vector<16xf32>,
    %add3A_111 = arith.addf %get3A_108, %get3A_110 : vector<16xf32>
    %swap3A_112 = arith.constant 16 : index
    %swap3A_113 = tpu.vector_load %arg9[%swap3A_112] {strides = array<i32>} : memref<512xf32, #tpu.memory_space<vmem>>, vector<16xf32>,
    tpu.vector_store %arg9[%swap3A_112], %add3A_111 {strides = array<i32>} : memref<512xf32, #tpu.memory_space<vmem>>, vector<16xf32>,
    %get3A_114 = arith.constant 32 : index
    %get3A_115 = tpu.vector_load %arg9[%get3A_114] {strides = array<i32>} : memref<512xf32, #tpu.memory_space<vmem>>, vector<16xf32>,
    %get3A_116 = arith.constant 32 : index
    %get3A_117 = tpu.vector_load %arg8[%get3A_116] {strides = array<i32>} : memref<512xf32, #tpu.memory_space<vmem>>, vector<16xf32>,
    %add3A_118 = arith.addf %get3A_115, %get3A_117 : vector<16xf32>
    %swap3A_119 = arith.constant 32 : index
    %swap3A_120 = tpu.vector_load %arg9[%swap3A_119] {strides = array<i32>} : memref<512xf32, #tpu.memory_space<vmem>>, vector<16xf32>,
    tpu.vector_store %arg9[%swap3A_119], %add3A_118 {strides = array<i32>} : memref<512xf32, #tpu.memory_space<vmem>>, vector<16xf32>,
    %get3A_121 = arith.constant 48 : index
    %get3A_122 = tpu.vector_load %arg9[%get3A_121] {strides = array<i32>} : memref<512xf32, #tpu.memory_space<vmem>>, vector<16xf32>,
    %get3A_123 = arith.constant 48 : index
    %get3A_124 = tpu.vector_load %arg8[%get3A_123] {strides = array<i32>} : memref<512xf32, #tpu.memory_space<vmem>>, vector<16xf32>,
    %add3A_125 = arith.addf %get3A_122, %get3A_124 : vector<16xf32>
    %swap3A_126 = arith.constant 48 : index
    %swap3A_127 = tpu.vector_load %arg9[%swap3A_126] {strides = array<i32>} : memref<512xf32, #tpu.memory_space<vmem>>, vector<16xf32>,
    tpu.vector_store %arg9[%swap3A_126], %add3A_125 {strides = array<i32>} : memref<512xf32, #tpu.memory_space<vmem>>, vector<16xf32>,
    %get3A_128 = arith.constant 64 : index
    %get3A_129 = tpu.vector_load %arg9[%get3A_128] {strides = array<i32>} : memref<512xf32, #tpu.memory_space<vmem>>, vector<16xf32>,
    %get3A_130 = arith.constant 64 : index
    %get3A_131 = tpu.vector_load %arg8[%get3A_130] {strides = array<i32>} : memref<512xf32, #tpu.memory_space<vmem>>, vector<16xf32>,
    %add3A_132 = arith.addf %get3A_129, %get3A_131 : vector<16xf32>
    %swap3A_133 = arith.constant 64 : index
    %swap3A_134 = tpu.vector_load %arg9[%swap3A_133] {strides = array<i32>} : memref<512xf32, #tpu.memory_space<vmem>>, vector<16xf32>,
    tpu.vector_store %arg9[%swap3A_133], %add3A_132 {strides = array<i32>} : memref<512xf32, #tpu.memory_space<vmem>>, vector<16xf32>,
    %get3A_135 = arith.constant 80 : index
    %get3A_136 = tpu.vector_load %arg9[%get3A_135] {strides = array<i32>} : memref<512xf32, #tpu.memory_space<vmem>>, vector<16xf32>,
    %get3A_137 = arith.constant 80 : index
    %get3A_138 = tpu.vector_load %arg8[%get3A_137] {strides = array<i32>} : memref<512xf32, #tpu.memory_space<vmem>>, vector<16xf32>,
    %add3A_139 = arith.addf %get3A_136, %get3A_138 : vector<16xf32>
    %swap3A_140 = arith.constant 80 : index
    %swap3A_141 = tpu.vector_load %arg9[%swap3A_140] {strides = array<i32>} : memref<512xf32, #tpu.memory_space<vmem>>, vector<16xf32>,
    tpu.vector_store %arg9[%swap3A_140], %add3A_139 {strides = array<i32>} : memref<512xf32, #tpu.memory_space<vmem>>, vector<16xf32>,
    %get3A_142 = arith.constant 96 : index
    %get3A_143 = tpu.vector_load %arg9[%get3A_142] {strides = array<i32>} : memref<512xf32, #tpu.memory_space<vmem>>, vector<16xf32>,
    %get3A_144 = arith.constant 96 : index
    %get3A_145 = tpu.vector_load %arg8[%get3A_144] {strides = array<i32>} : memref<512xf32, #tpu.memory_space<vmem>>, vector<16xf32>,
    %add3A_146 = arith.addf %get3A_143, %get3A_145 : vector<16xf32>
    %swap3A_147 = arith.constant 96 : index
    %swap3A_148 = tpu.vector_load %arg9[%swap3A_147] {strides = array<i32>} : memref<512xf32, #tpu.memory_space<vmem>>, vector<16xf32>,
    tpu.vector_store %arg9[%swap3A_147], %add3A_146 {strides = array<i32>} : memref<512xf32, #tpu.memory_space<vmem>>, vector<16xf32>,
    %get3A_149 = arith.constant 112 : index
    %get3A_150 = tpu.vector_load %arg9[%get3A_149] {strides = array<i32>} : memref<512xf32, #tpu.memory_space<vmem>>, vector<16xf32>,
    %get3A_151 = arith.constant 112 : index
    %get3A_152 = tpu.vector_load %arg8[%get3A_151] {strides = array<i32>} : memref<512xf32, #tpu.memory_space<vmem>>, vector<16xf32>,
    %add3A_153 = arith.addf %get3A_150, %get3A_152 : vector<16xf32>
    %swap3A_154 = arith.constant 112 : index
    %swap3A_155 = tpu.vector_load %arg9[%swap3A_154] {strides = array<i32>} : memref<512xf32, #tpu.memory_space<vmem>>, vector<16xf32>,
    tpu.vector_store %arg9[%swap3A_154], %add3A_153 {strides = array<i32>} : memref<512xf32, #tpu.memory_space<vmem>>, vector<16xf32>,
    %get3A_156 = arith.constant 128 : index
    %get3A_157 = tpu.vector_load %arg9[%get3A_156] {strides = array<i32>} : memref<512xf32, #tpu.memory_space<vmem>>, vector<16xf32>,
    %get3A_158 = arith.constant 128 : index
    %get3A_159 = tpu.vector_load %arg8[%get3A_158] {strides = array<i32>} : memref<512xf32, #tpu.memory_space<vmem>>, vector<16xf32>,
    %add3A_160 = arith.addf %get3A_157, %get3A_159 : vector<16xf32>
    %swap3A_161 = arith.constant 128 : index
    %swap3A_162 = tpu.vector_load %arg9[%swap3A_161] {strides = array<i32>} : memref<512xf32, #tpu.memory_space<vmem>>, vector<16xf32>,
    tpu.vector_store %arg9[%swap3A_161], %add3A_160 {strides = array<i32>} : memref<512xf32, #tpu.memory_space<vmem>>, vector<16xf32>,
    %get3A_163 = arith.constant 144 : index
    %get3A_164 = tpu.vector_load %arg9[%get3A_163] {strides = array<i32>} : memref<512xf32, #tpu.memory_space<vmem>>, vector<16xf32>,
    %get3A_165 = arith.constant 144 : index
    %get3A_166 = tpu.vector_load %arg8[%get3A_165] {strides = array<i32>} : memref<512xf32, #tpu.memory_space<vmem>>, vector<16xf32>,
    %add3A_167 = arith.addf %get3A_164, %get3A_166 : vector<16xf32>
    %swap3A_168 = arith.constant 144 : index
    %swap3A_169 = tpu.vector_load %arg9[%swap3A_168] {strides = array<i32>} : memref<512xf32, #tpu.memory_space<vmem>>, vector<16xf32>,
    tpu.vector_store %arg9[%swap3A_168], %add3A_167 {strides = array<i32>} : memref<512xf32, #tpu.memory_space<vmem>>, vector<16xf32>,
    %get3A_170 = arith.constant 160 : index
    %get3A_171 = tpu.vector_load %arg9[%get3A_170] {strides = array<i32>} : memref<512xf32, #tpu.memory_space<vmem>>, vector<16xf32>,
    %get3A_172 = arith.constant 160 : index
    %get3A_173 = tpu.vector_load %arg8[%get3A_172] {strides = array<i32>} : memref<512xf32, #tpu.memory_space<vmem>>, vector<16xf32>,
    %add3A_174 = arith.addf %get3A_171, %get3A_173 : vector<16xf32>
    %swap3A_175 = arith.constant 160 : index
    %swap3A_176 = tpu.vector_load %arg9[%swap3A_175] {strides = array<i32>} : memref<512xf32, #tpu.memory_space<vmem>>, vector<16xf32>,
    tpu.vector_store %arg9[%swap3A_175], %add3A_174 {strides = array<i32>} : memref<512xf32, #tpu.memory_space<vmem>>, vector<16xf32>,
    %get3A_177 = arith.constant 176 : index
    %get3A_178 = tpu.vector_load %arg9[%get3A_177] {strides = array<i32>} : memref<512xf32, #tpu.memory_space<vmem>>, vector<16xf32>,
    %get3A_179 = arith.constant 176 : index
    %get3A_180 = tpu.vector_load %arg8[%get3A_179] {strides = array<i32>} : memref<512xf32, #tpu.memory_space<vmem>>, vector<16xf32>,
    %add3A_181 = arith.addf %get3A_178, %get3A_180 : vector<16xf32>
    %swap3A_182 = arith.constant 176 : index
    %swap3A_183 = tpu.vector_load %arg9[%swap3A_182] {strides = array<i32>} : memref<512xf32, #tpu.memory_space<vmem>>, vector<16xf32>,
    tpu.vector_store %arg9[%swap3A_182], %add3A_181 {strides = array<i32>} : memref<512xf32, #tpu.memory_space<vmem>>, vector<16xf32>,
    %get3A_184 = arith.constant 192 : index
    %get3A_185 = tpu.vector_load %arg9[%get3A_184] {strides = array<i32>} : memref<512xf32, #tpu.memory_space<vmem>>, vector<16xf32>,
    %get3A_186 = arith.constant 192 : index
    %get3A_187 = tpu.vector_load %arg8[%get3A_186] {strides = array<i32>} : memref<512xf32, #tpu.memory_space<vmem>>, vector<16xf32>,
    %add3A_188 = arith.addf %get3A_185, %get3A_187 : vector<16xf32>
    %swap3A_189 = arith.constant 192 : index
    %swap3A_190 = tpu.vector_load %arg9[%swap3A_189] {strides = array<i32>} : memref<512xf32, #tpu.memory_space<vmem>>, vector<16xf32>,
    tpu.vector_store %arg9[%swap3A_189], %add3A_188 {strides = array<i32>} : memref<512xf32, #tpu.memory_space<vmem>>, vector<16xf32>,
    %get3A_191 = arith.constant 208 : index
    %get3A_192 = tpu.vector_load %arg9[%get3A_191] {strides = array<i32>} : memref<512xf32, #tpu.memory_space<vmem>>, vector<16xf32>,
    %get3A_193 = arith.constant 208 : index
    %get3A_194 = tpu.vector_load %arg8[%get3A_193] {strides = array<i32>} : memref<512xf32, #tpu.memory_space<vmem>>, vector<16xf32>,
    %add3A_195 = arith.addf %get3A_192, %get3A_194 : vector<16xf32>
    %swap3A_196 = arith.constant 208 : index
    %swap3A_197 = tpu.vector_load %arg9[%swap3A_196] {strides = array<i32>} : memref<512xf32, #tpu.memory_space<vmem>>, vector<16xf32>,
    tpu.vector_store %arg9[%swap3A_196], %add3A_195 {strides = array<i32>} : memref<512xf32, #tpu.memory_space<vmem>>, vector<16xf32>,
    %get3A_198 = arith.constant 224 : index
    %get3A_199 = tpu.vector_load %arg9[%get3A_198] {strides = array<i32>} : memref<512xf32, #tpu.memory_space<vmem>>, vector<16xf32>,
    %get3A_200 = arith.constant 224 : index
    %get3A_201 = tpu.vector_load %arg8[%get3A_200] {strides = array<i32>} : memref<512xf32, #tpu.memory_space<vmem>>, vector<16xf32>,
    %add3A_202 = arith.addf %get3A_199, %get3A_201 : vector<16xf32>
    %swap3A_203 = arith.constant 224 : index
    %swap3A_204 = tpu.vector_load %arg9[%swap3A_203] {strides = array<i32>} : memref<512xf32, #tpu.memory_space<vmem>>, vector<16xf32>,
    tpu.vector_store %arg9[%swap3A_203], %add3A_202 {strides = array<i32>} : memref<512xf32, #tpu.memory_space<vmem>>, vector<16xf32>,
    %get3A_205 = arith.constant 240 : index
    %get3A_206 = tpu.vector_load %arg9[%get3A_205] {strides = array<i32>} : memref<512xf32, #tpu.memory_space<vmem>>, vector<16xf32>,
    %get3A_207 = arith.constant 240 : index
    %get3A_208 = tpu.vector_load %arg8[%get3A_207] {strides = array<i32>} : memref<512xf32, #tpu.memory_space<vmem>>, vector<16xf32>,
    %add3A_209 = arith.addf %get3A_206, %get3A_208 : vector<16xf32>
    %swap3A_210 = arith.constant 240 : index
    %swap3A_211 = tpu.vector_load %arg9[%swap3A_210] {strides = array<i32>} : memref<512xf32, #tpu.memory_space<vmem>>, vector<16xf32>,
    tpu.vector_store %arg9[%swap3A_210], %add3A_209 {strides = array<i32>} : memref<512xf32, #tpu.memory_space<vmem>>, vector<16xf32>,
    %get3A_212 = arith.constant 256 : index
    %get3A_213 = tpu.vector_load %arg9[%get3A_212] {strides = array<i32>} : memref<512xf32, #tpu.memory_space<vmem>>, vector<16xf32>,
    %get3A_214 = arith.constant 256 : index
    %get3A_215 = tpu.vector_load %arg8[%get3A_214] {strides = array<i32>} : memref<512xf32, #tpu.memory_space<vmem>>, vector<16xf32>,
    %add3A_216 = arith.addf %get3A_213, %get3A_215 : vector<16xf32>
    %swap3A_217 = arith.constant 256 : index
    %swap3A_218 = tpu.vector_load %arg9[%swap3A_217] {strides = array<i32>} : memref<512xf32, #tpu.memory_space<vmem>>, vector<16xf32>,
    tpu.vector_store %arg9[%swap3A_217], %add3A_216 {strides = array<i32>} : memref<512xf32, #tpu.memory_space<vmem>>, vector<16xf32>,
    %get3A_219 = arith.constant 272 : index
    %get3A_220 = tpu.vector_load %arg9[%get3A_219] {strides = array<i32>} : memref<512xf32, #tpu.memory_space<vmem>>, vector<16xf32>,
    %get3A_221 = arith.constant 272 : index
    %get3A_222 = tpu.vector_load %arg8[%get3A_221] {strides = array<i32>} : memref<512xf32, #tpu.memory_space<vmem>>, vector<16xf32>,
    %add3A_223 = arith.addf %get3A_220, %get3A_222 : vector<16xf32>
    %swap3A_224 = arith.constant 272 : index
    %swap3A_225 = tpu.vector_load %arg9[%swap3A_224] {strides = array<i32>} : memref<512xf32, #tpu.memory_space<vmem>>, vector<16xf32>,
    tpu.vector_store %arg9[%swap3A_224], %add3A_223 {strides = array<i32>} : memref<512xf32, #tpu.memory_space<vmem>>, vector<16xf32>,
    %get3A_226 = arith.constant 288 : index
    %get3A_227 = tpu.vector_load %arg9[%get3A_226] {strides = array<i32>} : memref<512xf32, #tpu.memory_space<vmem>>, vector<16xf32>,
    %get3A_228 = arith.constant 288 : index
    %get3A_229 = tpu.vector_load %arg8[%get3A_228] {strides = array<i32>} : memref<512xf32, #tpu.memory_space<vmem>>, vector<16xf32>,
    %add3A_230 = arith.addf %get3A_227, %get3A_229 : vector<16xf32>
    %swap3A_231 = arith.constant 288 : index
    %swap3A_232 = tpu.vector_load %arg9[%swap3A_231] {strides = array<i32>} : memref<512xf32, #tpu.memory_space<vmem>>, vector<16xf32>,
    tpu.vector_store %arg9[%swap3A_231], %add3A_230 {strides = array<i32>} : memref<512xf32, #tpu.memory_space<vmem>>, vector<16xf32>,
    %get3A_233 = arith.constant 304 : index
    %get3A_234 = tpu.vector_load %arg9[%get3A_233] {strides = array<i32>} : memref<512xf32, #tpu.memory_space<vmem>>, vector<16xf32>,
    %get3A_235 = arith.constant 304 : index
    %get3A_236 = tpu.vector_load %arg8[%get3A_235] {strides = array<i32>} : memref<512xf32, #tpu.memory_space<vmem>>, vector<16xf32>,
    %add3A_237 = arith.addf %get3A_234, %get3A_236 : vector<16xf32>
    %swap3A_238 = arith.constant 304 : index
    %swap3A_239 = tpu.vector_load %arg9[%swap3A_238] {strides = array<i32>} : memref<512xf32, #tpu.memory_space<vmem>>, vector<16xf32>,
    tpu.vector_store %arg9[%swap3A_238], %add3A_237 {strides = array<i32>} : memref<512xf32, #tpu.memory_space<vmem>>, vector<16xf32>,
    %get3A_240 = arith.constant 320 : index
    %get3A_241 = tpu.vector_load %arg9[%get3A_240] {strides = array<i32>} : memref<512xf32, #tpu.memory_space<vmem>>, vector<16xf32>,
    %get3A_242 = arith.constant 320 : index
    %get3A_243 = tpu.vector_load %arg8[%get3A_242] {strides = array<i32>} : memref<512xf32, #tpu.memory_space<vmem>>, vector<16xf32>,
    %add3A_244 = arith.addf %get3A_241, %get3A_243 : vector<16xf32>
    %swap3A_245 = arith.constant 320 : index
    %swap3A_246 = tpu.vector_load %arg9[%swap3A_245] {strides = array<i32>} : memref<512xf32, #tpu.memory_space<vmem>>, vector<16xf32>,
    tpu.vector_store %arg9[%swap3A_245], %add3A_244 {strides = array<i32>} : memref<512xf32, #tpu.memory_space<vmem>>, vector<16xf32>,
    %get3A_247 = arith.constant 336 : index
    %get3A_248 = tpu.vector_load %arg9[%get3A_247] {strides = array<i32>} : memref<512xf32, #tpu.memory_space<vmem>>, vector<16xf32>,
    %get3A_249 = arith.constant 336 : index
    %get3A_250 = tpu.vector_load %arg8[%get3A_249] {strides = array<i32>} : memref<512xf32, #tpu.memory_space<vmem>>, vector<16xf32>,
    %add3A_251 = arith.addf %get3A_248, %get3A_250 : vector<16xf32>
    %swap3A_252 = arith.constant 336 : index
    %swap3A_253 = tpu.vector_load %arg9[%swap3A_252] {strides = array<i32>} : memref<512xf32, #tpu.memory_space<vmem>>, vector<16xf32>,
    tpu.vector_store %arg9[%swap3A_252], %add3A_251 {strides = array<i32>} : memref<512xf32, #tpu.memory_space<vmem>>, vector<16xf32>,
    %get3A_254 = arith.constant 352 : index
    %get3A_255 = tpu.vector_load %arg9[%get3A_254] {strides = array<i32>} : memref<512xf32, #tpu.memory_space<vmem>>, vector<16xf32>,
    %get3A_256 = arith.constant 352 : index
    %get3A_257 = tpu.vector_load %arg8[%get3A_256] {strides = array<i32>} : memref<512xf32, #tpu.memory_space<vmem>>, vector<16xf32>,
    %add3A_258 = arith.addf %get3A_255, %get3A_257 : vector<16xf32>
    %swap3A_259 = arith.constant 352 : index
    %swap3A_260 = tpu.vector_load %arg9[%swap3A_259] {strides = array<i32>} : memref<512xf32, #tpu.memory_space<vmem>>, vector<16xf32>,
    tpu.vector_store %arg9[%swap3A_259], %add3A_258 {strides = array<i32>} : memref<512xf32, #tpu.memory_space<vmem>>, vector<16xf32>,
    %get3A_261 = arith.constant 368 : index
    %get3A_262 = tpu.vector_load %arg9[%get3A_261] {strides = array<i32>} : memref<512xf32, #tpu.memory_space<vmem>>, vector<16xf32>,
    %get3A_263 = arith.constant 368 : index
    %get3A_264 = tpu.vector_load %arg8[%get3A_263] {strides = array<i32>} : memref<512xf32, #tpu.memory_space<vmem>>, vector<16xf32>,
    %add3A_265 = arith.addf %get3A_262, %get3A_264 : vector<16xf32>
    %swap3A_266 = arith.constant 368 : index
    %swap3A_267 = tpu.vector_load %arg9[%swap3A_266] {strides = array<i32>} : memref<512xf32, #tpu.memory_space<vmem>>, vector<16xf32>,
    tpu.vector_store %arg9[%swap3A_266], %add3A_265 {strides = array<i32>} : memref<512xf32, #tpu.memory_space<vmem>>, vector<16xf32>,
    %get3A_268 = arith.constant 384 : index
    %get3A_269 = tpu.vector_load %arg9[%get3A_268] {strides = array<i32>} : memref<512xf32, #tpu.memory_space<vmem>>, vector<16xf32>,
    %get3A_270 = arith.constant 384 : index
    %get3A_271 = tpu.vector_load %arg8[%get3A_270] {strides = array<i32>} : memref<512xf32, #tpu.memory_space<vmem>>, vector<16xf32>,
    %add3A_272 = arith.addf %get3A_269, %get3A_271 : vector<16xf32>
    %swap3A_273 = arith.constant 384 : index
    %swap3A_274 = tpu.vector_load %arg9[%swap3A_273] {strides = array<i32>} : memref<512xf32, #tpu.memory_space<vmem>>, vector<16xf32>,
    tpu.vector_store %arg9[%swap3A_273], %add3A_272 {strides = array<i32>} : memref<512xf32, #tpu.memory_space<vmem>>, vector<16xf32>,
    %get3A_275 = arith.constant 400 : index
    %get3A_276 = tpu.vector_load %arg9[%get3A_275] {strides = array<i32>} : memref<512xf32, #tpu.memory_space<vmem>>, vector<16xf32>,
    %get3A_277 = arith.constant 400 : index
    %get3A_278 = tpu.vector_load %arg8[%get3A_277] {strides = array<i32>} : memref<512xf32, #tpu.memory_space<vmem>>, vector<16xf32>,
    %add3A_279 = arith.addf %get3A_276, %get3A_278 : vector<16xf32>
    %swap3A_280 = arith.constant 400 : index
    %swap3A_281 = tpu.vector_load %arg9[%swap3A_280] {strides = array<i32>} : memref<512xf32, #tpu.memory_space<vmem>>, vector<16xf32>,
    tpu.vector_store %arg9[%swap3A_280], %add3A_279 {strides = array<i32>} : memref<512xf32, #tpu.memory_space<vmem>>, vector<16xf32>,
    %get3A_282 = arith.constant 416 : index
    %get3A_283 = tpu.vector_load %arg9[%get3A_282] {strides = array<i32>} : memref<512xf32, #tpu.memory_space<vmem>>, vector<16xf32>,
    %get3A_284 = arith.constant 416 : index
    %get3A_285 = tpu.vector_load %arg8[%get3A_284] {strides = array<i32>} : memref<512xf32, #tpu.memory_space<vmem>>, vector<16xf32>,
    %add3A_286 = arith.addf %get3A_283, %get3A_285 : vector<16xf32>
    %swap3A_287 = arith.constant 416 : index
    %swap3A_288 = tpu.vector_load %arg9[%swap3A_287] {strides = array<i32>} : memref<512xf32, #tpu.memory_space<vmem>>, vector<16xf32>,
    tpu.vector_store %arg9[%swap3A_287], %add3A_286 {strides = array<i32>} : memref<512xf32, #tpu.memory_space<vmem>>, vector<16xf32>,
    %get3A_289 = arith.constant 432 : index
    %get3A_290 = tpu.vector_load %arg9[%get3A_289] {strides = array<i32>} : memref<512xf32, #tpu.memory_space<vmem>>, vector<16xf32>,
    %get3A_291 = arith.constant 432 : index
    %get3A_292 = tpu.vector_load %arg8[%get3A_291] {strides = array<i32>} : memref<512xf32, #tpu.memory_space<vmem>>, vector<16xf32>,
    %add3A_293 = arith.addf %get3A_290, %get3A_292 : vector<16xf32>
    %swap3A_294 = arith.constant 432 : index
    %swap3A_295 = tpu.vector_load %arg9[%swap3A_294] {strides = array<i32>} : memref<512xf32, #tpu.memory_space<vmem>>, vector<16xf32>,
    tpu.vector_store %arg9[%swap3A_294], %add3A_293 {strides = array<i32>} : memref<512xf32, #tpu.memory_space<vmem>>, vector<16xf32>,
    %get3A_296 = arith.constant 448 : index
    %get3A_297 = tpu.vector_load %arg9[%get3A_296] {strides = array<i32>} : memref<512xf32, #tpu.memory_space<vmem>>, vector<16xf32>,
    %get3A_298 = arith.constant 448 : index
    %get3A_299 = tpu.vector_load %arg8[%get3A_298] {strides = array<i32>} : memref<512xf32, #tpu.memory_space<vmem>>, vector<16xf32>,
    %add3A_300 = arith.addf %get3A_297, %get3A_299 : vector<16xf32>
    %swap3A_301 = arith.constant 448 : index
    %swap3A_302 = tpu.vector_load %arg9[%swap3A_301] {strides = array<i32>} : memref<512xf32, #tpu.memory_space<vmem>>, vector<16xf32>,
    tpu.vector_store %arg9[%swap3A_301], %add3A_300 {strides = array<i32>} : memref<512xf32, #tpu.memory_space<vmem>>, vector<16xf32>,
    %get3A_303 = arith.constant 464 : index
    %get3A_304 = tpu.vector_load %arg9[%get3A_303] {strides = array<i32>} : memref<512xf32, #tpu.memory_space<vmem>>, vector<16xf32>,
    %get3A_305 = arith.constant 464 : index
    %get3A_306 = tpu.vector_load %arg8[%get3A_305] {strides = array<i32>} : memref<512xf32, #tpu.memory_space<vmem>>, vector<16xf32>,
    %add3A_307 = arith.addf %get3A_304, %get3A_306 : vector<16xf32>
    %swap3A_308 = arith.constant 464 : index
    %swap3A_309 = tpu.vector_load %arg9[%swap3A_308] {strides = array<i32>} : memref<512xf32, #tpu.memory_space<vmem>>, vector<16xf32>,
    tpu.vector_store %arg9[%swap3A_308], %add3A_307 {strides = array<i32>} : memref<512xf32, #tpu.memory_space<vmem>>, vector<16xf32>,
    %get3A_310 = arith.constant 480 : index
    %get3A_311 = tpu.vector_load %arg9[%get3A_310] {strides = array<i32>} : memref<512xf32, #tpu.memory_space<vmem>>, vector<16xf32>,
    %get3A_312 = arith.constant 480 : index
    %get3A_313 = tpu.vector_load %arg8[%get3A_312] {strides = array<i32>} : memref<512xf32, #tpu.memory_space<vmem>>, vector<16xf32>,
    %add3A_314 = arith.addf %get3A_311, %get3A_313 : vector<16xf32>
    %swap3A_315 = arith.constant 480 : index
    %swap3A_316 = tpu.vector_load %arg9[%swap3A_315] {strides = array<i32>} : memref<512xf32, #tpu.memory_space<vmem>>, vector<16xf32>,
    tpu.vector_store %arg9[%swap3A_315], %add3A_314 {strides = array<i32>} : memref<512xf32, #tpu.memory_space<vmem>>, vector<16xf32>,
    %get3A_317 = arith.constant 496 : index
    %get3A_318 = tpu.vector_load %arg9[%get3A_317] {strides = array<i32>} : memref<512xf32, #tpu.memory_space<vmem>>, vector<16xf32>,
    %get3A_319 = arith.constant 496 : index
    %get3A_320 = tpu.vector_load %arg8[%get3A_319] {strides = array<i32>} : memref<512xf32, #tpu.memory_space<vmem>>, vector<16xf32>,
    %add3A_321 = arith.addf %get3A_318, %get3A_320 : vector<16xf32>
    %swap3A_322 = arith.constant 496 : index
    %swap3A_323 = tpu.vector_load %arg9[%swap3A_322] {strides = array<i32>} : memref<512xf32, #tpu.memory_space<vmem>>, vector<16xf32>,
    tpu.vector_store %arg9[%swap3A_322], %add3A_321 {strides = array<i32>} : memref<512xf32, #tpu.memory_space<vmem>>, vector<16xf32>,
    "tpu.region"() ({
      %run_scoped3A = tpu.sem_alloc : memref<!tpu.dma_semaphore, #tpu.memory_space<semaphore_mem>>
      %dma_start3A_340 = tpu.memref_slice %arg6[%mul3A_2] : memref<16384xf32, #tpu.memory_space<hbm>> -> memref<512xf32, #tpu.memory_space<hbm>>
      %dma_start3A_341 = tpu.memref_slice %arg6[%mul3A_2] : memref<16384xf32, #tpu.memory_space<hbm>> -> memref<512xf32, #tpu.memory_space<hbm>>
      tpu.enqueue_dma source(%arg9 : memref<512xf32, #tpu.memory_space<vmem>>) target(%dma_start3A_341 : memref<512xf32, #tpu.memory_space<hbm>>) target_semaphore(%run_scoped3A : memref<!tpu.dma_semaphore, #tpu.memory_space<semaphore_mem>>)
      %dma_wait3A_342 = tpu.memref_slice %arg6[%mul3A_2] : memref<16384xf32, #tpu.memory_space<hbm>> -> memref<512xf32, #tpu.memory_space<hbm>>
      %dma_wait3A_343 = tpu.memref_slice %arg6[%mul3A_2] : memref<16384xf32, #tpu.memory_space<hbm>> -> memref<512xf32, #tpu.memory_space<hbm>>
      tpu.wait_dma2 semaphore(%run_scoped3A : memref<!tpu.dma_semaphore, #tpu.memory_space<semaphore_mem>>) src(%arg9 : memref<512xf32, #tpu.memory_space<vmem>>) dst(%dma_wait3A_343 : memref<512xf32, #tpu.memory_space<hbm>>)
      tpu.yield
    }) : () -> ()
    %dma_wait3A_324 = arith.constant 0 : i32
    %dma_wait3A_325 = tpu.memref_slice %arg5[%dma_wait3A_324, %add3A_34] : memref<200x16384xi32, #tpu.memory_space<hbm>> -> memref<200x128xi32, #tpu.memory_space<hbm>>
    %dma_wait3A_326 = arith.constant 0 : i32
    %dma_wait3A_327 = tpu.memref_slice %arg2[%dma_wait3A_326, %add3A_32] : memref<200x16384xi32, #tpu.memory_space<hbm>> -> memref<200x128xi32, #tpu.memory_space<hbm>>
    tpu.wait_dma2 semaphore(%arg18 : memref<!tpu.dma_semaphore, #tpu.memory_space<semaphore_mem>>) src(%dma_wait3A_327 : memref<200x128xi32, #tpu.memory_space<hbm>>) dst(%dma_wait3A_325 : memref<200x128xi32, #tpu.memory_space<hbm>>)
    %dma_wait3A_328 = arith.constant 0 : i32
    %dma_wait3A_329 = tpu.memref_slice %arg5[%dma_wait3A_328, %add3A_42] : memref<200x16384xi32, #tpu.memory_space<hbm>> -> memref<200x128xi32, #tpu.memory_space<hbm>>
    %dma_wait3A_330 = arith.constant 0 : i32
    %dma_wait3A_331 = tpu.memref_slice %arg2[%dma_wait3A_330, %add3A_40] : memref<200x16384xi32, #tpu.memory_space<hbm>> -> memref<200x128xi32, #tpu.memory_space<hbm>>
    tpu.wait_dma2 semaphore(%arg19 : memref<!tpu.dma_semaphore, #tpu.memory_space<semaphore_mem>>) src(%dma_wait3A_331 : memref<200x128xi32, #tpu.memory_space<hbm>>) dst(%dma_wait3A_329 : memref<200x128xi32, #tpu.memory_space<hbm>>)
    %dma_wait3A_332 = arith.constant 0 : i32
    %dma_wait3A_333 = tpu.memref_slice %arg5[%dma_wait3A_332, %add3A_50] : memref<200x16384xi32, #tpu.memory_space<hbm>> -> memref<200x128xi32, #tpu.memory_space<hbm>>
    %dma_wait3A_334 = arith.constant 0 : i32
    %dma_wait3A_335 = tpu.memref_slice %arg2[%dma_wait3A_334, %add3A_48] : memref<200x16384xi32, #tpu.memory_space<hbm>> -> memref<200x128xi32, #tpu.memory_space<hbm>>
    tpu.wait_dma2 semaphore(%arg20 : memref<!tpu.dma_semaphore, #tpu.memory_space<semaphore_mem>>) src(%dma_wait3A_335 : memref<200x128xi32, #tpu.memory_space<hbm>>) dst(%dma_wait3A_333 : memref<200x128xi32, #tpu.memory_space<hbm>>)
    %dma_wait3A_336 = arith.constant 0 : i32
    %dma_wait3A_337 = tpu.memref_slice %arg5[%dma_wait3A_336, %add3A_58] : memref<200x16384xi32, #tpu.memory_space<hbm>> -> memref<200x128xi32, #tpu.memory_space<hbm>>
    %dma_wait3A_338 = arith.constant 0 : i32
    %dma_wait3A_339 = tpu.memref_slice %arg2[%dma_wait3A_338, %add3A_56] : memref<200x16384xi32, #tpu.memory_space<hbm>> -> memref<200x128xi32, #tpu.memory_space<hbm>>
    tpu.wait_dma2 semaphore(%arg21 : memref<!tpu.dma_semaphore, #tpu.memory_space<semaphore_mem>>) src(%dma_wait3A_339 : memref<200x128xi32, #tpu.memory_space<hbm>>) dst(%dma_wait3A_337 : memref<200x128xi32, #tpu.memory_space<hbm>>)
    return
  }
}

</mosaic_0001>

<sc_bundles>
// kernel: kernel.3.cloned.1.call-start
scs
__scs_entry_jumppad:
0x0: {  	(pc) =	sbr.rel $0x88, $3  }
0x1: {  	(tag) =	ssettag $0x0;
	lr =	simm.s32 $0x1  }
0x2: {  	[smem:$0x3F9E] =	sst lr;
	_ =	strace $0xD0000000  }
0x3: {  	_ = 	snop  }
0x4: {  	_ = 	snop  }
0x5: {  	_ = 	snop  }
0x6: {  	_ = 	snop  }
0x7: {  	_ = 	snop  }
__scs_overlays_trampoline_lowered:
0x8: {  	[smem:$0x3FAD] =	sst s0  }
0x9: {  	[smem:$0x3FAE] =	sst s1  }
0xa: {  	[smem:$0x3FAF] =	sst s2  }
0xb: {  	[smem:$0x3FB0] =	sst s3  }
0xc: {  	[smem:$0x3FB1] =	sst s4  }
0xd: {  	[smem:$0x3FB2] =	sst s5  }
0xe: {  	[smem:$0x3FB3] =	sst s6  }
0xf: {  	[smem:$0x3FB4] =	sst s7  }
0x10: {  	[smem:$0x3FB5] =	sst s8  }
0x11: {  	[smem:$0x3FB6] =	sst s9;
	s0 =	simm.s32 @!p0 $0x0  }
0x12: {  	s1 =	sld [smem:$0x3F9C];
	s0 =	simm.s32 @p0 $0x1  }
0x13: {  	[smem:$0x3FB7] =	sst s0;
	s0 =	simm.s32 @!p1 $0x0  }
0x14: {  	s2 =	sld [smem:$0x3F9B];
	s0 =	simm.s32 @p1 $0x1  }
0x15: {  	[smem:$0x3FB8] =	sst s0;
	s0 =	simm.s32 @!p2 $0x0  }
0x16: {  	s3 =	sld [smem:$0x3FDB];
	s0 =	simm.s32 @p2 $0x1  }
0x17: {  	s4 =	simm.s32 $0x1BF5;
	[smem:$0x3FBA] =	sst s0  }
0x18: {  	s0 =	sld [smem:$0x3F9D];
	_ =	swait.ge [sflag:s4], $0x0  }
0x19: {  	s7 =	sld [smem:$0x3F9E]  }
0x1a: {  	s8 =	sadd.s32 $0xFFFFE003, lr  }
0x1b: {  	s9 =	sadd.s32 $0xFFFFFEF7, lr;
	s5 =	simm.s32 $0xFFFFFFFF;
	p2 =	slt.u32 s8, $0xFFFFF086  }
0x1c: {  	p1 =	slt.u32 s9, $0xF7A;
	s5 =	simm.s32 @!p2 $0x0  }
0x1d: {  	s5 =	simm.s32 @p1 $0x1;
	p0 =	seq.s32 s7, s2  }
0x1e: {  	s7 =	smul.u32 @!p0 $0xF7A, s2;
	p2 =	seq.s32 @!p0 s5, $0x0  }
0x1f: {  	s9 =	smul.u32 $0xF7A, s1;
	s8 =	simm.s32 @!p0 $0x1BF5;
	p2 =	por !p2, p0  }
0x20: {  	[sflag:s8] =	ssyncset.s32 @!p0 $0xFFFFF086;
	s6 =	sadd.s32 @!p0 s3, s7;
	s7 =	simm.s32 @!p0 $0x108  }
0x21: {  	s3 =	sadd.s32 s3, s9;
	s6 =	sadd.s32 @!p0 $0x88, s6;
	s7 =	simm.s32 @p2 $0x1082  }
0x22: {  	[simem:s7], [sflag:s8] =	dma.local @!p0 [hbm:s6], $0xF7A  }
0x23: {  	s9 =	sor.u32 $0xD0000000, s2;
	s6 =	simm.s32 $0x108;
	_ =	swait.ge @!p0 [sflag:s8], $0x0  }
0x24: {  	s3 =	sadd.s32 $0x88, s3;
	s6 =	simm.s32 @!p1 $0x1082;
	[sflag:s4] =	ssyncset.s32 $0xFFFFF086  }
0x25: {  	[simem:s6], [sflag:s4] =	dma.local [hbm:s3], $0xF7A  }
0x26: {  	[smem:$0x3F9E] =	sst s1;
	(tag) =	ssettag s2;
	_ =	strace s9  }
0x27: {  	s1 =	sld [smem:$0x3FAE]  }
0x28: {  	s2 =	sld [smem:$0x3FAF]  }
0x29: {  	s4 =	sld [smem:$0x3FB1]  }
0x2a: {  	p0 =	seq.s32 s5, $0x0;
	s5 =	sld [smem:$0x3FB2]  }
0x2b: {  	s6 =	sld [smem:$0x3FB3]  }
0x2c: {  	s7 =	sld [smem:$0x3FB4]  }
0x2d: {  	s3 =	simm.s32 $0x108;
	s8 =	sld [smem:$0x3FB5]  }
0x2e: {  	s3 =	simm.s32 @!p0 $0x1082;
	s9 =	sld [smem:$0x3FB6]  }
0x2f: {  	lr =	sadd.s32 s0, s3;
	s0 =	sld [smem:$0x3FAD]  }
0x30: {  	s3 =	sld [smem:$0x3FB0]  }
0x31: {  	[smem:$0x3FB9] =	sst s10  }
0x32: {  	s10 =	sld [smem:$0x3FB7];
	_ =	sdelay $0x3  }
0x33: {  	p0 =	seq.s32 s10, $0x1;
	s10 =	sld [smem:$0x3FB9];
	_ =	sdelay $0x3  }
0x34: {  	[smem:$0x3FB9] =	sst s10  }
0x35: {  	s10 =	sld [smem:$0x3FB8];
	_ =	sdelay $0x3  }
0x36: {  	p1 =	seq.s32 s10, $0x1;
	s10 =	sld [smem:$0x3FB9];
	_ =	sdelay $0x3  }
0x37: {  	[smem:$0x3FB9] =	sst s10  }
0x38: {  	s10 =	sld [smem:$0x3FBA]  }
0x39: {  	_ = 	snop;
	(pc) =	sbr.ind lr, $3  }
0x3a: {  	_ = 	snop  }
0x3b: {  	_ = 	snop  }
0x3c: {  	p2 =	seq.s32 s10, $0x1;
	s10 =	sld [smem:$0x3FB9]  }
0x3d: {  	_ =	shalt  }
0x3e: {  	_ =	shalt  }
0x3f: {  	_ =	shalt  }
0x40: {  	_ =	shalt  }
0x41: {  	_ =	shalt  }
0x42: {  	_ =	shalt  }
0x43: {  	_ =	shalt  }
0x44: {  	_ =	shalt  }
0x45: {  	_ =	shalt  }
0x46: {  	_ =	shalt  }
0x47: {  	_ =	shalt  }
0x48: {  	_ =	shalt  }
0x49: {  	_ =	shalt  }
0x4a: {  	_ =	shalt  }
0x4b: {  	_ =	shalt  }
0x4c: {  	_ =	shalt  }
0x4d: {  	_ =	shalt  }
0x4e: {  	_ =	shalt  }
0x4f: {  	_ =	shalt  }
0x50: {  	_ =	shalt  }
0x51: {  	_ =	shalt  }
0x52: {  	_ =	shalt  }
0x53: {  	_ =	shalt  }
0x54: {  	_ =	shalt  }
0x55: {  	_ =	shalt  }
0x56: {  	_ =	shalt  }
0x57: {  	_ =	shalt  }
0x58: {  	_ =	shalt  }
0x59: {  	_ =	shalt  }
0x5a: {  	_ =	shalt  }
0x5b: {  	_ =	shalt  }
0x5c: {  	_ =	shalt  }
0x5d: {  	_ =	shalt  }
0x5e: {  	_ =	shalt  }
0x5f: {  	_ =	shalt  }
0x60: {  	_ =	shalt  }
0x61: {  	_ =	shalt  }
0x62: {  	_ =	shalt  }
0x63: {  	_ =	shalt  }
0x64: {  	_ =	shalt  }
0x65: {  	_ =	shalt  }
0x66: {  	_ =	shalt  }
0x67: {  	_ =	shalt  }
0x68: {  	_ =	shalt  }
0x69: {  	_ =	shalt  }
0x6a: {  	_ =	shalt  }
0x6b: {  	_ =	shalt  }
0x6c: {  	_ =	shalt  }
0x6d: {  	_ =	shalt  }
0x6e: {  	_ =	shalt  }
0x6f: {  	_ =	shalt  }
0x70: {  	_ =	shalt  }
0x71: {  	_ =	shalt  }
0x72: {  	_ =	shalt  }
0x73: {  	_ =	shalt  }
0x74: {  	_ =	shalt  }
0x75: {  	_ =	shalt  }
0x76: {  	_ =	shalt  }
0x77: {  	_ =	shalt  }
0x78: {  	_ =	shalt  }
0x79: {  	_ =	shalt  }
0x7a: {  	_ =	shalt  }
0x7b: {  	_ =	shalt  }
0x7c: {  	_ =	shalt  }
0x7d: {  	_ =	shalt  }
0x7e: {  	_ =	shalt  }
0x7f: {  	_ =	shalt  }
0x80: {  	_ =	shalt  }
0x81: {  	_ =	shalt  }
0x82: {  	_ =	shalt  }
0x83: {  	_ =	shalt  }
0x84: {  	_ =	shalt  }
0x85: {  	_ =	shalt  }
0x86: {  	_ =	shalt  }
0x87: {  	_ =	shalt  }
.Lfunc_end0:
.L_simem_size_0:
called_computation_lowered:
.L_overlay_start_0:
0x88: {  	s2 =	sld [smem:$0x3FD9]  }
0x89: {  	s3 =	sld [smem:$0x3FFE];
	_ =	sdelay $0x1  }
0x8a: {  	s1 =	srdreg.scid  }
0x8b: {  	s0 =	sand.u32 $0x1, s1  }
0x8c: {  	s15 =	sshll.u32 s0, $0xA;
	s2 =	sadd.s32 s3, s2  }
0x8d: {  	s2 =	sadd.s32 s2, s15  }
0x8e: {  	[smem:$0x3FC5] =	sst s2  }
0x8f: {  	_ = 	snop  }
0x90: {  	s2 =	sld [smem:$0x3FD0]  }
0x91: {  	s16 =	sld [smem:$0x3FC9]  }
0x92: {  	s4 =	sld [smem:$0x3FC8]  }
0x93: {  	s6 =	simm.s32 $0xA;
	s7 =	simm.s32 $0x10;
	s5 =	sld [smem:$0x3FC7]  }
0x94: {  	[smem:s7], [sflag:s6] =	dma.local [hbm:s2], $0x1  }
0x95: {  	_ =	swait.eq [sflag:s6], $0x1  }
0x96: {  	[sflag:s6] =	ssyncset.done $0x0  }
0x97: {  	s17 =	sld [smem:$0x10];
	[sflag:s6] =	ssyncadd.s32 $0xFFFFFFFF  }
0x98: {  	s18 =	sld [smem:$0x11];
	(tm) =	ssettm $0x1  }
0x99: {  	s19 =	sld [smem:$0x3FFB];
	_ =	sdelay $0x3  }
0x9a: {  	_ =	strace s19  }
0x9b: {  	s7 =	sld [smem:$0x3FFC];
	_ =	sdelay $0x3  }
0x9c: {  	_ =	strace s7  }
0x9d: {  	s7 =	sld [smem:$0x3FFD];
	_ =	sdelay $0x3  }
0x9e: {  	_ =	strace s7  }
0x9f: {  	_ =	strace $0x8FFFFFFF  }
0xa0: {  	s20 =	sld [smem:$0x3FDB];
	_ =	sdelay $0x1  }
0xa1: {  	s8 =	simm.s32 $_scs_section_size  }
0xa2: {  	s9 =	simm.s32 $_size__tile_overlayer_lowered;
	s10 =	simm.s32 $_tile_overlayer_lowered  }
0xa3: {  	s23 =	simm.s32 $0x1BFF;
	s22 =	sshll.u32 s10, $0x1;
	s7 =	sadd.s32 s8, s20  }
0xa4: {  	s11 =	simm.s32 $0x0;
	s21 =	sshll.u32 s9, $0x1;
	s9 =	sadd.s32 s22, s7  }
0xa5: {  	[timem:s11], [sflag:s23] =	dma.local [hbm:s9], s21  }
0xa6: {  	_ =	swait.ge [sflag:s23], s21  }
0xa7: {  	s8 =	ssub.s32 $0x0, s21;
	[sflag:s23] =	ssyncset.done $0x0  }
0xa8: {  	[sflag:s23] =	ssyncadd.s32 s8;
	_ =	sdelay $0x1  }
0xa9: {  	s24 =	simm.s32 $0x1B8B  }
0xaa: {  	_ =	swait.ge [sflag:s24], $0x1  }
0xab: {  	[sflag:s24] =	ssyncset.done $0x0  }
0xac: {  	s25 =	simm.s32 $0x1B8E;
	[sflag:s24] =	ssyncadd.s32 $0xFFFFFFFF  }
0xad: {  	s26 =	simm.s32 $execute0_lowered;
	[smem:$0x3FD2] =	sst s25  }
0xae: {  	s8 =	sshll.u32 s26, $0x1;
	_ =	strace $0x80000046;
	[dreg:$0x1] =	wrdreg $0xFFFFFFFF  }
0xaf: {  	s28 =	simm.s32 $_size_execute0_lowered;
	s7 =	sadd.s32 s7, s8;
	[dreg:$0x0] =	wrdreg $0x0  }
0xb0: {  	s8 =	sshll.u32 s28, $0x1;
	[dreg:$0x2] =	wrdreg s7  }
0xb1: {  	[dreg:$0x3] =	wrdreg s8  }
0xb2: {  	[dreg:$0x4] =	wrdreg $0xC0  }
0xb3: {  	_ =	task [dreg:s11], $0x5FFFF  }
0xb4: {  	[dreg:$0x1] =	wrdreg $0xFFFFFFFF  }
0xb5: {  	[dreg:$0x0] =	wrdreg $0x60  }
0xb6: {  	[dreg:$0x2] =	wrdreg s16  }
0xb7: {  	[dreg:$0x3] =	wrdreg s4  }
0xb8: {  	[dreg:$0x4] =	wrdreg s5  }
0xb9: {  	[dreg:$0x5] =	wrdreg s17  }
0xba: {  	[dreg:$0x6] =	wrdreg s18  }
0xbb: {  	[dreg:$0x7] =	wrdreg $0x9  }
0xbc: {  	_ =	task.clear_ibuf [dreg:s11], $0x8FFFF;
	_ =	strace $0x90000046  }
0xbd: {  	s29 =	simm.s32 $0x9;
	_ =	strace $0x80000048  }
0xbe: {  	_ =	swait.ge [sflag:s29], $0x1  }
0xbf: {  	[sflag:s29] =	ssyncadd.s32 $0xFFFFFFFF  }
0xc0: {  	_ =	strace $0x90000048  }
0xc1: {  	_ =	sfence  }
0xc2: {  	s30 =	sld [smem:$0x0];
	_ =	sdelay $0x2  }
0xc3: {  	s31 =	sshll.u32 s1, $0xD;
	s1 =	sshrl.u32 s1, $0x2  }
0xc4: {  	s3 =	sand.u32 $0x4000, s31;
	s1 =	sadd.s32 s1, s30  }
0xc5: {  	s0 =	sor.u32 s3, s0;
	s1 =	sshll.u32 s1, $0x11  }
0xc6: {  	s0 =	sor.u32 s1, s0  }
0xc7: {  	s0 =	sadd.s32 $0x8F2B, s0  }
0xc8: {  	[sflag:s0] =	ssyncadd.remote.s32 $0x1  }
0xc9: {  	_ =	sfence.sel $0xFFFF  }
0xca: {  	[dreg:$0x0] =	wrdreg $0xFFFFFFFF;
	(pc) =	sbr.abs _section_cstart, $3  }
0xcb: {  	[dreg:$0x1] =	wrdreg $0xFFFFFFFF  }
0xcc: {  	_ =	task.clear_ibuf [dreg:s11], $0x2FFFF;
	_ =	strace $0x9FFFFFFF  }
0xcd: {  	(tm) =	ssettm $0x7FFFFFFF  }
tec
execute0_lowered:
.L_overlay_start_1:
0x0: {  	(tag) =	ssettag $0x1  }
0x1: {  	s0 =	rddreg [dreg:$0x0]  }
0x2: {  	s1 =	rddreg [dreg:$0x1]  }
0x3: {  	s12 =	rddreg [dreg:$0x3]  }
0x4: {  	s13 =	rddreg [dreg:$0x4];
	s4 =	srdreg.scid  }
0x5: {  	s3 =	simm.s32 $0x0;
	s2 =	stileid.u32;
	s21 =	simm.s32 $0x9  }
0x6: {  	s23 =	simm.s32 $0x8;
	s24 =	simm.s32 $0x4000;
	s25 =	simm.s32 $0x1  }
0x7: {  	s26 =	simm.s32 $0x2;
	s28 =	simm.s32 $0x3;
	s29 =	simm.s32 $0x4  }
0x8: {  	s31 =	simm.s32 $0x5;
	s17 =	simm.s32 $0x0;
	s4 =	sand.u32 $0x1, s4  }
0x9: {  	s6 =	sshll.u32 s2, $0xA;
	s5 =	ssub.s32 $0x2, s4;
	s4 =	sshll.u32 s4, $0x9  }
0xa: {  	[smem:$0x7FF] =	sst s3;
	s7 =	sshrl.u32 s5, $0x1;
	s9 =	sor.u32 s4, s6  }
0xb: {  	_ =	strace $0x80000047;
	s14 =	ssub.s32 s5, s7;
	s10 =	sor.u32 $0x80, s9  }
0xc: {  	s4 =	sadd.s32 s0, s9;
	s11 =	sor.u32 $0x100, s9;
	s15 =	sor.u32 $0x180, s9  }
0xd: {  	s16 =	sshrl.u32 s9, $0x3;
	s9 =	sadd.s32 s12, s9;
	s5 =	sadd.s32 s0, s10  }
0xe: {  	s6 =	sadd.s32 s0, s11;
	s7 =	sadd.s32 s0, s15;
	s8 =	sadd.s32 s1, s16  }
0xf: {  	s10 =	sadd.s32 s12, s10;
	s11 =	sadd.s32 s12, s11;
	s12 =	sadd.s32 s12, s15  }
0x10: {  	s13 =	sadd.s32 s13, s16;
	s14 =	smax.u32 s14, $0x1;
	s15 =	simm.s32 $0x400  }
0x11: {  	vm0 =	vmmov $0x7f;
	s16 =	simm.s32 $0x20000;
	s0 =	simm.s32 $0x6;
	s1 =	simm.s32 $0x7  }
.LBB2_1:
0x12: {  	s18 =	simm.s32 $0x480  }
0x13: {  	[tilespmem:s18], [sflag:$0x1] =	stream.strided.gather [hbm4b:s4+s15], $0x6400, s16, s15, $0x38;
	[tilespmem:$0x19480] =	vst v63  }
0x14: {  	s19 =	simm.s32 $0x6880  }
0x15: {  	[tilespmem:s19], [sflag:$0x2] =	stream.strided.gather [hbm4b:s5+s15], $0x6400, s16, s15, $0x38;
	[tilespmem:$0x19480] =	vst v63  }
0x16: {  	s20 =	simm.s32 $0xCC80  }
0x17: {  	[tilespmem:s20], [sflag:$0x3] =	stream.strided.gather [hbm4b:s6+s15], $0x6400, s16, s15, $0x38;
	[tilespmem:$0x19480] =	vst v63  }
0x18: {  	s22 =	simm.s32 $0x13080  }
0x19: {  	[tilespmem:s22], [sflag:$0x4] =	stream.strided.gather [hbm4b:s7+s15], $0x6400, s16, s15, $0x38;
	[tilespmem:$0x19480] =	vst v63  }
0x1a: {  	s30 =	rddreg [dreg:$0x2]  }
0x1b: {  	[tilespmem:s3], [sflag:$0x9] =	stream.linear.gather [hbm4b:s30+s3], $0x7, $0x38;
	[tilespmem:$0x19480] =	vst v63  }
0x1c: {  	_ =	swait.ge [sflag:s21], $0x7  }
0x1d: {  	[sflag:s21] =	ssyncset.done $0x0  }
0x1e: {  	s19 =	simm.s32 $0x80;
	[sflag:s21] =	ssyncadd.s32 $0xFFFFFFF9  }
0x1f: {  	[tilespmem:s19], [sflag:$0x9] =	stream.linear.gather [hbm4b:s8+s3], $0x200, $0x38;
	[tilespmem:$0x19480] =	vst v63  }
0x20: {  	s20 =	sshll.u32 s2, $0x6;
	_ =	swait.ge [sflag:s21], $0x200  }
0x21: {  	s18 =	sor.u32 $0x1C08, s20;
	s22 =	sor.u32 $0x1C06, s20;
	[sflag:s21] =	ssyncset.done $0x0  }
0x22: {  	s30 =	sor.u32 $0x1C07, s20;
	s19 =	sor.u32 $0x1C05, s20;
	[sflag:s21] =	ssyncadd.s32 $0xFFFFFE00  }
0x23: {  	v0 =	vld [tilespmem:$0x0];
	[hbm:s9@s24], [sflag:s19] =	dma.strided [hbm:s4@s24], $0xC80, s23, $0x10   }
0x24: {  	[hbm:s10@s24], [sflag:s22] =	dma.strided [hbm:s5@s24], $0xC80, s23, $0x10   }
0x25: {  	[hbm:s11@s24], [sflag:s30] =	dma.strided [hbm:s6@s24], $0xC80, s23, $0x10   }
0x26: {  	[hbm:s12@s24], [sflag:s18] =	dma.strided [hbm:s7@s24], $0xC80, s23, $0x10   }
0x27: {  	_ =	swait.ge [sflag:s25], $0x6400  }
0x28: {  	[sflag:s25] =	ssyncset.done $0x0  }
0x29: {  	s19 =	simm.s32 $0x0;
	s18 =	simm.s32 $0xE80;
	v0 =	vnsel vm0, $0x0, v0;
	[sflag:s25] =	ssyncadd.s32 $0xFFFF9C00  }
.LBB2_2:
0x2a: {  	v1 =	vld [tilespmem:s18+$0x800]  }
0x2b: {  	v2 =	vld [tilespmem:s18+$0x880]  }
0x2c: {  	v3 =	vld [tilespmem:s18+$0x600]  }
0x2d: {  	v4 =	vld [tilespmem:s18+$0x680]  }
0x2e: {  	v5 =	vld [tilespmem:s18+$0x400]  }
0x2f: {  	v6 =	vld [tilespmem:s18+$0x480]  }
0x30: {  	v7 =	vld [tilespmem:s18+$0x200]  }
0x31: {  	v8 =	vld [tilespmem:s18+$0x280]  }
0x32: {  	v9 =	vld [tilespmem:s18+$0x0]  }
0x33: {  	v10 =	vld [tilespmem:s18+$0x80]  }
0x34: {  	v11 =	vld [tilespmem:s18+$0xFFFFFE00]  }
0x35: {  	v12 =	vld [tilespmem:s18+$0xFFFFFE80]  }
0x36: {  	v13 =	vld [tilespmem:s18+$0xFFFFFC00]  }
0x37: {  	v14 =	vld [tilespmem:s18+$0xFFFFFC80]  }
0x38: {  	v15 =	vld [tilespmem:s18+$0xFFFFFA00]  }
0x39: {  	v16 =	vld [tilespmem:s18+$0xFFFFFA80]  }
0x3a: {  	v17 =	vld [tilespmem:s18+$0xFFFFF800];
	v1 =	vperm.xlane v0, v1  }
0x3b: {  	v18 =	vld [tilespmem:s18+$0xFFFFF880];
	v2 =	vperm.xlane v0, v2;
	v3 =	vperm.xlane v0, v3  }
0x3c: {  	v20 =	vld [tilespmem:s18+$0xFFFFF680];
	v4 =	vperm.xlane v0, v4;
	v5 =	vperm.xlane v0, v5  }
0x3d: {  	v19 =	vld [tilespmem:s18+$0xFFFFF600];
	v6 =	vperm.xlane v0, v6;
	v21 =	vperm.xlane v0, v7  }
0x3e: {  	v22 =	vperm.xlane v0, v8;
	v7 =	vld [tilespmem:s18+$0xFFFFF700];
	v9 =	vperm.xlane v0, v9  }
0x3f: {  	v10 =	vperm.xlane v0, v10;
	v8 =	vld [tilespmem:s18+$0xFFFFF780];
	v11 =	vperm.xlane v0, v11  }
0x40: {  	v23 =	vld [tilespmem:s18+$0xFFFFF900];
	v13 =	vperm.xlane v0, v13;
	v14 =	vperm.xlane v0, v14  }
0x41: {  	v24 =	vld [tilespmem:s18+$0xFFFFF980];
	v15 =	vperm.xlane v0, v15;
	v20 =	vperm.xlane v0, v20  }
0x42: {  	v26 =	vld [tilespmem:s18+$0xFFFFFB80];
	v27 =	vimm.f32 $0.0e+00;
	v16 =	vperm.xlane v0, v16;
	v17 =	vperm.xlane v0, v17  }
0x43: {  	v25 =	vld [tilespmem:s18+$0xFFFFFB00];
	v18 =	vperm.xlane v0, v18;
	v19 =	vperm.xlane v0, v19;
	v20 =	vadd.f32 v20, v27  }
0x44: {  	v28 =	vld [tilespmem:s18+$0xFFFFFD00];
	v7 =	vperm.xlane v0, v7;
	v8 =	vperm.xlane v0, v8  }
0x45: {  	v29 =	vld [tilespmem:s18+$0xFFFFFD80];
	v23 =	vperm.xlane v0, v23;
	v19 =	vadd.f32 v19, v27;
	v18 =	vadd.f32 v18, v20  }
0x46: {  	v60 =	vld [tilespmem:s18+$0xFFFFFF00];
	v24 =	vperm.xlane v0, v24;
	v7 =	vadd.f32 v7, v27;
	v8 =	vadd.f32 v8, v27  }
0x47: {  	v61 =	vperm.xlane v0, v26;
	v17 =	vadd.f32 v17, v19;
	v20 =	vld [tilespmem:s18+$0xFFFFFF80];
	v16 =	vadd.f32 v16, v18  }
0x48: {  	v62 =	vld [tilespmem:s18+$0x100];
	v19 =	vperm.xlane v0, v25;
	v7 =	vadd.f32 v23, v7;
	v8 =	vadd.f32 v24, v8  }
0x49: {  	v15 =	vadd.f32 v15, v17;
	v17 =	vperm.xlane v0, v28;
	v18 =	vld [tilespmem:s18+$0x180];
	v14 =	vadd.f32 v14, v16  }
0x4a: {  	v16 =	vld [tilespmem:s18+$0x380];
	v7 =	vadd.f32 v19, v7;
	v8 =	vadd.f32 v61, v8;
	v19 =	vperm.xlane v0, v29  }
0x4b: {  	v63 =	vld [tilespmem:s18+$0x300];
	v12 =	vperm.xlane v0, v12;
	v13 =	vadd.f32 v13, v15;
	v15 =	vperm.xlane v0, v60  }
0x4c: {  	v17 =	vadd.f32 v17, v7;
	v8 =	vadd.f32 v19, v8;
	v19 =	vperm.xlane v0, v20;
	v20 =	vld [tilespmem:s18+$0x500]  }
0x4d: {  	v11 =	vadd.f32 v11, v13;
	v12 =	vadd.f32 v12, v14;
	v13 =	vperm.xlane v0, v62;
	v7 =	vld [tilespmem:s18+$0x580]  }
0x4e: {  	v14 =	vadd.f32 v15, v17;
	v15 =	vadd.f32 v19, v8;
	v17 =	vperm.xlane v0, v18;
	v8 =	vld [tilespmem:s18+$0x700]  }
0x4f: {  	v11 =	vadd.f32 v9, v11;
	v9 =	vld [tilespmem:s18+$0x780];
	v16 =	vperm.xlane v0, v16;
	v18 =	vadd.f32 v10, v12  }
0x50: {  	v12 =	vperm.xlane v0, v63;
	v10 =	vld [tilespmem:s18+$0x900];
	v14 =	vadd.f32 v13, v14;
	v15 =	vadd.f32 v17, v15  }
0x51: {  	s20 =	sshll.u32 s19, $0x4;
	s22 =	simm.s32 $0x0;
	s30 =	sadd.s32 $0x1400, s18;
	v17 =	vadd.f32 v21, v11;
	v18 =	vadd.f32 v22, v18;
	v11 =	vld [tilespmem:s18+$0x980];
	v13 =	vperm.xlane v0, v20  }
.LBB2_3:
0x52: {  	v19 =	vld [tilespmem:s30+$0x800];
	v12 =	vadd.f32 v12, v14;
	v14 =	vadd.f32 v16, v15;
	v7 =	vperm.xlane v0, v7  }
0x53: {  	v15 =	vld [tilespmem:s30+$0x880];
	v5 =	vadd.f32 v5, v17;
	v6 =	vadd.f32 v6, v18;
	v8 =	vperm.xlane v0, v8  }
0x54: {  	v16 =	vld [tilespmem:s30+$0x600];
	v12 =	vadd.f32 v13, v12;
	v7 =	vadd.f32 v7, v14;
	v9 =	vperm.xlane v0, v9  }
0x55: {  	v13 =	vld [tilespmem:s30+$0x680];
	v3 =	vadd.f32 v3, v5;
	v4 =	vadd.f32 v4, v6;
	v5 =	vperm.xlane v0, v10  }
0x56: {  	v6 =	vld [tilespmem:s30+$0x400];
	v8 =	vadd.f32 v8, v12;
	v7 =	vadd.f32 v9, v7;
	v9 =	vperm.xlane v0, v11  }
0x57: {  	v10 =	vld [tilespmem:s30+$0x480];
	v11 =	vadd.f32 v1, v3;
	v12 =	vadd.f32 v2, v4  }
0x58: {  	v14 =	vld [tilespmem:s30+$0x200];
	v8 =	vadd.f32 v5, v8;
	v7 =	vadd.f32 v9, v7  }
0x59: {  	v9 =	vld [tilespmem:s30+$0x280]  }
0x5a: {  	v17 =	vld [tilespmem:s30+$0x0]  }
0x5b: {  	v18 =	vld [tilespmem:s30+$0x80]  }
0x5c: {  	v20 =	vld [tilespmem:s30+$0xFFFFFE00]  }
0x5d: {  	v21 =	vld [tilespmem:s30+$0xFFFFFE80]  }
0x5e: {  	v22 =	vld [tilespmem:s30+$0xFFFFFC00]  }
0x5f: {  	v23 =	vld [tilespmem:s30+$0xFFFFFC80]  }
0x60: {  	v24 =	vld [tilespmem:s30+$0xFFFFFA00]  }
0x61: {  	v25 =	vld [tilespmem:s30+$0xFFFFFA80]  }
0x62: {  	v1 =	vperm.xlane v0, v19;
	v2 =	vperm.xlane v0, v15;
	v26 =	vld [tilespmem:s30+$0xFFFFF800]  }
0x63: {  	v3 =	vperm.xlane v0, v16;
	v4 =	vperm.xlane v0, v13;
	v15 =	vld [tilespmem:s30+$0xFFFFF880]  }
0x64: {  	v5 =	vperm.xlane v0, v6;
	v6 =	vperm.xlane v0, v10;
	v13 =	vld [tilespmem:s30+$0xFFFFF600]  }
0x65: {  	v19 =	vperm.xlane v0, v14;
	v27 =	vperm.xlane v0, v9;
	v10 =	vld [tilespmem:s30+$0xFFFFF680]  }
0x66: {  	v14 =	vperm.xlane v0, v17;
	v16 =	vperm.xlane v0, v18;
	v9 =	vld [tilespmem:s30+$0xFFFFF700]  }
0x67: {  	s22 =	sadd.s32 $0xA, s22;
	v18 =	vperm.xlane v0, v20;
	v20 =	vperm.xlane v0, v21;
	v17 =	vld [tilespmem:s30+$0xFFFFF780]  }
0x68: {  	p0 =	slt.u32 s22, $0x28;
	v22 =	vperm.xlane v0, v22;
	v23 =	vperm.xlane v0, v23;
	v21 =	vld [tilespmem:s30+$0xFFFFF900]  }
0x69: {  	v24 =	vperm.xlane v0, v24;
	v25 =	vperm.xlane v0, v25;
	v28 =	vld [tilespmem:s30+$0xFFFFF980]  }
0x6a: {  	v26 =	vperm.xlane v0, v26;
	v15 =	vperm.xlane v0, v15;
	v29 =	vld [tilespmem:s30+$0xFFFFFB00]  }
0x6b: {  	v13 =	vperm.xlane v0, v13;
	v10 =	vperm.xlane v0, v10;
	v30 =	vld [tilespmem:s30+$0xFFFFFB80]  }
0x6c: {  	v9 =	vperm.xlane v0, v9;
	v17 =	vperm.xlane v0, v17;
	v31 =	vld [tilespmem:s30+$0xFFFFFD00]  }
0x6d: {  	v11 =	vadd.f32 v13, v11;
	v10 =	vadd.f32 v10, v12;
	v12 =	vperm.xlane v0, v21;
	v13 =	vld [tilespmem:s30+$0xFFFFFD80]  }
0x6e: {  	v8 =	vadd.f32 v9, v8;
	v7 =	vadd.f32 v17, v7;
	v9 =	vperm.xlane v0, v28;
	v17 =	vld [tilespmem:s30+$0xFFFFFF00]  }
0x6f: {  	v11 =	vadd.f32 v26, v11;
	v10 =	vadd.f32 v15, v10;
	v15 =	vperm.xlane v0, v29;
	v21 =	vld [tilespmem:s30+$0xFFFFFF80]  }
0x70: {  	v8 =	vadd.f32 v12, v8;
	v7 =	vadd.f32 v9, v7;
	v9 =	vperm.xlane v0, v30;
	v12 =	vld [tilespmem:s30+$0x100]  }
0x71: {  	v11 =	vadd.f32 v24, v11;
	v10 =	vadd.f32 v25, v10;
	v24 =	vperm.xlane v0, v31;
	v25 =	vld [tilespmem:s30+$0x180]  }
0x72: {  	v8 =	vadd.f32 v15, v8;
	v7 =	vadd.f32 v9, v7;
	v9 =	vperm.xlane v0, v13;
	v13 =	vld [tilespmem:s30+$0x300]  }
0x73: {  	v11 =	vadd.f32 v22, v11;
	v10 =	vadd.f32 v23, v10;
	v15 =	vperm.xlane v0, v17;
	v17 =	vld [tilespmem:s30+$0x380]  }
0x74: {  	v8 =	vadd.f32 v24, v8;
	v9 =	vadd.f32 v9, v7;
	v21 =	vperm.xlane v0, v21;
	v22 =	vld [tilespmem:s30+$0x500]  }
.Ltmp0:
0x75: {  	v11 =	vadd.f32 v18, v11;
	v10 =	vadd.f32 v20, v10;
	v18 =	vperm.xlane v0, v12;
	v7 =	vld [tilespmem:s30+$0x580];
	(pc) =	sbr.rel @p0 .LBB2_3-.Ltmp0, $4  }
0x76: {  	v15 =	vadd.f32 v15, v8;
	v20 =	vadd.f32 v21, v9;
	v21 =	vperm.xlane v0, v25;
	v8 =	vld [tilespmem:s30+$0x700]  }
0x77: {  	v11 =	vadd.f32 v14, v11;
	v23 =	vadd.f32 v16, v10;
	v12 =	vperm.xlane v0, v13;
	v9 =	vld [tilespmem:s30+$0x780]  }
0x78: {  	v14 =	vadd.f32 v18, v15;
	v15 =	vadd.f32 v21, v20;
	v16 =	vperm.xlane v0, v17;
	v10 =	vld [tilespmem:s30+$0x900]  }
0x79: {  	v17 =	vadd.f32 v19, v11;
	v18 =	vadd.f32 v27, v23;
	v13 =	vperm.xlane v0, v22;
	v11 =	vld [tilespmem:s30+$0x980];
	s30 =	sadd.s32 $0x1400, s30  }
0x7a: {  	v12 =	vadd.f32 v12, v14;
	v59 =	vadd.f32 v16, v15;
	v7 =	vperm.xlane v0, v7  }
0x7b: {  	v5 =	vadd.f32 v5, v17;
	v6 =	vadd.f32 v6, v18;
	v8 =	vperm.xlane v0, v8  }
0x7c: {  	v12 =	vadd.f32 v13, v12;
	v7 =	vadd.f32 v7, v59;
	v9 =	vperm.xlane v0, v9  }
0x7d: {  	v3 =	vadd.f32 v3, v5;
	v4 =	vadd.f32 v4, v6;
	v60 =	vperm.xlane v0, v10  }
0x7e: {  	v61 =	vadd.f32 v8, v12;
	v7 =	vadd.f32 v9, v7;
	v62 =	vperm.xlane v0, v11  }
0x7f: {  	v1 =	vadd.f32 v1, v3;
	v2 =	vadd.f32 v2, v4  }
0x80: {  	s19 =	sadd.s32 $0x1, s19;
	v3 =	vadd.f32 v60, v61;
	v63 =	vadd.f32 v62, v7  }
0x81: {  	p0 =	sne.s32 s19, $0x8  }
.Ltmp1:
0x82: {  	v1 =	vadd.f32 v2, v1;
	v2 =	vadd.f32 v63, v3;
	(pc) =	sbr.rel @p0 .LBB2_2-.Ltmp1, $3  }
0x83: {  	_ = 	snop  }
0x84: {  	v1 =	vadd.f32 v2, v1;
	_ =	sdelay $0x1  }
0x85: {  	s18 =	sadd.s32 $0x10, s18;
	[tilespmem:s20+$0x280] =	vst v1  }
0x86: {  	_ =	swait.ge [sflag:s26], $0x6400  }
0x87: {  	[sflag:s26] =	ssyncset.done $0x0  }
0x88: {  	s18 =	simm.s32 $0x0;
	s19 =	simm.s32 $0x7280;
	[sflag:s26] =	ssyncadd.s32 $0xFFFF9C00  }
.LBB2_6:
0x89: {  	v1 =	vld [tilespmem:s19+$0x800]  }
0x8a: {  	v2 =	vld [tilespmem:s19+$0x880]  }
0x8b: {  	v3 =	vld [tilespmem:s19+$0x600]  }
0x8c: {  	v4 =	vld [tilespmem:s19+$0x680]  }
0x8d: {  	v5 =	vld [tilespmem:s19+$0x400]  }
0x8e: {  	v6 =	vld [tilespmem:s19+$0x480]  }
0x8f: {  	v7 =	vld [tilespmem:s19+$0x200]  }
0x90: {  	v8 =	vld [tilespmem:s19+$0x280]  }
0x91: {  	v9 =	vld [tilespmem:s19+$0x0]  }
0x92: {  	v10 =	vld [tilespmem:s19+$0x80]  }
0x93: {  	v11 =	vld [tilespmem:s19+$0xFFFFFE00]  }
0x94: {  	v12 =	vld [tilespmem:s19+$0xFFFFFE80]  }
0x95: {  	v13 =	vld [tilespmem:s19+$0xFFFFFC00]  }
0x96: {  	v14 =	vld [tilespmem:s19+$0xFFFFFC80]  }
0x97: {  	v15 =	vld [tilespmem:s19+$0xFFFFFA00]  }
0x98: {  	v16 =	vld [tilespmem:s19+$0xFFFFFA80]  }
0x99: {  	v17 =	vld [tilespmem:s19+$0xFFFFF800];
	v1 =	vperm.xlane v0, v1  }
0x9a: {  	v18 =	vld [tilespmem:s19+$0xFFFFF880];
	v2 =	vperm.xlane v0, v2;
	v3 =	vperm.xlane v0, v3  }
0x9b: {  	v20 =	vld [tilespmem:s19+$0xFFFFF680];
	v4 =	vperm.xlane v0, v4;
	v5 =	vperm.xlane v0, v5  }
0x9c: {  	v19 =	vld [tilespmem:s19+$0xFFFFF600];
	v6 =	vperm.xlane v0, v6;
	v21 =	vperm.xlane v0, v7  }
0x9d: {  	v22 =	vperm.xlane v0, v8;
	v7 =	vld [tilespmem:s19+$0xFFFFF700];
	v9 =	vperm.xlane v0, v9  }
0x9e: {  	v10 =	vperm.xlane v0, v10;
	v8 =	vld [tilespmem:s19+$0xFFFFF780];
	v11 =	vperm.xlane v0, v11  }
0x9f: {  	v23 =	vld [tilespmem:s19+$0xFFFFF900];
	v13 =	vperm.xlane v0, v13;
	v14 =	vperm.xlane v0, v14  }
0xa0: {  	v24 =	vld [tilespmem:s19+$0xFFFFF980];
	v15 =	vperm.xlane v0, v15;
	v20 =	vperm.xlane v0, v20  }
0xa1: {  	v26 =	vld [tilespmem:s19+$0xFFFFFB80];
	v27 =	vimm.f32 $0.0e+00;
	v16 =	vperm.xlane v0, v16;
	v17 =	vperm.xlane v0, v17  }
0xa2: {  	v25 =	vld [tilespmem:s19+$0xFFFFFB00];
	v18 =	vperm.xlane v0, v18;
	v19 =	vperm.xlane v0, v19;
	v20 =	vadd.f32 v20, v27  }
0xa3: {  	v28 =	vld [tilespmem:s19+$0xFFFFFD00];
	v7 =	vperm.xlane v0, v7;
	v8 =	vperm.xlane v0, v8  }
0xa4: {  	v29 =	vld [tilespmem:s19+$0xFFFFFD80];
	v23 =	vperm.xlane v0, v23;
	v19 =	vadd.f32 v19, v27;
	v18 =	vadd.f32 v18, v20  }
0xa5: {  	v60 =	vld [tilespmem:s19+$0xFFFFFF00];
	v24 =	vperm.xlane v0, v24;
	v7 =	vadd.f32 v7, v27;
	v8 =	vadd.f32 v8, v27  }
0xa6: {  	v61 =	vperm.xlane v0, v26;
	v17 =	vadd.f32 v17, v19;
	v20 =	vld [tilespmem:s19+$0xFFFFFF80];
	v16 =	vadd.f32 v16, v18  }
0xa7: {  	v62 =	vld [tilespmem:s19+$0x100];
	v19 =	vperm.xlane v0, v25;
	v7 =	vadd.f32 v23, v7;
	v8 =	vadd.f32 v24, v8  }
0xa8: {  	v15 =	vadd.f32 v15, v17;
	v17 =	vperm.xlane v0, v28;
	v18 =	vld [tilespmem:s19+$0x180];
	v14 =	vadd.f32 v14, v16  }
0xa9: {  	v16 =	vld [tilespmem:s19+$0x380];
	v7 =	vadd.f32 v19, v7;
	v8 =	vadd.f32 v61, v8;
	v19 =	vperm.xlane v0, v29  }
0xaa: {  	v63 =	vld [tilespmem:s19+$0x300];
	v12 =	vperm.xlane v0, v12;
	v13 =	vadd.f32 v13, v15;
	v15 =	vperm.xlane v0, v60  }
0xab: {  	v17 =	vadd.f32 v17, v7;
	v8 =	vadd.f32 v19, v8;
	v19 =	vperm.xlane v0, v20;
	v20 =	vld [tilespmem:s19+$0x500]  }
0xac: {  	v11 =	vadd.f32 v11, v13;
	v12 =	vadd.f32 v12, v14;
	v13 =	vperm.xlane v0, v62;
	v7 =	vld [tilespmem:s19+$0x580]  }
0xad: {  	v14 =	vadd.f32 v15, v17;
	v15 =	vadd.f32 v19, v8;
	v17 =	vperm.xlane v0, v18;
	v8 =	vld [tilespmem:s19+$0x700]  }
0xae: {  	v11 =	vadd.f32 v9, v11;
	v9 =	vld [tilespmem:s19+$0x780];
	v16 =	vperm.xlane v0, v16;
	v18 =	vadd.f32 v10, v12  }
0xaf: {  	v12 =	vperm.xlane v0, v63;
	v10 =	vld [tilespmem:s19+$0x900];
	v14 =	vadd.f32 v13, v14;
	v15 =	vadd.f32 v17, v15  }
0xb0: {  	s20 =	sshll.u32 s18, $0x4;
	s22 =	simm.s32 $0x0;
	s30 =	sadd.s32 $0x1400, s19;
	v17 =	vadd.f32 v21, v11;
	v18 =	vadd.f32 v22, v18;
	v11 =	vld [tilespmem:s19+$0x980];
	v13 =	vperm.xlane v0, v20  }
.LBB2_7:
0xb1: {  	v19 =	vld [tilespmem:s30+$0x800];
	v12 =	vadd.f32 v12, v14;
	v14 =	vadd.f32 v16, v15;
	v7 =	vperm.xlane v0, v7  }
0xb2: {  	v15 =	vld [tilespmem:s30+$0x880];
	v5 =	vadd.f32 v5, v17;
	v6 =	vadd.f32 v6, v18;
	v8 =	vperm.xlane v0, v8  }
0xb3: {  	v16 =	vld [tilespmem:s30+$0x600];
	v12 =	vadd.f32 v13, v12;
	v7 =	vadd.f32 v7, v14;
	v9 =	vperm.xlane v0, v9  }
0xb4: {  	v13 =	vld [tilespmem:s30+$0x680];
	v3 =	vadd.f32 v3, v5;
	v4 =	vadd.f32 v4, v6;
	v5 =	vperm.xlane v0, v10  }
0xb5: {  	v6 =	vld [tilespmem:s30+$0x400];
	v8 =	vadd.f32 v8, v12;
	v7 =	vadd.f32 v9, v7;
	v9 =	vperm.xlane v0, v11  }
0xb6: {  	v10 =	vld [tilespmem:s30+$0x480];
	v11 =	vadd.f32 v1, v3;
	v12 =	vadd.f32 v2, v4  }
0xb7: {  	v14 =	vld [tilespmem:s30+$0x200];
	v8 =	vadd.f32 v5, v8;
	v7 =	vadd.f32 v9, v7  }
0xb8: {  	v9 =	vld [tilespmem:s30+$0x280]  }
0xb9: {  	v17 =	vld [tilespmem:s30+$0x0]  }
0xba: {  	v18 =	vld [tilespmem:s30+$0x80]  }
0xbb: {  	v20 =	vld [tilespmem:s30+$0xFFFFFE00]  }
0xbc: {  	v21 =	vld [tilespmem:s30+$0xFFFFFE80]  }
0xbd: {  	v22 =	vld [tilespmem:s30+$0xFFFFFC00]  }
0xbe: {  	v23 =	vld [tilespmem:s30+$0xFFFFFC80]  }
0xbf: {  	v24 =	vld [tilespmem:s30+$0xFFFFFA00]  }
0xc0: {  	v25 =	vld [tilespmem:s30+$0xFFFFFA80]  }
0xc1: {  	v1 =	vperm.xlane v0, v19;
	v2 =	vperm.xlane v0, v15;
	v26 =	vld [tilespmem:s30+$0xFFFFF800]  }
0xc2: {  	v3 =	vperm.xlane v0, v16;
	v4 =	vperm.xlane v0, v13;
	v15 =	vld [tilespmem:s30+$0xFFFFF880]  }
0xc3: {  	v5 =	vperm.xlane v0, v6;
	v6 =	vperm.xlane v0, v10;
	v13 =	vld [tilespmem:s30+$0xFFFFF600]  }
0xc4: {  	v19 =	vperm.xlane v0, v14;
	v27 =	vperm.xlane v0, v9;
	v10 =	vld [tilespmem:s30+$0xFFFFF680]  }
0xc5: {  	v14 =	vperm.xlane v0, v17;
	v16 =	vperm.xlane v0, v18;
	v9 =	vld [tilespmem:s30+$0xFFFFF700]  }
0xc6: {  	s22 =	sadd.s32 $0xA, s22;
	v18 =	vperm.xlane v0, v20;
	v20 =	vperm.xlane v0, v21;
	v17 =	vld [tilespmem:s30+$0xFFFFF780]  }
0xc7: {  	p0 =	slt.u32 s22, $0x28;
	v22 =	vperm.xlane v0, v22;
	v23 =	vperm.xlane v0, v23;
	v21 =	vld [tilespmem:s30+$0xFFFFF900]  }
0xc8: {  	v24 =	vperm.xlane v0, v24;
	v25 =	vperm.xlane v0, v25;
	v28 =	vld [tilespmem:s30+$0xFFFFF980]  }
0xc9: {  	v26 =	vperm.xlane v0, v26;
	v15 =	vperm.xlane v0, v15;
	v29 =	vld [tilespmem:s30+$0xFFFFFB00]  }
0xca: {  	v13 =	vperm.xlane v0, v13;
	v10 =	vperm.xlane v0, v10;
	v30 =	vld [tilespmem:s30+$0xFFFFFB80]  }
0xcb: {  	v9 =	vperm.xlane v0, v9;
	v17 =	vperm.xlane v0, v17;
	v31 =	vld [tilespmem:s30+$0xFFFFFD00]  }
0xcc: {  	v11 =	vadd.f32 v13, v11;
	v10 =	vadd.f32 v10, v12;
	v12 =	vperm.xlane v0, v21;
	v13 =	vld [tilespmem:s30+$0xFFFFFD80]  }
0xcd: {  	v8 =	vadd.f32 v9, v8;
	v7 =	vadd.f32 v17, v7;
	v9 =	vperm.xlane v0, v28;
	v17 =	vld [tilespmem:s30+$0xFFFFFF00]  }
0xce: {  	v11 =	vadd.f32 v26, v11;
	v10 =	vadd.f32 v15, v10;
	v15 =	vperm.xlane v0, v29;
	v21 =	vld [tilespmem:s30+$0xFFFFFF80]  }
0xcf: {  	v8 =	vadd.f32 v12, v8;
	v7 =	vadd.f32 v9, v7;
	v9 =	vperm.xlane v0, v30;
	v12 =	vld [tilespmem:s30+$0x100]  }
0xd0: {  	v11 =	vadd.f32 v24, v11;
	v10 =	vadd.f32 v25, v10;
	v24 =	vperm.xlane v0, v31;
	v25 =	vld [tilespmem:s30+$0x180]  }
0xd1: {  	v8 =	vadd.f32 v15, v8;
	v7 =	vadd.f32 v9, v7;
	v9 =	vperm.xlane v0, v13;
	v13 =	vld [tilespmem:s30+$0x300]  }
0xd2: {  	v11 =	vadd.f32 v22, v11;
	v10 =	vadd.f32 v23, v10;
	v15 =	vperm.xlane v0, v17;
	v17 =	vld [tilespmem:s30+$0x380]  }
0xd3: {  	v8 =	vadd.f32 v24, v8;
	v9 =	vadd.f32 v9, v7;
	v21 =	vperm.xlane v0, v21;
	v22 =	vld [tilespmem:s30+$0x500]  }
.Ltmp2:
0xd4: {  	v11 =	vadd.f32 v18, v11;
	v10 =	vadd.f32 v20, v10;
	v18 =	vperm.xlane v0, v12;
	v7 =	vld [tilespmem:s30+$0x580];
	(pc) =	sbr.rel @p0 .LBB2_7-.Ltmp2, $4  }
0xd5: {  	v15 =	vadd.f32 v15, v8;
	v20 =	vadd.f32 v21, v9;
	v21 =	vperm.xlane v0, v25;
	v8 =	vld [tilespmem:s30+$0x700]  }
0xd6: {  	v11 =	vadd.f32 v14, v11;
	v23 =	vadd.f32 v16, v10;
	v12 =	vperm.xlane v0, v13;
	v9 =	vld [tilespmem:s30+$0x780]  }
0xd7: {  	v14 =	vadd.f32 v18, v15;
	v15 =	vadd.f32 v21, v20;
	v16 =	vperm.xlane v0, v17;
	v10 =	vld [tilespmem:s30+$0x900]  }
0xd8: {  	v17 =	vadd.f32 v19, v11;
	v18 =	vadd.f32 v27, v23;
	v13 =	vperm.xlane v0, v22;
	v11 =	vld [tilespmem:s30+$0x980];
	s30 =	sadd.s32 $0x1400, s30  }
0xd9: {  	v12 =	vadd.f32 v12, v14;
	v59 =	vadd.f32 v16, v15;
	v7 =	vperm.xlane v0, v7  }
0xda: {  	v5 =	vadd.f32 v5, v17;
	v6 =	vadd.f32 v6, v18;
	v8 =	vperm.xlane v0, v8  }
0xdb: {  	v12 =	vadd.f32 v13, v12;
	v7 =	vadd.f32 v7, v59;
	v9 =	vperm.xlane v0, v9  }
0xdc: {  	v3 =	vadd.f32 v3, v5;
	v4 =	vadd.f32 v4, v6;
	v60 =	vperm.xlane v0, v10  }
0xdd: {  	v61 =	vadd.f32 v8, v12;
	v7 =	vadd.f32 v9, v7;
	v62 =	vperm.xlane v0, v11  }
0xde: {  	v1 =	vadd.f32 v1, v3;
	v2 =	vadd.f32 v2, v4  }
0xdf: {  	s18 =	sadd.s32 $0x1, s18;
	v3 =	vadd.f32 v60, v61;
	v63 =	vadd.f32 v62, v7  }
0xe0: {  	p0 =	sne.s32 s18, $0x8  }
.Ltmp3:
0xe1: {  	v1 =	vadd.f32 v2, v1;
	v2 =	vadd.f32 v63, v3;
	(pc) =	sbr.rel @p0 .LBB2_6-.Ltmp3, $3  }
0xe2: {  	_ = 	snop  }
0xe3: {  	v1 =	vadd.f32 v2, v1;
	_ =	sdelay $0x1  }
0xe4: {  	s19 =	sadd.s32 $0x10, s19;
	[tilespmem:s20+$0x300] =	vst v1  }
0xe5: {  	_ =	swait.ge [sflag:s28], $0x6400  }
0xe6: {  	[sflag:s28] =	ssyncset.done $0x0  }
0xe7: {  	s18 =	simm.s32 $0x0;
	s19 =	simm.s32 $0xD680;
	[sflag:s28] =	ssyncadd.s32 $0xFFFF9C00  }
.LBB2_10:
0xe8: {  	v1 =	vld [tilespmem:s19+$0x800]  }
0xe9: {  	v2 =	vld [tilespmem:s19+$0x880]  }
0xea: {  	v3 =	vld [tilespmem:s19+$0x600]  }
0xeb: {  	v4 =	vld [tilespmem:s19+$0x680]  }
0xec: {  	v5 =	vld [tilespmem:s19+$0x400]  }
0xed: {  	v6 =	vld [tilespmem:s19+$0x480]  }
0xee: {  	v7 =	vld [tilespmem:s19+$0x200]  }
0xef: {  	v8 =	vld [tilespmem:s19+$0x280]  }
0xf0: {  	v9 =	vld [tilespmem:s19+$0x0]  }
0xf1: {  	v10 =	vld [tilespmem:s19+$0x80]  }
0xf2: {  	v11 =	vld [tilespmem:s19+$0xFFFFFE00]  }
0xf3: {  	v12 =	vld [tilespmem:s19+$0xFFFFFE80]  }
0xf4: {  	v13 =	vld [tilespmem:s19+$0xFFFFFC00]  }
0xf5: {  	v14 =	vld [tilespmem:s19+$0xFFFFFC80]  }
0xf6: {  	v15 =	vld [tilespmem:s19+$0xFFFFFA00]  }
0xf7: {  	v16 =	vld [tilespmem:s19+$0xFFFFFA80]  }
0xf8: {  	v17 =	vld [tilespmem:s19+$0xFFFFF800];
	v1 =	vperm.xlane v0, v1  }
0xf9: {  	v18 =	vld [tilespmem:s19+$0xFFFFF880];
	v2 =	vperm.xlane v0, v2;
	v3 =	vperm.xlane v0, v3  }
0xfa: {  	v20 =	vld [tilespmem:s19+$0xFFFFF680];
	v4 =	vperm.xlane v0, v4;
	v5 =	vperm.xlane v0, v5  }
0xfb: {  	v19 =	vld [tilespmem:s19+$0xFFFFF600];
	v6 =	vperm.xlane v0, v6;
	v21 =	vperm.xlane v0, v7  }
0xfc: {  	v22 =	vperm.xlane v0, v8;
	v7 =	vld [tilespmem:s19+$0xFFFFF700];
	v9 =	vperm.xlane v0, v9  }
0xfd: {  	v10 =	vperm.xlane v0, v10;
	v8 =	vld [tilespmem:s19+$0xFFFFF780];
	v11 =	vperm.xlane v0, v11  }
0xfe: {  	v23 =	vld [tilespmem:s19+$0xFFFFF900];
	v13 =	vperm.xlane v0, v13;
	v14 =	vperm.xlane v0, v14  }
0xff: {  	v24 =	vld [tilespmem:s19+$0xFFFFF980];
	v15 =	vperm.xlane v0, v15;
	v20 =	vperm.xlane v0, v20  }
0x100: {  	v26 =	vld [tilespmem:s19+$0xFFFFFB80];
	v27 =	vimm.f32 $0.0e+00;
	v16 =	vperm.xlane v0, v16;
	v17 =	vperm.xlane v0, v17  }
0x101: {  	v25 =	vld [tilespmem:s19+$0xFFFFFB00];
	v18 =	vperm.xlane v0, v18;
	v19 =	vperm.xlane v0, v19;
	v20 =	vadd.f32 v20, v27  }
0x102: {  	v28 =	vld [tilespmem:s19+$0xFFFFFD00];
	v7 =	vperm.xlane v0, v7;
	v8 =	vperm.xlane v0, v8  }
0x103: {  	v29 =	vld [tilespmem:s19+$0xFFFFFD80];
	v23 =	vperm.xlane v0, v23;
	v19 =	vadd.f32 v19, v27;
	v18 =	vadd.f32 v18, v20  }
0x104: {  	v60 =	vld [tilespmem:s19+$0xFFFFFF00];
	v24 =	vperm.xlane v0, v24;
	v7 =	vadd.f32 v7, v27;
	v8 =	vadd.f32 v8, v27  }
0x105: {  	v61 =	vperm.xlane v0, v26;
	v17 =	vadd.f32 v17, v19;
	v20 =	vld [tilespmem:s19+$0xFFFFFF80];
	v16 =	vadd.f32 v16, v18  }
0x106: {  	v62 =	vld [tilespmem:s19+$0x100];
	v19 =	vperm.xlane v0, v25;
	v7 =	vadd.f32 v23, v7;
	v8 =	vadd.f32 v24, v8  }
0x107: {  	v15 =	vadd.f32 v15, v17;
	v17 =	vperm.xlane v0, v28;
	v18 =	vld [tilespmem:s19+$0x180];
	v14 =	vadd.f32 v14, v16  }
0x108: {  	v16 =	vld [tilespmem:s19+$0x380];
	v7 =	vadd.f32 v19, v7;
	v8 =	vadd.f32 v61, v8;
	v19 =	vperm.xlane v0, v29  }
0x109: {  	v63 =	vld [tilespmem:s19+$0x300];
	v12 =	vperm.xlane v0, v12;
	v13 =	vadd.f32 v13, v15;
	v15 =	vperm.xlane v0, v60  }
0x10a: {  	v17 =	vadd.f32 v17, v7;
	v8 =	vadd.f32 v19, v8;
	v19 =	vperm.xlane v0, v20;
	v20 =	vld [tilespmem:s19+$0x500]  }
0x10b: {  	v11 =	vadd.f32 v11, v13;
	v12 =	vadd.f32 v12, v14;
	v13 =	vperm.xlane v0, v62;
	v7 =	vld [tilespmem:s19+$0x580]  }
0x10c: {  	v14 =	vadd.f32 v15, v17;
	v15 =	vadd.f32 v19, v8;
	v17 =	vperm.xlane v0, v18;
	v8 =	vld [tilespmem:s19+$0x700]  }
0x10d: {  	v11 =	vadd.f32 v9, v11;
	v9 =	vld [tilespmem:s19+$0x780];
	v16 =	vperm.xlane v0, v16;
	v18 =	vadd.f32 v10, v12  }
0x10e: {  	v12 =	vperm.xlane v0, v63;
	v10 =	vld [tilespmem:s19+$0x900];
	v14 =	vadd.f32 v13, v14;
	v15 =	vadd.f32 v17, v15  }
0x10f: {  	s20 =	sshll.u32 s18, $0x4;
	s22 =	simm.s32 $0x0;
	s30 =	sadd.s32 $0x1400, s19;
	v17 =	vadd.f32 v21, v11;
	v18 =	vadd.f32 v22, v18;
	v11 =	vld [tilespmem:s19+$0x980];
	v13 =	vperm.xlane v0, v20  }
.LBB2_11:
0x110: {  	v19 =	vld [tilespmem:s30+$0x800];
	v12 =	vadd.f32 v12, v14;
	v14 =	vadd.f32 v16, v15;
	v7 =	vperm.xlane v0, v7  }
0x111: {  	v15 =	vld [tilespmem:s30+$0x880];
	v5 =	vadd.f32 v5, v17;
	v6 =	vadd.f32 v6, v18;
	v8 =	vperm.xlane v0, v8  }
0x112: {  	v16 =	vld [tilespmem:s30+$0x600];
	v12 =	vadd.f32 v13, v12;
	v7 =	vadd.f32 v7, v14;
	v9 =	vperm.xlane v0, v9  }
0x113: {  	v13 =	vld [tilespmem:s30+$0x680];
	v3 =	vadd.f32 v3, v5;
	v4 =	vadd.f32 v4, v6;
	v5 =	vperm.xlane v0, v10  }
0x114: {  	v6 =	vld [tilespmem:s30+$0x400];
	v8 =	vadd.f32 v8, v12;
	v7 =	vadd.f32 v9, v7;
	v9 =	vperm.xlane v0, v11  }
0x115: {  	v10 =	vld [tilespmem:s30+$0x480];
	v11 =	vadd.f32 v1, v3;
	v12 =	vadd.f32 v2, v4  }
0x116: {  	v14 =	vld [tilespmem:s30+$0x200];
	v8 =	vadd.f32 v5, v8;
	v7 =	vadd.f32 v9, v7  }
0x117: {  	v9 =	vld [tilespmem:s30+$0x280]  }
0x118: {  	v17 =	vld [tilespmem:s30+$0x0]  }
0x119: {  	v18 =	vld [tilespmem:s30+$0x80]  }
0x11a: {  	v20 =	vld [tilespmem:s30+$0xFFFFFE00]  }
0x11b: {  	v21 =	vld [tilespmem:s30+$0xFFFFFE80]  }
0x11c: {  	v22 =	vld [tilespmem:s30+$0xFFFFFC00]  }
0x11d: {  	v23 =	vld [tilespmem:s30+$0xFFFFFC80]  }
0x11e: {  	v24 =	vld [tilespmem:s30+$0xFFFFFA00]  }
0x11f: {  	v25 =	vld [tilespmem:s30+$0xFFFFFA80]  }
0x120: {  	v1 =	vperm.xlane v0, v19;
	v2 =	vperm.xlane v0, v15;
	v26 =	vld [tilespmem:s30+$0xFFFFF800]  }
0x121: {  	v3 =	vperm.xlane v0, v16;
	v4 =	vperm.xlane v0, v13;
	v15 =	vld [tilespmem:s30+$0xFFFFF880]  }
0x122: {  	v5 =	vperm.xlane v0, v6;
	v6 =	vperm.xlane v0, v10;
	v13 =	vld [tilespmem:s30+$0xFFFFF600]  }
0x123: {  	v19 =	vperm.xlane v0, v14;
	v27 =	vperm.xlane v0, v9;
	v10 =	vld [tilespmem:s30+$0xFFFFF680]  }
0x124: {  	v14 =	vperm.xlane v0, v17;
	v16 =	vperm.xlane v0, v18;
	v9 =	vld [tilespmem:s30+$0xFFFFF700]  }
0x125: {  	s22 =	sadd.s32 $0xA, s22;
	v18 =	vperm.xlane v0, v20;
	v20 =	vperm.xlane v0, v21;
	v17 =	vld [tilespmem:s30+$0xFFFFF780]  }
0x126: {  	p0 =	slt.u32 s22, $0x28;
	v22 =	vperm.xlane v0, v22;
	v23 =	vperm.xlane v0, v23;
	v21 =	vld [tilespmem:s30+$0xFFFFF900]  }
0x127: {  	v24 =	vperm.xlane v0, v24;
	v25 =	vperm.xlane v0, v25;
	v28 =	vld [tilespmem:s30+$0xFFFFF980]  }
0x128: {  	v26 =	vperm.xlane v0, v26;
	v15 =	vperm.xlane v0, v15;
	v29 =	vld [tilespmem:s30+$0xFFFFFB00]  }
0x129: {  	v13 =	vperm.xlane v0, v13;
	v10 =	vperm.xlane v0, v10;
	v30 =	vld [tilespmem:s30+$0xFFFFFB80]  }
0x12a: {  	v9 =	vperm.xlane v0, v9;
	v17 =	vperm.xlane v0, v17;
	v31 =	vld [tilespmem:s30+$0xFFFFFD00]  }
0x12b: {  	v11 =	vadd.f32 v13, v11;
	v10 =	vadd.f32 v10, v12;
	v12 =	vperm.xlane v0, v21;
	v13 =	vld [tilespmem:s30+$0xFFFFFD80]  }
0x12c: {  	v8 =	vadd.f32 v9, v8;
	v7 =	vadd.f32 v17, v7;
	v9 =	vperm.xlane v0, v28;
	v17 =	vld [tilespmem:s30+$0xFFFFFF00]  }
0x12d: {  	v11 =	vadd.f32 v26, v11;
	v10 =	vadd.f32 v15, v10;
	v15 =	vperm.xlane v0, v29;
	v21 =	vld [tilespmem:s30+$0xFFFFFF80]  }
0x12e: {  	v8 =	vadd.f32 v12, v8;
	v7 =	vadd.f32 v9, v7;
	v9 =	vperm.xlane v0, v30;
	v12 =	vld [tilespmem:s30+$0x100]  }
0x12f: {  	v11 =	vadd.f32 v24, v11;
	v10 =	vadd.f32 v25, v10;
	v24 =	vperm.xlane v0, v31;
	v25 =	vld [tilespmem:s30+$0x180]  }
0x130: {  	v8 =	vadd.f32 v15, v8;
	v7 =	vadd.f32 v9, v7;
	v9 =	vperm.xlane v0, v13;
	v13 =	vld [tilespmem:s30+$0x300]  }
0x131: {  	v11 =	vadd.f32 v22, v11;
	v10 =	vadd.f32 v23, v10;
	v15 =	vperm.xlane v0, v17;
	v17 =	vld [tilespmem:s30+$0x380]  }
0x132: {  	v8 =	vadd.f32 v24, v8;
	v9 =	vadd.f32 v9, v7;
	v21 =	vperm.xlane v0, v21;
	v22 =	vld [tilespmem:s30+$0x500]  }
.Ltmp4:
0x133: {  	v11 =	vadd.f32 v18, v11;
	v10 =	vadd.f32 v20, v10;
	v18 =	vperm.xlane v0, v12;
	v7 =	vld [tilespmem:s30+$0x580];
	(pc) =	sbr.rel @p0 .LBB2_11-.Ltmp4, $4  }
0x134: {  	v15 =	vadd.f32 v15, v8;
	v20 =	vadd.f32 v21, v9;
	v21 =	vperm.xlane v0, v25;
	v8 =	vld [tilespmem:s30+$0x700]  }
0x135: {  	v11 =	vadd.f32 v14, v11;
	v23 =	vadd.f32 v16, v10;
	v12 =	vperm.xlane v0, v13;
	v9 =	vld [tilespmem:s30+$0x780]  }
0x136: {  	v14 =	vadd.f32 v18, v15;
	v15 =	vadd.f32 v21, v20;
	v16 =	vperm.xlane v0, v17;
	v10 =	vld [tilespmem:s30+$0x900]  }
0x137: {  	v17 =	vadd.f32 v19, v11;
	v18 =	vadd.f32 v27, v23;
	v13 =	vperm.xlane v0, v22;
	v11 =	vld [tilespmem:s30+$0x980];
	s30 =	sadd.s32 $0x1400, s30  }
0x138: {  	v12 =	vadd.f32 v12, v14;
	v59 =	vadd.f32 v16, v15;
	v7 =	vperm.xlane v0, v7  }
0x139: {  	v5 =	vadd.f32 v5, v17;
	v6 =	vadd.f32 v6, v18;
	v8 =	vperm.xlane v0, v8  }
0x13a: {  	v12 =	vadd.f32 v13, v12;
	v7 =	vadd.f32 v7, v59;
	v9 =	vperm.xlane v0, v9  }
0x13b: {  	v3 =	vadd.f32 v3, v5;
	v4 =	vadd.f32 v4, v6;
	v60 =	vperm.xlane v0, v10  }
0x13c: {  	v61 =	vadd.f32 v8, v12;
	v7 =	vadd.f32 v9, v7;
	v62 =	vperm.xlane v0, v11  }
0x13d: {  	v1 =	vadd.f32 v1, v3;
	v2 =	vadd.f32 v2, v4  }
0x13e: {  	s18 =	sadd.s32 $0x1, s18;
	v3 =	vadd.f32 v60, v61;
	v63 =	vadd.f32 v62, v7  }
0x13f: {  	p0 =	sne.s32 s18, $0x8  }
.Ltmp5:
0x140: {  	v1 =	vadd.f32 v2, v1;
	v2 =	vadd.f32 v63, v3;
	(pc) =	sbr.rel @p0 .LBB2_10-.Ltmp5, $3  }
0x141: {  	_ = 	snop  }
0x142: {  	v1 =	vadd.f32 v2, v1;
	_ =	sdelay $0x1  }
0x143: {  	s19 =	sadd.s32 $0x10, s19;
	[tilespmem:s20+$0x380] =	vst v1  }
0x144: {  	_ =	swait.ge [sflag:s29], $0x6400  }
0x145: {  	[sflag:s29] =	ssyncset.done $0x0  }
0x146: {  	s18 =	simm.s32 $0x0;
	s19 =	simm.s32 $0x13A80;
	[sflag:s29] =	ssyncadd.s32 $0xFFFF9C00  }
.LBB2_14:
0x147: {  	v1 =	vld [tilespmem:s19+$0x800]  }
0x148: {  	v2 =	vld [tilespmem:s19+$0x880]  }
0x149: {  	v3 =	vld [tilespmem:s19+$0x600]  }
0x14a: {  	v4 =	vld [tilespmem:s19+$0x680]  }
0x14b: {  	v5 =	vld [tilespmem:s19+$0x400]  }
0x14c: {  	v6 =	vld [tilespmem:s19+$0x480]  }
0x14d: {  	v7 =	vld [tilespmem:s19+$0x200]  }
0x14e: {  	v8 =	vld [tilespmem:s19+$0x280]  }
0x14f: {  	v9 =	vld [tilespmem:s19+$0x0]  }
0x150: {  	v10 =	vld [tilespmem:s19+$0x80]  }
0x151: {  	v11 =	vld [tilespmem:s19+$0xFFFFFE00]  }
0x152: {  	v12 =	vld [tilespmem:s19+$0xFFFFFE80]  }
0x153: {  	v13 =	vld [tilespmem:s19+$0xFFFFFC00]  }
0x154: {  	v14 =	vld [tilespmem:s19+$0xFFFFFC80]  }
0x155: {  	v15 =	vld [tilespmem:s19+$0xFFFFFA00]  }
0x156: {  	v16 =	vld [tilespmem:s19+$0xFFFFFA80]  }
0x157: {  	v17 =	vld [tilespmem:s19+$0xFFFFF800];
	v1 =	vperm.xlane v0, v1  }
0x158: {  	v18 =	vld [tilespmem:s19+$0xFFFFF880];
	v2 =	vperm.xlane v0, v2;
	v3 =	vperm.xlane v0, v3  }
0x159: {  	v20 =	vld [tilespmem:s19+$0xFFFFF680];
	v4 =	vperm.xlane v0, v4;
	v5 =	vperm.xlane v0, v5  }
0x15a: {  	v19 =	vld [tilespmem:s19+$0xFFFFF600];
	v6 =	vperm.xlane v0, v6;
	v21 =	vperm.xlane v0, v7  }
0x15b: {  	v22 =	vperm.xlane v0, v8;
	v7 =	vld [tilespmem:s19+$0xFFFFF700];
	v9 =	vperm.xlane v0, v9  }
0x15c: {  	v10 =	vperm.xlane v0, v10;
	v8 =	vld [tilespmem:s19+$0xFFFFF780];
	v11 =	vperm.xlane v0, v11  }
0x15d: {  	v23 =	vld [tilespmem:s19+$0xFFFFF900];
	v13 =	vperm.xlane v0, v13;
	v14 =	vperm.xlane v0, v14  }
0x15e: {  	v24 =	vld [tilespmem:s19+$0xFFFFF980];
	v15 =	vperm.xlane v0, v15;
	v20 =	vperm.xlane v0, v20  }
0x15f: {  	v26 =	vld [tilespmem:s19+$0xFFFFFB80];
	v27 =	vimm.f32 $0.0e+00;
	v16 =	vperm.xlane v0, v16;
	v17 =	vperm.xlane v0, v17  }
0x160: {  	v25 =	vld [tilespmem:s19+$0xFFFFFB00];
	v18 =	vperm.xlane v0, v18;
	v19 =	vperm.xlane v0, v19;
	v20 =	vadd.f32 v20, v27  }
0x161: {  	v28 =	vld [tilespmem:s19+$0xFFFFFD00];
	v7 =	vperm.xlane v0, v7;
	v8 =	vperm.xlane v0, v8  }
0x162: {  	v29 =	vld [tilespmem:s19+$0xFFFFFD80];
	v23 =	vperm.xlane v0, v23;
	v19 =	vadd.f32 v19, v27;
	v18 =	vadd.f32 v18, v20  }
0x163: {  	v60 =	vld [tilespmem:s19+$0xFFFFFF00];
	v24 =	vperm.xlane v0, v24;
	v7 =	vadd.f32 v7, v27;
	v8 =	vadd.f32 v8, v27  }
0x164: {  	v61 =	vperm.xlane v0, v26;
	v17 =	vadd.f32 v17, v19;
	v20 =	vld [tilespmem:s19+$0xFFFFFF80];
	v16 =	vadd.f32 v16, v18  }
0x165: {  	v62 =	vld [tilespmem:s19+$0x100];
	v19 =	vperm.xlane v0, v25;
	v7 =	vadd.f32 v23, v7;
	v8 =	vadd.f32 v24, v8  }
0x166: {  	v15 =	vadd.f32 v15, v17;
	v17 =	vperm.xlane v0, v28;
	v18 =	vld [tilespmem:s19+$0x180];
	v14 =	vadd.f32 v14, v16  }
0x167: {  	v16 =	vld [tilespmem:s19+$0x380];
	v7 =	vadd.f32 v19, v7;
	v8 =	vadd.f32 v61, v8;
	v19 =	vperm.xlane v0, v29  }
0x168: {  	v63 =	vld [tilespmem:s19+$0x300];
	v12 =	vperm.xlane v0, v12;
	v13 =	vadd.f32 v13, v15;
	v15 =	vperm.xlane v0, v60  }
0x169: {  	v17 =	vadd.f32 v17, v7;
	v8 =	vadd.f32 v19, v8;
	v19 =	vperm.xlane v0, v20;
	v20 =	vld [tilespmem:s19+$0x500]  }
0x16a: {  	v11 =	vadd.f32 v11, v13;
	v12 =	vadd.f32 v12, v14;
	v13 =	vperm.xlane v0, v62;
	v7 =	vld [tilespmem:s19+$0x580]  }
0x16b: {  	v14 =	vadd.f32 v15, v17;
	v15 =	vadd.f32 v19, v8;
	v17 =	vperm.xlane v0, v18;
	v8 =	vld [tilespmem:s19+$0x700]  }
0x16c: {  	v11 =	vadd.f32 v9, v11;
	v9 =	vld [tilespmem:s19+$0x780];
	v16 =	vperm.xlane v0, v16;
	v18 =	vadd.f32 v10, v12  }
0x16d: {  	v12 =	vperm.xlane v0, v63;
	v10 =	vld [tilespmem:s19+$0x900];
	v14 =	vadd.f32 v13, v14;
	v15 =	vadd.f32 v17, v15  }
0x16e: {  	s20 =	sshll.u32 s18, $0x4;
	s22 =	simm.s32 $0x0;
	s30 =	sadd.s32 $0x1400, s19;
	v17 =	vadd.f32 v21, v11;
	v18 =	vadd.f32 v22, v18;
	v11 =	vld [tilespmem:s19+$0x980];
	v13 =	vperm.xlane v0, v20  }
.LBB2_15:
0x16f: {  	v19 =	vld [tilespmem:s30+$0x800];
	v12 =	vadd.f32 v12, v14;
	v14 =	vadd.f32 v16, v15;
	v7 =	vperm.xlane v0, v7  }
0x170: {  	v15 =	vld [tilespmem:s30+$0x880];
	v5 =	vadd.f32 v5, v17;
	v6 =	vadd.f32 v6, v18;
	v8 =	vperm.xlane v0, v8  }
0x171: {  	v16 =	vld [tilespmem:s30+$0x600];
	v12 =	vadd.f32 v13, v12;
	v7 =	vadd.f32 v7, v14;
	v9 =	vperm.xlane v0, v9  }
0x172: {  	v13 =	vld [tilespmem:s30+$0x680];
	v3 =	vadd.f32 v3, v5;
	v4 =	vadd.f32 v4, v6;
	v5 =	vperm.xlane v0, v10  }
0x173: {  	v6 =	vld [tilespmem:s30+$0x400];
	v8 =	vadd.f32 v8, v12;
	v7 =	vadd.f32 v9, v7;
	v9 =	vperm.xlane v0, v11  }
0x174: {  	v10 =	vld [tilespmem:s30+$0x480];
	v11 =	vadd.f32 v1, v3;
	v12 =	vadd.f32 v2, v4  }
0x175: {  	v14 =	vld [tilespmem:s30+$0x200];
	v8 =	vadd.f32 v5, v8;
	v7 =	vadd.f32 v9, v7  }
0x176: {  	v9 =	vld [tilespmem:s30+$0x280]  }
0x177: {  	v17 =	vld [tilespmem:s30+$0x0]  }
0x178: {  	v18 =	vld [tilespmem:s30+$0x80]  }
0x179: {  	v20 =	vld [tilespmem:s30+$0xFFFFFE00]  }
0x17a: {  	v21 =	vld [tilespmem:s30+$0xFFFFFE80]  }
0x17b: {  	v22 =	vld [tilespmem:s30+$0xFFFFFC00]  }
0x17c: {  	v23 =	vld [tilespmem:s30+$0xFFFFFC80]  }
0x17d: {  	v24 =	vld [tilespmem:s30+$0xFFFFFA00]  }
0x17e: {  	v25 =	vld [tilespmem:s30+$0xFFFFFA80]  }
0x17f: {  	v1 =	vperm.xlane v0, v19;
	v2 =	vperm.xlane v0, v15;
	v26 =	vld [tilespmem:s30+$0xFFFFF800]  }
0x180: {  	v3 =	vperm.xlane v0, v16;
	v4 =	vperm.xlane v0, v13;
	v15 =	vld [tilespmem:s30+$0xFFFFF880]  }
0x181: {  	v5 =	vperm.xlane v0, v6;
	v6 =	vperm.xlane v0, v10;
	v13 =	vld [tilespmem:s30+$0xFFFFF600]  }
0x182: {  	v19 =	vperm.xlane v0, v14;
	v27 =	vperm.xlane v0, v9;
	v10 =	vld [tilespmem:s30+$0xFFFFF680]  }
0x183: {  	v14 =	vperm.xlane v0, v17;
	v16 =	vperm.xlane v0, v18;
	v9 =	vld [tilespmem:s30+$0xFFFFF700]  }
0x184: {  	s22 =	sadd.s32 $0xA, s22;
	v18 =	vperm.xlane v0, v20;
	v20 =	vperm.xlane v0, v21;
	v17 =	vld [tilespmem:s30+$0xFFFFF780]  }
0x185: {  	p0 =	slt.u32 s22, $0x28;
	v22 =	vperm.xlane v0, v22;
	v23 =	vperm.xlane v0, v23;
	v21 =	vld [tilespmem:s30+$0xFFFFF900]  }
0x186: {  	v24 =	vperm.xlane v0, v24;
	v25 =	vperm.xlane v0, v25;
	v28 =	vld [tilespmem:s30+$0xFFFFF980]  }
0x187: {  	v26 =	vperm.xlane v0, v26;
	v15 =	vperm.xlane v0, v15;
	v29 =	vld [tilespmem:s30+$0xFFFFFB00]  }
0x188: {  	v13 =	vperm.xlane v0, v13;
	v10 =	vperm.xlane v0, v10;
	v30 =	vld [tilespmem:s30+$0xFFFFFB80]  }
0x189: {  	v9 =	vperm.xlane v0, v9;
	v17 =	vperm.xlane v0, v17;
	v31 =	vld [tilespmem:s30+$0xFFFFFD00]  }
0x18a: {  	v11 =	vadd.f32 v13, v11;
	v10 =	vadd.f32 v10, v12;
	v12 =	vperm.xlane v0, v21;
	v13 =	vld [tilespmem:s30+$0xFFFFFD80]  }
0x18b: {  	v8 =	vadd.f32 v9, v8;
	v7 =	vadd.f32 v17, v7;
	v9 =	vperm.xlane v0, v28;
	v17 =	vld [tilespmem:s30+$0xFFFFFF00]  }
0x18c: {  	v11 =	vadd.f32 v26, v11;
	v10 =	vadd.f32 v15, v10;
	v15 =	vperm.xlane v0, v29;
	v21 =	vld [tilespmem:s30+$0xFFFFFF80]  }
0x18d: {  	v8 =	vadd.f32 v12, v8;
	v7 =	vadd.f32 v9, v7;
	v9 =	vperm.xlane v0, v30;
	v12 =	vld [tilespmem:s30+$0x100]  }
0x18e: {  	v11 =	vadd.f32 v24, v11;
	v10 =	vadd.f32 v25, v10;
	v24 =	vperm.xlane v0, v31;
	v25 =	vld [tilespmem:s30+$0x180]  }
0x18f: {  	v8 =	vadd.f32 v15, v8;
	v7 =	vadd.f32 v9, v7;
	v9 =	vperm.xlane v0, v13;
	v13 =	vld [tilespmem:s30+$0x300]  }
0x190: {  	v11 =	vadd.f32 v22, v11;
	v10 =	vadd.f32 v23, v10;
	v15 =	vperm.xlane v0, v17;
	v17 =	vld [tilespmem:s30+$0x380]  }
0x191: {  	v8 =	vadd.f32 v24, v8;
	v9 =	vadd.f32 v9, v7;
	v21 =	vperm.xlane v0, v21;
	v22 =	vld [tilespmem:s30+$0x500]  }
.Ltmp6:
0x192: {  	v11 =	vadd.f32 v18, v11;
	v10 =	vadd.f32 v20, v10;
	v18 =	vperm.xlane v0, v12;
	v7 =	vld [tilespmem:s30+$0x580];
	(pc) =	sbr.rel @p0 .LBB2_15-.Ltmp6, $4  }
0x193: {  	v15 =	vadd.f32 v15, v8;
	v20 =	vadd.f32 v21, v9;
	v21 =	vperm.xlane v0, v25;
	v8 =	vld [tilespmem:s30+$0x700]  }
0x194: {  	v11 =	vadd.f32 v14, v11;
	v23 =	vadd.f32 v16, v10;
	v12 =	vperm.xlane v0, v13;
	v9 =	vld [tilespmem:s30+$0x780]  }
0x195: {  	v14 =	vadd.f32 v18, v15;
	v15 =	vadd.f32 v21, v20;
	v16 =	vperm.xlane v0, v17;
	v10 =	vld [tilespmem:s30+$0x900]  }
0x196: {  	v17 =	vadd.f32 v19, v11;
	v18 =	vadd.f32 v27, v23;
	v13 =	vperm.xlane v0, v22;
	v11 =	vld [tilespmem:s30+$0x980];
	s30 =	sadd.s32 $0x1400, s30  }
0x197: {  	v12 =	vadd.f32 v12, v14;
	v59 =	vadd.f32 v16, v15;
	v7 =	vperm.xlane v0, v7  }
0x198: {  	v5 =	vadd.f32 v5, v17;
	v6 =	vadd.f32 v6, v18;
	v8 =	vperm.xlane v0, v8  }
0x199: {  	v12 =	vadd.f32 v13, v12;
	v7 =	vadd.f32 v7, v59;
	v9 =	vperm.xlane v0, v9  }
0x19a: {  	v3 =	vadd.f32 v3, v5;
	v4 =	vadd.f32 v4, v6;
	v60 =	vperm.xlane v0, v10  }
0x19b: {  	v61 =	vadd.f32 v8, v12;
	v7 =	vadd.f32 v9, v7;
	v62 =	vperm.xlane v0, v11  }
0x19c: {  	v1 =	vadd.f32 v1, v3;
	v2 =	vadd.f32 v2, v4  }
0x19d: {  	s18 =	sadd.s32 $0x1, s18;
	v3 =	vadd.f32 v60, v61;
	v63 =	vadd.f32 v62, v7  }
0x19e: {  	p0 =	sne.s32 s18, $0x8  }
.Ltmp7:
0x19f: {  	v1 =	vadd.f32 v2, v1;
	v2 =	vadd.f32 v63, v3;
	(pc) =	sbr.rel @p0 .LBB2_14-.Ltmp7, $3  }
0x1a0: {  	_ = 	snop  }
0x1a1: {  	v1 =	vadd.f32 v2, v1;
	_ =	sdelay $0x1  }
0x1a2: {  	s19 =	sadd.s32 $0x10, s19;
	[tilespmem:s20+$0x400] =	vst v1  }
0x1a3: {  	v0 =	vld [tilespmem:$0x280]  }
0x1a4: {  	v1 =	vld [tilespmem:$0x80]  }
0x1a5: {  	v2 =	vld [tilespmem:$0x290]  }
0x1a6: {  	v3 =	vld [tilespmem:$0x90]  }
0x1a7: {  	v4 =	vld [tilespmem:$0x2A0]  }
0x1a8: {  	v5 =	vld [tilespmem:$0xA0]  }
0x1a9: {  	v6 =	vld [tilespmem:$0x2B0]  }
0x1aa: {  	v7 =	vld [tilespmem:$0xB0]  }
0x1ab: {  	v8 =	vld [tilespmem:$0x2C0]  }
0x1ac: {  	v9 =	vld [tilespmem:$0xC0]  }
0x1ad: {  	v10 =	vld [tilespmem:$0x2D0]  }
0x1ae: {  	v11 =	vld [tilespmem:$0xD0]  }
0x1af: {  	v12 =	vld [tilespmem:$0x2E0]  }
0x1b0: {  	v13 =	vld [tilespmem:$0xE0]  }
0x1b1: {  	v14 =	vld [tilespmem:$0x2F0]  }
0x1b2: {  	v15 =	vld [tilespmem:$0xF0]  }
0x1b3: {  	v16 =	vld [tilespmem:$0x300]  }
0x1b4: {  	v17 =	vld [tilespmem:$0x100]  }
0x1b5: {  	v18 =	vld [tilespmem:$0x310]  }
0x1b6: {  	v19 =	vld [tilespmem:$0x110]  }
0x1b7: {  	v20 =	vld [tilespmem:$0x320]  }
0x1b8: {  	v21 =	vld [tilespmem:$0x120]  }
0x1b9: {  	v22 =	vld [tilespmem:$0x330]  }
0x1ba: {  	v23 =	vld [tilespmem:$0x130]  }
0x1bb: {  	v24 =	vld [tilespmem:$0x340]  }
0x1bc: {  	v25 =	vld [tilespmem:$0x140]  }
0x1bd: {  	v26 =	vld [tilespmem:$0x350]  }
0x1be: {  	v27 =	vld [tilespmem:$0x150]  }
0x1bf: {  	v28 =	vld [tilespmem:$0x360]  }
0x1c0: {  	v29 =	vld [tilespmem:$0x160]  }
0x1c1: {  	v30 =	vld [tilespmem:$0x370]  }
0x1c2: {  	v31 =	vld [tilespmem:$0x170]  }
0x1c3: {  	v32 =	vld [tilespmem:$0x380]  }
0x1c4: {  	v33 =	vld [tilespmem:$0x180]  }
0x1c5: {  	v34 =	vld [tilespmem:$0x390]  }
0x1c6: {  	v35 =	vld [tilespmem:$0x190]  }
0x1c7: {  	v36 =	vld [tilespmem:$0x3A0]  }
0x1c8: {  	v46 =	vld [tilespmem:$0x1A0];
	v0 =	vadd.f32 v1, v0  }
0x1c9: {  	v47 =	vld [tilespmem:$0x3B0];
	v2 =	vadd.f32 v3, v2  }
0x1ca: {  	v49 =	vld [tilespmem:$0x1B0];
	v48 =	vadd.f32 v5, v4;
	[tilespmem:$0x280] =	vst v0  }
0x1cb: {  	v51 =	vld [tilespmem:$0x3C0];
	v50 =	vadd.f32 v7, v6;
	[tilespmem:$0x290] =	vst v2  }
0x1cc: {  	v53 =	vld [tilespmem:$0x1C0];
	v52 =	vadd.f32 v9, v8;
	[tilespmem:$0x2A0] =	vst v48  }
0x1cd: {  	v55 =	vld [tilespmem:$0x3D0];
	v54 =	vadd.f32 v11, v10;
	[tilespmem:$0x2B0] =	vst v50  }
0x1ce: {  	v57 =	vld [tilespmem:$0x1D0];
	v56 =	vadd.f32 v13, v12;
	[tilespmem:$0x2C0] =	vst v52  }
0x1cf: {  	v59 =	vld [tilespmem:$0x3E0];
	v58 =	vadd.f32 v15, v14;
	[tilespmem:$0x2D0] =	vst v54  }
0x1d0: {  	v61 =	vld [tilespmem:$0x1E0];
	v60 =	vadd.f32 v17, v16;
	[tilespmem:$0x2E0] =	vst v56  }
0x1d1: {  	v63 =	vld [tilespmem:$0x3F0];
	v62 =	vadd.f32 v19, v18;
	[tilespmem:$0x2F0] =	vst v58  }
0x1d2: {  	v37 =	vld [tilespmem:$0x420];
	v20 =	vadd.f32 v21, v20;
	[tilespmem:$0x300] =	vst v60  }
0x1d3: {  	v39 =	vld [tilespmem:$0x220];
	v22 =	vadd.f32 v23, v22;
	[tilespmem:$0x310] =	vst v62  }
0x1d4: {  	v41 =	vld [tilespmem:$0x430];
	v24 =	vadd.f32 v25, v24;
	[tilespmem:$0x320] =	vst v20  }
0x1d5: {  	v43 =	vld [tilespmem:$0x230];
	v26 =	vadd.f32 v27, v26;
	[tilespmem:$0x330] =	vst v22  }
0x1d6: {  	v45 =	vld [tilespmem:$0x440];
	v28 =	vadd.f32 v29, v28;
	[tilespmem:$0x340] =	vst v24  }
0x1d7: {  	v21 =	vld [tilespmem:$0x1F0];
	v31 =	vadd.f32 v31, v30;
	[tilespmem:$0x350] =	vst v26  }
0x1d8: {  	v23 =	vld [tilespmem:$0x400];
	v38 =	vadd.f32 v33, v32;
	[tilespmem:$0x360] =	vst v28  }
0x1d9: {  	v25 =	vld [tilespmem:$0x200];
	v40 =	vadd.f32 v35, v34;
	[tilespmem:$0x370] =	vst v31  }
0x1da: {  	v27 =	vld [tilespmem:$0x410];
	v42 =	vadd.f32 v46, v36;
	[tilespmem:$0x380] =	vst v38  }
0x1db: {  	v29 =	vld [tilespmem:$0x210];
	v44 =	vadd.f32 v49, v47;
	[tilespmem:$0x390] =	vst v40  }
0x1dc: {  	v46 =	vadd.f32 v53, v51;
	v47 =	vld [tilespmem:$0x240];
	[tilespmem:$0x3A0] =	vst v42  }
0x1dd: {  	v49 =	vld [tilespmem:$0x450];
	v1 =	vadd.f32 v43, v41;
	[tilespmem:$0x3B0] =	vst v44  }
0x1de: {  	v51 =	vld [tilespmem:$0x250];
	v48 =	vadd.f32 v57, v55;
	[tilespmem:$0x3C0] =	vst v46  }
0x1df: {  	v53 =	vld [tilespmem:$0x460];
	v50 =	vadd.f32 v61, v59;
	[tilespmem:$0x430] =	vst v1  }
0x1e0: {  	v55 =	vld [tilespmem:$0x260];
	v58 =	vadd.f32 v39, v37;
	[tilespmem:$0x3D0] =	vst v48  }
0x1e1: {  	v57 =	vld [tilespmem:$0x470];
	[tilespmem:$0x3E0] =	vst v50;
	v52 =	vadd.f32 v21, v63  }
0x1e2: {  	v59 =	vld [tilespmem:$0x270];
	[tilespmem:$0x420] =	vst v58;
	v54 =	vadd.f32 v25, v23  }
0x1e3: {  	v56 =	vadd.f32 v29, v27;
	[tilespmem:$0x3F0] =	vst v52  }
0x1e4: {  	v60 =	vadd.f32 v47, v45;
	[tilespmem:$0x400] =	vst v54  }
0x1e5: {  	v61 =	vadd.f32 v51, v49;
	[tilespmem:$0x410] =	vst v56  }
0x1e6: {  	[tilespmem:$0x440] =	vst v60;
	v62 =	vadd.f32 v55, v53  }
0x1e7: {  	[tilespmem:$0x450] =	vst v61;
	v63 =	vadd.f32 v59, v57  }
0x1e8: {  	[tilespmem:$0x460] =	vst v62  }
0x1e9: {  	s18 =	simm.s32 $0x280;
	[tilespmem:$0x470] =	vst v63  }
0x1ea: {  	[hbm4b:s13+s3] =	stream.linear.scatter [tilespmem:s18], [sflag:$0x9], $0x200, $0x38;
	[tilespmem:$0x19480] =	vst v63  }
0x1eb: {  	_ =	swait.ge [sflag:s21], $0x200  }
0x1ec: {  	[sflag:s21] =	ssyncset.done $0x0  }
0x1ed: {  	[sflag:s21] =	ssyncadd.s32 $0xFFFFFE00  }
0x1ee: {  	_ =	swait.ge [sflag:s31], $0xC80  }
0x1ef: {  	[sflag:s31] =	ssyncset.done $0x0  }
0x1f0: {  	[sflag:s31] =	ssyncadd.s32 $0xFFFFF380  }
0x1f1: {  	_ =	swait.ge [sflag:s0], $0xC80  }
0x1f2: {  	[sflag:s0] =	ssyncset.done $0x0  }
0x1f3: {  	s17 =	sadd.s32 $0x1, s17;
	[sflag:s0] =	ssyncadd.s32 $0xFFFFF380  }
0x1f4: {  	p0 =	sne.s32 s17, s14;
	_ =	swait.ge [sflag:s1], $0xC80  }
.Ltmp8:
0x1f5: {  	[sflag:s1] =	ssyncset.done $0x0;
	(pc) =	sbr.rel @p0 .LBB2_1-.Ltmp8, $4  }
0x1f6: {  	[sflag:s1] =	ssyncadd.s32 $0xFFFFF380  }
0x1f7: {  	_ =	swait.ge [sflag:s23], $0xC80  }
0x1f8: {  	[sflag:s23] =	ssyncset.done $0x0  }
0x1f9: {  	[sflag:s23] =	ssyncadd.s32 $0xFFFFF380  }
0x1fa: {  	_ =	sfence.sel $0x180000  }
0x1fb: {  	[bflag:$0x0] =	sbarrier.arrive $0xFFFF  }
0x1fc: {  	_ =	strace $0x90000047  }
0x1fd: {  	[bflag:$0x2] =	sbarrier.arrive $0xFFFF  }
0x1fe: {  	p0 =	sne.s32 s2, $0x0;
	s0 =	rddreg [dreg:$0x5]  }
0x1ff: {  	s0 =	sadd.s32 @!p0 $0x100000, s0  }
0x200: {  	[sflag:s0] =	ssyncadd.tile.s32 @!p0 $0x1;
	_ =	shalt  }
.Lfunc_end2:
_tile_overlayer_lowered:
.L_overlay_start_2:
0x201: {  	(tag) =	ssettag $0x2  }
0x202: {  	s0 =	rddreg [dreg:$0x0];
	s2 =	stileid.u32  }
0x203: {  	s1 =	rddreg [dreg:$0x1];
	p0 =	sne.s32 s2, $0x0  }
0x204: {  	s3 =	rddreg [dreg:$0x2];
	[bflag:$0x3] =	sbarrier.arrive $0xFFFF;
	s2 =	simm.s32 @!p0 $0x1C09  }
0x205: {  	[timem:s3], [sflag:s2] =	dma.local @!p0 [hbm:s0], s1  }
0x206: {  	s0 =	simm.s32 @!p0 $0x9  }
0x207: {  	_ =	swait.ge @!p0 [sflag:s0], s1  }
0x208: {  	s1 =	ssub.s32 @!p0 $0x0, s1;
	[sflag:s0] =	ssyncset.done @!p0 $0x0  }
0x209: {  	[sflag:s0] =	ssyncadd.s32 @!p0 s1  }
0x20a: {  	[bflag:$0x3] =	sbarrier.arrive $0xFFFF  }
0x20b: {  	_ =	shalt  }

</sc_bundles>
